<compile_context>
chip_gen: v7x
topology: tpu7x:2x2x1
jax: 0.10.2.dev20260603
libtpu: 0.0.44.dev20260713+nightly
codegen_flags: <defaults>
</compile_context>

<pallas_src>
import functools

import jax
import jax.numpy as jnp
from jax import lax
from jax.experimental import pallas as pl
from jax.experimental.pallas import tpu as pltpu
from jax.experimental.pallas import tpu_sc as plsc

_N = 10000
_NP = 10240
_E = 320000
_D = 128
_D_OUT = 64
_B = 4096

_INFO = plsc.get_sparse_core_info()
_NC, _NS = _INFO.num_cores, _INFO.num_subcores
_NW = _NC * _NS
_MESH = plsc.VectorSubcoreMesh(core_axis_name="c", subcore_axis_name="s")


_EPT = _NP
_K = 64
_CH = _EPT // _K
_HD = _D // 2


def _make_deg():
    k = _K
    rpt = _CH
    wpt = _NP // _NS

    @functools.partial(
        pl.kernel,
        out_type=(jax.ShapeDtypeStruct((_NP,), jnp.float32),
                  jax.ShapeDtypeStruct((_NP,), jnp.float32)),
        mesh=_MESH,
        scratch_types=[
            pltpu.VMEM((rpt, k), jnp.int32),
            pltpu.VMEM((k,), jnp.float32),
            pltpu.VMEM((wpt,), jnp.float32),
            pltpu.VMEM_SHARED((_NP,), jnp.float32),
            pltpu.SemaphoreType.DMA,
        ],
    )
    def deg_kernel(dst_hbm, out0_hbm, out1_hbm, idx_v, ones_v, zero_v, acc,
                   sem):
        c = lax.axis_index("c")
        s = lax.axis_index("s")
        wid = c * _NS + s
        pltpu.sync_copy(dst_hbm.at[wid], idx_v)

        def fill16(j, carry):
            ones_v[pl.ds(j * 16, 16)] = jnp.ones((16,), jnp.float32)
            return carry

        lax.fori_loop(0, k // 16, fill16, 0)

        def zfill(j, carry):
            zero_v[pl.ds(j * 16, 16)] = jnp.zeros((16,), jnp.float32)
            return carry

        lax.fori_loop(0, wpt // 16, zfill, 0)
        pltpu.sync_copy(zero_v, acc.at[pl.ds(s * wpt, wpt)])
        plsc.subcore_barrier()

        def body(i, carry):
            pltpu.async_copy(ones_v, acc.at[idx_v.at[i]], sem, add=True)
            return carry

        lax.fori_loop(0, rpt, body, 0)

        def drain(i, carry):
            pltpu.make_async_copy(ones_v, acc.at[idx_v.at[0]], sem).wait()
            return carry

        lax.fori_loop(0, rpt, drain, 0)
        plsc.subcore_barrier()

        @pl.when(c == 0)
        def _():
            pltpu.sync_copy(acc.at[pl.ds(s * wpt, wpt)],
                            out0_hbm.at[pl.ds(s * wpt, wpt)])

        @pl.when(c == 1)
        def _():
            pltpu.sync_copy(acc.at[pl.ds(s * wpt, wpt)],
                            out1_hbm.at[pl.ds(s * wpt, wpt)])

    return deg_kernel


_deg = _make_deg()


def _scale_body(deg0_ref, deg1_ref, x_ref, w_ref, out_ref):
    deg = deg0_ref[:, 0] + deg1_ref[:, 0] + 1.0
    dinv = lax.rsqrt(jnp.maximum(deg, 1e-12))
    h = jnp.dot(x_ref[...], w_ref[...], preferred_element_type=jnp.float32)
    row = (lax.broadcasted_iota(jnp.int32, (_BLK, 1), 0)
           + pl.program_id(0) * _BLK)
    out_ref[...] = jnp.where(row < _N, h * dinv[:, None], 0.0)


_BLK = 2048


def _scale(deg0, deg1, x, w):
    grid = _NP // _BLK
    return pl.pallas_call(
        _scale_body,
        out_shape=jax.ShapeDtypeStruct((_NP, _D), jnp.float32),
        grid=(grid,),
        in_specs=[
            pl.BlockSpec((_BLK, 1), lambda i: (i, 0)),
            pl.BlockSpec((_BLK, 1), lambda i: (i, 0)),
            pl.BlockSpec((_BLK, _D), lambda i: (i, 0)),
            pl.BlockSpec((_D, _D), lambda i: (0, 0)),
        ],
        out_specs=pl.BlockSpec((_BLK, _D), lambda i: (i, 0)),
    )(deg0, deg1, x, w)


def _make_edge_agg():
    k = _K
    ch = _CH
    nbuf = 5
    gen = ch // nbuf
    iw = 16
    spt = _NP // _NS

    @functools.partial(
        pl.kernel,
        out_type=jax.ShapeDtypeStruct((_NC, _NP, _D), jnp.float32),
        mesh=_MESH,
        scratch_types=[
            pltpu.VMEM((2, iw, k), jnp.int32),
            pltpu.VMEM((iw, k), jnp.int32),
            [pltpu.VMEM((k, _D), jnp.float32)] * nbuf,
            pltpu.VMEM_SHARED((_NP, _D), jnp.float32),
            [pltpu.SemaphoreType.DMA] * nbuf,
            [pltpu.SemaphoreType.DMA] * nbuf,
        ],
    )
    def edge_agg(scaled_hbm, src_hbm, dst_hbm, out_hbm, src_v, dst_v, rows_v,
                 acc, gsems, ssems):
        c = lax.axis_index("c")
        s = lax.axis_index("s")
        wid = c * _NS + s
        pltpu.sync_copy(src_hbm.at[wid, pl.ds(0, iw)], src_v.at[0])
        pltpu.sync_copy(dst_hbm.at[wid, pl.ds(0, iw)], dst_v)
        pltpu.sync_copy(scaled_hbm.at[pl.ds(s * spt, spt)],
                        acc.at[pl.ds(s * spt, spt)])
        for b in range(nbuf - 1):
            pltpu.async_copy(scaled_hbm.at[src_v.at[0, b]], rows_v[b],
                             gsems[b])
        plsc.subcore_barrier()

        def gwait(b):
            pltpu.make_async_copy(scaled_hbm.at[src_v.at[0, 0]],
                                  rows_v[b], gsems[b]).wait()

        def swait(b):
            pltpu.make_async_copy(rows_v[b], acc.at[dst_v.at[0]],
                                  ssems[b]).wait()

        def body(g, carry):
            for b in range(nbuf):
                i = g * nbuf + b
                pb = (b + nbuf - 1) % nbuf
                gwait(b)

                @pl.when(i > 0)
                def _():
                    swait(pb)

                @pl.when((i % iw == 0) & (i > 0))
                def _():
                    off = pl.multiple_of(i, iw)
                    pltpu.sync_copy(dst_hbm.at[wid, pl.ds(off, iw)], dst_v)

                pltpu.async_copy(rows_v[b], acc.at[dst_v.at[i % iw]],
                                 ssems[b], add=True)
                j = i + nbuf - 1

                @pl.when(j < ch)
                def _():
                    w = (j // iw) % 2

                    @pl.when(j % iw == 0)
                    def _():
                        off = pl.multiple_of(j, iw)
                        pltpu.sync_copy(src_hbm.at[wid, pl.ds(off, iw)],
                                        src_v.at[w])

                    pltpu.async_copy(scaled_hbm.at[src_v.at[w, j % iw]],
                                     rows_v[pb], gsems[pb])

            return carry

        lax.fori_loop(0, gen, body, 0)
        swait((ch - 1) % nbuf)
        plsc.subcore_barrier()
        pltpu.sync_copy(acc.at[pl.ds(s * spt, spt)],
                        out_hbm.at[c, pl.ds(s * spt, spt)])

    return edge_agg


_edge_agg = _make_edge_agg()


def _combine_body(p_ref, scaled_ref, deg0_ref, deg1_ref, b_ref, out_ref):
    deg = deg0_ref[:, 0] + deg1_ref[:, 0] + 1.0
    dinv = lax.rsqrt(jnp.maximum(deg, 1e-12))
    msum = p_ref[0] + p_ref[1] - scaled_ref[...]
    out_ref[...] = jnp.maximum(dinv[:, None] * msum + b_ref[...], 0.0)


def _combine(partials, scaled_p, deg0, deg1, b_gcn2):
    grid = _NP // _BLK
    return pl.pallas_call(
        _combine_body,
        out_shape=jax.ShapeDtypeStruct((_NP, _D), jnp.float32),
        grid=(grid,),
        in_specs=[
            pl.BlockSpec((_NC, _BLK, _D), lambda i: (0, i, 0)),
            pl.BlockSpec((_BLK, _D), lambda i: (i, 0)),
            pl.BlockSpec((_BLK, 1), lambda i: (i, 0)),
            pl.BlockSpec((_BLK, 1), lambda i: (i, 0)),
            pl.BlockSpec((1, _D), lambda i: (0, 0)),
        ],
        out_specs=pl.BlockSpec((_BLK, _D), lambda i: (i, 0)),
    )(partials, scaled_p, deg0, deg1, b_gcn2)


def _make_gather():
    nb = 3 * _B
    k = 128
    rows_all = nb // k
    rpt = rows_all // _NW

    @functools.partial(
        pl.kernel,
        out_type=jax.ShapeDtypeStruct((rows_all, k, _D), jnp.float32),
        mesh=_MESH,
        scratch_types=[
            pltpu.VMEM((rpt, k), jnp.int32),
            pltpu.VMEM((rpt, k, _D), jnp.float32),
            pltpu.SemaphoreType.DMA,
        ],
    )
    def gather_kernel(gcn_hbm, idx_hbm, out_hbm, idx_v, rows_v, sem):
        c = lax.axis_index("c")
        s = lax.axis_index("s")
        wid = c * _NS + s
        pltpu.sync_copy(idx_hbm.at[wid], idx_v)
        for j in range(rpt):
            pltpu.async_copy(gcn_hbm.at[idx_v.at[j]], rows_v.at[j], sem)
        for j in range(rpt):
            pltpu.make_async_copy(gcn_hbm.at[idx_v.at[j]], rows_v.at[j],
                                  sem).wait()
        pltpu.sync_copy(rows_v, out_hbm.at[pl.ds(wid * rpt, rpt)])

    return gather_kernel


_gather = _make_gather()


_MBLK = 2048
_MGRID = _B // _MBLK


def _mlp_loss_body(z_ref, w1_ref, b1_ref, w2_ref, b2_ref, out_ref):
    g = pl.program_id(0)
    zs = z_ref[...]
    z = zs.reshape(3 * _MBLK, _D)
    h1 = jnp.dot(z, w1_ref[...], preferred_element_type=jnp.float32)
    h1 = jnp.maximum(h1 + b1_ref[...], 0.0)
    o = jnp.dot(h1, w2_ref[...], preferred_element_type=jnp.float32)
    o = o + b2_ref[...]
    a = o[0:_MBLK]
    p = o[_MBLK:2 * _MBLK]
    n = o[2 * _MBLK:3 * _MBLK]
    eps = 1e-6
    d_ap = jnp.sqrt(jnp.sum((a - p + eps) ** 2, axis=1))
    d_an = jnp.sqrt(jnp.sum((a - n + eps) ** 2, axis=1))
    part = jnp.sum(jnp.maximum(d_ap - d_an + 1.0, 0.0)) * (1.0 / _B)

    @pl.when(g == 0)
    def _():
        out_ref[...] = jnp.zeros((1, 1), jnp.float32)

    out_ref[...] += part.reshape(1, 1)


def _mlp_loss(z3, w1, b1_2, w2, b2_2):
    return pl.pallas_call(
        _mlp_loss_body,
        out_shape=jax.ShapeDtypeStruct((1, 1), jnp.float32),
        grid=(_MGRID,),
        in_specs=[
            pl.BlockSpec((3, _MBLK, _D), lambda g: (0, g, 0)),
            pl.BlockSpec((_D, _D), lambda g: (0, 0)),
            pl.BlockSpec((1, _D), lambda g: (0, 0)),
            pl.BlockSpec((_D, _D_OUT), lambda g: (0, 0)),
            pl.BlockSpec((1, _D_OUT), lambda g: (0, 0)),
        ],
        out_specs=pl.BlockSpec((1, 1), lambda g: (0, 0)),
    )(z3, w1, b1_2, w2, b2_2)


def kernel(x, W_gcn, b_gcn, W1, b1, W2, b2, edge_index,
           anchor_idx, positive_idx, negative_idx):
    ept = _E // _NW
    srcm = edge_index[0].reshape(_NW, ept)
    dstm = edge_index[1].reshape(_NW, ept)
    pad = jnp.broadcast_to(
        jnp.arange(_N, _N + _EPT - ept, dtype=jnp.int32), (_NW, _EPT - ept))
    src4 = jnp.concatenate([srcm, pad], axis=1).reshape(_NW, _CH, _K)
    dst4 = jnp.concatenate([dstm, pad], axis=1).reshape(_NW, _CH, _K)
    deg0, deg1 = _deg(dst4)
    deg0 = deg0.reshape(_NP, 1)
    deg1 = deg1.reshape(_NP, 1)
    scaled_p = _scale(deg0, deg1, x, W_gcn)
    partials = _edge_agg(scaled_p, src4, dst4)
    gcn = _combine(partials, scaled_p, deg0, deg1, b_gcn.reshape(1, _D))
    idx3 = jnp.concatenate([anchor_idx, positive_idx, negative_idx])
    z3 = _gather(gcn, idx3.reshape(_NW, 3, 128)).reshape(3, _B, _D)
    loss = _mlp_loss(z3, W1, b1.reshape(1, _D), W2, b2.reshape(1, _D_OUT))
    return loss[0, 0]

# --- scband reference (transcript-rebuilt; emitter-appended) ---
"""Pipeline reference for scband-gcnmlptriplet-loss-model-53523882443690 (READ-ONLY COPY).

The authoritative reference and input builder live on the scoring server;
editing this copy changes nothing except your own understanding.
"""

import jax, jax.numpy as jnp
import numpy as np

N = 10000
E = 320000
D_IN = 128
D_GCN = 128
D_H = 128
D_OUT = 64
B = 4096


def setup_inputs(seed: int = 0) -> dict:
    key = jax.random.key(seed)
    ks = jax.random.split(key, 12)
    x = jax.random.normal(ks[0], (N, D_IN), dtype=jnp.float32)
    edge_index = jax.random.randint(ks[1], (2, E), 0, N, dtype=jnp.int32)
    anchor_idx = jax.random.randint(ks[2], (B,), 0, N, dtype=jnp.int32)
    positive_idx = jax.random.randint(ks[3], (B,), 0, N, dtype=jnp.int32)
    negative_idx = jax.random.randint(ks[4], (B,), 0, N, dtype=jnp.int32)
    W_gcn = jax.random.normal(ks[5], (D_IN, D_GCN), dtype=jnp.float32) * (1.0 / np.sqrt(D_IN))
    b_gcn = jnp.zeros((D_GCN,), dtype=jnp.float32)
    W1 = jax.random.normal(ks[6], (D_GCN, D_H), dtype=jnp.float32) * (1.0 / np.sqrt(D_GCN))
    b1 = jnp.zeros((D_H,), dtype=jnp.float32)
    W2 = jax.random.normal(ks[7], (D_H, D_OUT), dtype=jnp.float32) * (1.0 / np.sqrt(D_H))
    b2 = jnp.zeros((D_OUT,), dtype=jnp.float32)
    return {"x": x, "W_gcn": W_gcn, "b_gcn": b_gcn, "W1": W1, "b1": b1,
            "W2": W2, "b2": b2, "edge_index": edge_index,
            "anchor_idx": anchor_idx, "positive_idx": positive_idx,
            "negative_idx": negative_idx}


def reference(x, W_gcn, b_gcn, W1, b1, W2, b2, edge_index,
              anchor_idx, positive_idx, negative_idx):
    # --- GCNConv (with self-loops and symmetric normalization) ---
    src = edge_index[0]
    dst = edge_index[1]
    loop = jnp.arange(N, dtype=src.dtype)
    src = jnp.concatenate([src, loop])
    dst = jnp.concatenate([dst, loop])
    ones = jnp.ones(src.shape[0], dtype=x.dtype)
    deg = jax.ops.segment_sum(ones, dst, num_segments=N)
    dinv = jax.lax.rsqrt(jnp.maximum(deg, 1e-12))
    norm = dinv[src] * dinv[dst]
    h = x @ W_gcn
    msg = h[src] * norm[:, None]
    gcn_out = jax.ops.segment_sum(msg, dst, num_segments=N) + b_gcn
    gcn_out = jax.nn.relu(gcn_out)
    # --- triplet gathers ---
    a = gcn_out[anchor_idx]
    p = gcn_out[positive_idx]
    n = gcn_out[negative_idx]
    # --- shared MLP: Linear -> ReLU -> Linear ---
    def mlp(z):
        return jax.nn.relu(z @ W1 + b1) @ W2 + b2
    a = mlp(a)
    p = mlp(p)
    n = mlp(n)
    # --- triplet margin loss (p=2, eps=1e-6, margin=1.0, mean reduction) ---
    eps = 1e-6
    d_ap = jnp.sqrt(jnp.sum((a - p + eps) ** 2, axis=1))
    d_an = jnp.sqrt(jnp.sum((a - n + eps) ** 2, axis=1))
    loss = jnp.mean(jax.nn.relu(d_ap - d_an + 1.0))
    return loss

if __name__ == "__main__":
    import jax
    _d = setup_inputs()
    print(jax.jit(kernel)(*tuple(_d.values())))

</pallas_src>

<mosaic_0001>
#map = affine_map<(d0, d1) -> (0, 0, 0)>
#map1 = affine_map<(d0, d1) -> (0)>
module attributes {stable_mosaic.version = 14 : i64} {
  func.func @deg_kernel(%arg0: i32, %arg1: i32, %arg2: memref<32x160x64xi32, #tpu.memory_space<hbm>>, %arg3: memref<10240xf32, #tpu.memory_space<hbm>>, %arg4: memref<10240xf32, #tpu.memory_space<hbm>>, %arg5: memref<160x64xi32, #tpu.memory_space<vmem>>, %arg6: memref<64xf32, #tpu.memory_space<vmem>>, %arg7: memref<640xf32, #tpu.memory_space<vmem>>, %arg8: memref<10240xf32, #tpu.memory_space<vmem_shared>>, %arg9: memref<!tpu.dma_semaphore, #tpu.memory_space<semaphore_mem>>) attributes {dimension_semantics = [#tpu.dimension_semantics<core_parallel>, #tpu.dimension_semantics<subcore_parallel>], iteration_bounds = array<i64: 2, 16>, scalar_prefetch = 0 : i64, scratch_operands = 5 : i64, tpu.core_type = #tpu.core_type<sc_vector_subcore>, window_params = [{transform_indices = #map}, {transform_indices = #map1}, {transform_indices = #map1}]} {
    %mul3A = arith.constant 16 : i32
    %mul3A_0 = arith.muli %arg0, %mul3A : i32
    %add3A = arith.addi %mul3A_0, %arg1 : i32
    "tpu.region"() ({
      %run_scoped3A = tpu.sem_alloc : memref<!tpu.dma_semaphore, #tpu.memory_space<semaphore_mem>>
      %dma_start3A = arith.constant 0 : i32
      %dma_start3A_34 = arith.constant 0 : i32
      %dma_start3A_35 = tpu.memref_slice %arg2[%add3A, %dma_start3A, %dma_start3A_34] : memref<32x160x64xi32, #tpu.memory_space<hbm>> -> memref<1x160x64xi32, #tpu.memory_space<hbm>>
      %dma_start3A_36 = tpu.memref_squeeze %dma_start3A_35 : memref<1x160x64xi32, #tpu.memory_space<hbm>> -> memref<160x64xi32, #tpu.memory_space<hbm>>
      %dma_start3A_37 = arith.constant 0 : i32
      %dma_start3A_38 = arith.constant 0 : i32
      %dma_start3A_39 = tpu.memref_slice %arg2[%add3A, %dma_start3A_37, %dma_start3A_38] : memref<32x160x64xi32, #tpu.memory_space<hbm>> -> memref<1x160x64xi32, #tpu.memory_space<hbm>>
      %dma_start3A_40 = tpu.memref_squeeze %dma_start3A_39 : memref<1x160x64xi32, #tpu.memory_space<hbm>> -> memref<160x64xi32, #tpu.memory_space<hbm>>
      tpu.enqueue_dma source(%dma_start3A_40 : memref<160x64xi32, #tpu.memory_space<hbm>>) target(%arg5 : memref<160x64xi32, #tpu.memory_space<vmem>>) target_semaphore(%run_scoped3A : memref<!tpu.dma_semaphore, #tpu.memory_space<semaphore_mem>>)
      %dma_wait3A = arith.constant 0 : i32
      %dma_wait3A_41 = arith.constant 0 : i32
      %dma_wait3A_42 = tpu.memref_slice %arg2[%add3A, %dma_wait3A, %dma_wait3A_41] : memref<32x160x64xi32, #tpu.memory_space<hbm>> -> memref<1x160x64xi32, #tpu.memory_space<hbm>>
      %dma_wait3A_43 = tpu.memref_squeeze %dma_wait3A_42 : memref<1x160x64xi32, #tpu.memory_space<hbm>> -> memref<160x64xi32, #tpu.memory_space<hbm>>
      %dma_wait3A_44 = arith.constant 0 : i32
      %dma_wait3A_45 = arith.constant 0 : i32
      %dma_wait3A_46 = tpu.memref_slice %arg2[%add3A, %dma_wait3A_44, %dma_wait3A_45] : memref<32x160x64xi32, #tpu.memory_space<hbm>> -> memref<1x160x64xi32, #tpu.memory_space<hbm>>
      %dma_wait3A_47 = tpu.memref_squeeze %dma_wait3A_46 : memref<1x160x64xi32, #tpu.memory_space<hbm>> -> memref<160x64xi32, #tpu.memory_space<hbm>>
      tpu.wait_dma2 semaphore(%run_scoped3A : memref<!tpu.dma_semaphore, #tpu.memory_space<semaphore_mem>>) src(%dma_wait3A_47 : memref<160x64xi32, #tpu.memory_space<hbm>>) dst(%arg5 : memref<160x64xi32, #tpu.memory_space<vmem>>)
      tpu.yield
    }) : () -> ()
    %scan3A = arith.constant 0 : i32
    %scan3A_1 = arith.constant 0 : i32
    %scan3A_2 = arith.constant 4 : i32
    %scan3A_3 = arith.addi %scan3A_1, %scan3A_2 : i32
    %scan3A_4 = arith.constant 1 : i32
    scf.for %scan3A_34 = %scan3A_1 to %scan3A_3 step %scan3A_4  : i32 {
      %broadcast_in_dim3A = arith.constant 1.000000e+00 : f32
      %broadcast_in_dim3A_35 = vector.broadcast %broadcast_in_dim3A : f32 to vector<16xf32>
      %mul3A_36 = arith.constant 16 : i32
      %mul3A_37 = arith.muli %scan3A_34, %mul3A_36 : i32
      %swap3A = arith.index_cast %mul3A_37 : i32 to index
      %swap3A_38 = tpu.vector_load %arg6[%swap3A] {strides = array<i32>} : memref<64xf32, #tpu.memory_space<vmem>>, vector<16xf32>,
      %swap3A_39 = vector.shape_cast %swap3A_38 : vector<16xf32> to vector<16xf32>
      %swap3A_40 = vector.shape_cast %broadcast_in_dim3A_35 : vector<16xf32> to vector<16xf32>
      tpu.vector_store %arg6[%swap3A], %swap3A_40 {strides = array<i32>} : memref<64xf32, #tpu.memory_space<vmem>>, vector<16xf32>,
    }
    %scan3A_5 = arith.constant 4 : i32
    %scan3A_6 = arith.constant 0 : i32
    %scan3A_7 = arith.constant 0 : i32
    %scan3A_8 = arith.constant 40 : i32
    %scan3A_9 = arith.addi %scan3A_7, %scan3A_8 : i32
    %scan3A_10 = arith.constant 1 : i32
    scf.for %scan3A_34 = %scan3A_7 to %scan3A_9 step %scan3A_10  : i32 {
      %broadcast_in_dim3A = arith.constant 0.000000e+00 : f32
      %broadcast_in_dim3A_35 = vector.broadcast %broadcast_in_dim3A : f32 to vector<16xf32>
      %mul3A_36 = arith.constant 16 : i32
      %mul3A_37 = arith.muli %scan3A_34, %mul3A_36 : i32
      %swap3A = arith.index_cast %mul3A_37 : i32 to index
      %swap3A_38 = tpu.vector_load %arg7[%swap3A] {strides = array<i32>} : memref<640xf32, #tpu.memory_space<vmem>>, vector<16xf32>,
      %swap3A_39 = vector.shape_cast %swap3A_38 : vector<16xf32> to vector<16xf32>
      %swap3A_40 = vector.shape_cast %broadcast_in_dim3A_35 : vector<16xf32> to vector<16xf32>
      tpu.vector_store %arg7[%swap3A], %swap3A_40 {strides = array<i32>} : memref<640xf32, #tpu.memory_space<vmem>>, vector<16xf32>,
    }
    %scan3A_11 = arith.constant 40 : i32
    %mul3A_12 = arith.constant 640 : i32
    %mul3A_13 = arith.muli %arg1, %mul3A_12 : i32
    "tpu.region"() ({
      %run_scoped3A = tpu.sem_alloc : memref<!tpu.dma_semaphore, #tpu.memory_space<semaphore_mem>>
      %dma_start3A = tpu.memref_slice %arg8[%mul3A_13] : memref<10240xf32, #tpu.memory_space<vmem_shared>> -> memref<640xf32, #tpu.memory_space<vmem_shared>>
      %dma_start3A_34 = tpu.memref_slice %arg8[%mul3A_13] : memref<10240xf32, #tpu.memory_space<vmem_shared>> -> memref<640xf32, #tpu.memory_space<vmem_shared>>
      tpu.enqueue_dma source(%arg7 : memref<640xf32, #tpu.memory_space<vmem>>) target(%dma_start3A_34 : memref<640xf32, #tpu.memory_space<vmem_shared>>) target_semaphore(%run_scoped3A : memref<!tpu.dma_semaphore, #tpu.memory_space<semaphore_mem>>)
      %dma_wait3A = tpu.memref_slice %arg8[%mul3A_13] : memref<10240xf32, #tpu.memory_space<vmem_shared>> -> memref<640xf32, #tpu.memory_space<vmem_shared>>
      %dma_wait3A_35 = tpu.memref_slice %arg8[%mul3A_13] : memref<10240xf32, #tpu.memory_space<vmem_shared>> -> memref<640xf32, #tpu.memory_space<vmem_shared>>
      tpu.wait_dma2 semaphore(%run_scoped3A : memref<!tpu.dma_semaphore, #tpu.memory_space<semaphore_mem>>) src(%arg7 : memref<640xf32, #tpu.memory_space<vmem>>) dst(%dma_wait3A_35 : memref<640xf32, #tpu.memory_space<vmem_shared>>)
      tpu.yield
    }) : () -> ()
    %barrier3A = arith.constant 0 : index
    tpu.barrier barrier_id(%barrier3A)
    %scan3A_14 = arith.constant 0 : i32
    %scan3A_15 = arith.constant 0 : i32
    %scan3A_16 = arith.constant 160 : i32
    %scan3A_17 = arith.addi %scan3A_15, %scan3A_16 : i32
    %scan3A_18 = arith.constant 1 : i32
    scf.for %scan3A_34 = %scan3A_15 to %scan3A_17 step %scan3A_18  : i32 {
      %dma_start3A = arith.constant 0 : i32
      %dma_start3A_35 = tpu.memref_slice %arg5[%scan3A_34, %dma_start3A] : memref<160x64xi32, #tpu.memory_space<vmem>> -> memref<1x64xi32, #tpu.memory_space<vmem>>
      %dma_start3A_36 = tpu.memref_squeeze %dma_start3A_35 : memref<1x64xi32, #tpu.memory_space<vmem>> -> memref<64xi32, #tpu.memory_space<vmem>>
      %dma_start3A_37 = arith.constant 0 : i32
      %dma_start3A_38 = tpu.memref_slice %arg8[%dma_start3A_37] : memref<10240xf32, #tpu.memory_space<vmem_shared>> -> memref<10240xf32, #tpu.memory_space<vmem_shared>>
      tpu.enqueue_indirect_dma source(%arg6 : memref<64xf32, #tpu.memory_space<vmem>>) target(%dma_start3A_38 : memref<10240xf32, #tpu.memory_space<vmem_shared>>) offsets(%dma_start3A_36 : memref<64xi32, #tpu.memory_space<vmem>>) semaphore(%arg9 : memref<!tpu.dma_semaphore, #tpu.memory_space<semaphore_mem>>) {add = true}
    }
    %scan3A_19 = arith.constant 160 : i32
    %scan3A_20 = arith.constant 0 : i32
    %scan3A_21 = arith.constant 0 : i32
    %scan3A_22 = arith.constant 160 : i32
    %scan3A_23 = arith.addi %scan3A_21, %scan3A_22 : i32
    %scan3A_24 = arith.constant 1 : i32
    scf.for %scan3A_34 = %scan3A_21 to %scan3A_23 step %scan3A_24  : i32 {
      %dma_wait3A = arith.constant 0 : i32
      %dma_wait3A_35 = arith.constant 0 : i32
      %dma_wait3A_36 = tpu.memref_slice %arg5[%dma_wait3A, %dma_wait3A_35] : memref<160x64xi32, #tpu.memory_space<vmem>> -> memref<1x64xi32, #tpu.memory_space<vmem>>
      %dma_wait3A_37 = tpu.memref_squeeze %dma_wait3A_36 : memref<1x64xi32, #tpu.memory_space<vmem>> -> memref<64xi32, #tpu.memory_space<vmem>>
      %dma_wait3A_38 = arith.constant 0 : i32
      %dma_wait3A_39 = tpu.memref_slice %arg8[%dma_wait3A_38] : memref<10240xf32, #tpu.memory_space<vmem_shared>> -> memref<10240xf32, #tpu.memory_space<vmem_shared>>
      tpu.wait_indirect_dma semaphore(%arg9 : memref<!tpu.dma_semaphore, #tpu.memory_space<semaphore_mem>>) src(%arg6 : memref<64xf32, #tpu.memory_space<vmem>>) dst(%dma_wait3A_39 : memref<10240xf32, #tpu.memory_space<vmem_shared>>)
    }
    %scan3A_25 = arith.constant 160 : i32
    %barrier3A_26 = arith.constant 0 : index
    tpu.barrier barrier_id(%barrier3A_26)
    %eq3A = arith.constant 0 : i32
    %eq3A_27 = arith.cmpi eq, %arg0, %eq3A : i32
    %convert_element_type3A = arith.extui %eq3A_27 : i1 to i32
    %cond3A = arith.constant 0 : i32
    %cond3A_28 = arith.cmpi ne, %convert_element_type3A, %cond3A : i32
    scf.if %cond3A_28 {
      %mul3A_34 = arith.constant 640 : i32
      %mul3A_35 = arith.muli %arg1, %mul3A_34 : i32
      %mul3A_36 = arith.constant 640 : i32
      %mul3A_37 = arith.muli %arg1, %mul3A_36 : i32
      "tpu.region"() ({
        %run_scoped3A = tpu.sem_alloc : memref<!tpu.dma_semaphore, #tpu.memory_space<semaphore_mem>>
        %dma_start3A = tpu.memref_slice %arg3[%mul3A_37] : memref<10240xf32, #tpu.memory_space<hbm>> -> memref<640xf32, #tpu.memory_space<hbm>>
        %dma_start3A_38 = tpu.memref_slice %arg8[%mul3A_35] : memref<10240xf32, #tpu.memory_space<vmem_shared>> -> memref<640xf32, #tpu.memory_space<vmem_shared>>
        tpu.enqueue_dma source(%dma_start3A_38 : memref<640xf32, #tpu.memory_space<vmem_shared>>) target(%dma_start3A : memref<640xf32, #tpu.memory_space<hbm>>) target_semaphore(%run_scoped3A : memref<!tpu.dma_semaphore, #tpu.memory_space<semaphore_mem>>)
        %dma_wait3A = tpu.memref_slice %arg3[%mul3A_37] : memref<10240xf32, #tpu.memory_space<hbm>> -> memref<640xf32, #tpu.memory_space<hbm>>
        %dma_wait3A_39 = tpu.memref_slice %arg8[%mul3A_35] : memref<10240xf32, #tpu.memory_space<vmem_shared>> -> memref<640xf32, #tpu.memory_space<vmem_shared>>
        tpu.wait_dma2 semaphore(%run_scoped3A : memref<!tpu.dma_semaphore, #tpu.memory_space<semaphore_mem>>) src(%dma_wait3A_39 : memref<640xf32, #tpu.memory_space<vmem_shared>>) dst(%dma_wait3A : memref<640xf32, #tpu.memory_space<hbm>>)
        tpu.yield
      }) : () -> ()
    } else {
    }
    %eq3A_29 = arith.constant 1 : i32
    %eq3A_30 = arith.cmpi eq, %arg0, %eq3A_29 : i32
    %convert_element_type3A_31 = arith.extui %eq3A_30 : i1 to i32
    %cond3A_32 = arith.constant 0 : i32
    %cond3A_33 = arith.cmpi ne, %convert_element_type3A_31, %cond3A_32 : i32
    scf.if %cond3A_33 {
      %mul3A_34 = arith.constant 640 : i32
      %mul3A_35 = arith.muli %arg1, %mul3A_34 : i32
      %mul3A_36 = arith.constant 640 : i32
      %mul3A_37 = arith.muli %arg1, %mul3A_36 : i32
      "tpu.region"() ({
        %run_scoped3A = tpu.sem_alloc : memref<!tpu.dma_semaphore, #tpu.memory_space<semaphore_mem>>
        %dma_start3A = tpu.memref_slice %arg4[%mul3A_37] : memref<10240xf32, #tpu.memory_space<hbm>> -> memref<640xf32, #tpu.memory_space<hbm>>
        %dma_start3A_38 = tpu.memref_slice %arg8[%mul3A_35] : memref<10240xf32, #tpu.memory_space<vmem_shared>> -> memref<640xf32, #tpu.memory_space<vmem_shared>>
        tpu.enqueue_dma source(%dma_start3A_38 : memref<640xf32, #tpu.memory_space<vmem_shared>>) target(%dma_start3A : memref<640xf32, #tpu.memory_space<hbm>>) target_semaphore(%run_scoped3A : memref<!tpu.dma_semaphore, #tpu.memory_space<semaphore_mem>>)
        %dma_wait3A = tpu.memref_slice %arg4[%mul3A_37] : memref<10240xf32, #tpu.memory_space<hbm>> -> memref<640xf32, #tpu.memory_space<hbm>>
        %dma_wait3A_39 = tpu.memref_slice %arg8[%mul3A_35] : memref<10240xf32, #tpu.memory_space<vmem_shared>> -> memref<640xf32, #tpu.memory_space<vmem_shared>>
        tpu.wait_dma2 semaphore(%run_scoped3A : memref<!tpu.dma_semaphore, #tpu.memory_space<semaphore_mem>>) src(%dma_wait3A_39 : memref<640xf32, #tpu.memory_space<vmem_shared>>) dst(%dma_wait3A : memref<640xf32, #tpu.memory_space<hbm>>)
        tpu.yield
      }) : () -> ()
    } else {
    }
    return
  }
}

#map = affine_map<(d0, d1) -> (0, 0)>
#map1 = affine_map<(d0, d1) -> (0, 0, 0)>
module attributes {stable_mosaic.version = 14 : i64} {
  func.func @edge_agg(%arg0: i32, %arg1: i32, %arg2: memref<10240x128xf32, #tpu.memory_space<hbm>>, %arg3: memref<32x160x64xi32, #tpu.memory_space<hbm>>, %arg4: memref<32x160x64xi32, #tpu.memory_space<hbm>>, %arg5: memref<2x10240x128xf32, #tpu.memory_space<hbm>>, %arg6: memref<2x16x64xi32, #tpu.memory_space<vmem>>, %arg7: memref<16x64xi32, #tpu.memory_space<vmem>>, %arg8: memref<64x128xf32, #tpu.memory_space<vmem>>, %arg9: memref<64x128xf32, #tpu.memory_space<vmem>>, %arg10: memref<64x128xf32, #tpu.memory_space<vmem>>, %arg11: memref<64x128xf32, #tpu.memory_space<vmem>>, %arg12: memref<64x128xf32, #tpu.memory_space<vmem>>, %arg13: memref<10240x128xf32, #tpu.memory_space<vmem_shared>>, %arg14: memref<!tpu.dma_semaphore, #tpu.memory_space<semaphore_mem>>, %arg15: memref<!tpu.dma_semaphore, #tpu.memory_space<semaphore_mem>>, %arg16: memref<!tpu.dma_semaphore, #tpu.memory_space<semaphore_mem>>, %arg17: memref<!tpu.dma_semaphore, #tpu.memory_space<semaphore_mem>>, %arg18: memref<!tpu.dma_semaphore, #tpu.memory_space<semaphore_mem>>, %arg19: memref<!tpu.dma_semaphore, #tpu.memory_space<semaphore_mem>>, %arg20: memref<!tpu.dma_semaphore, #tpu.memory_space<semaphore_mem>>, %arg21: memref<!tpu.dma_semaphore, #tpu.memory_space<semaphore_mem>>, %arg22: memref<!tpu.dma_semaphore, #tpu.memory_space<semaphore_mem>>, %arg23: memref<!tpu.dma_semaphore, #tpu.memory_space<semaphore_mem>>) attributes {dimension_semantics = [#tpu.dimension_semantics<core_parallel>, #tpu.dimension_semantics<subcore_parallel>], iteration_bounds = array<i64: 2, 16>, scalar_prefetch = 0 : i64, scratch_operands = 18 : i64, tpu.core_type = #tpu.core_type<sc_vector_subcore>, window_params = [{transform_indices = #map}, {transform_indices = #map1}, {transform_indices = #map1}, {transform_indices = #map1}]} {
    %mul3A = arith.constant 16 : i32
    %mul3A_0 = arith.muli %arg0, %mul3A : i32
    %add3A = arith.addi %mul3A_0, %arg1 : i32
    %run_scoped3A = arith.constant 0 : i32
    "tpu.region"() ({
      %run_scoped3A_52 = tpu.sem_alloc : memref<!tpu.dma_semaphore, #tpu.memory_space<semaphore_mem>>
      %dma_start3A_53 = arith.constant 0 : i32
      %dma_start3A_54 = arith.constant 0 : i32
      %dma_start3A_55 = tpu.memref_slice %arg6[%run_scoped3A, %dma_start3A_53, %dma_start3A_54] : memref<2x16x64xi32, #tpu.memory_space<vmem>> -> memref<1x16x64xi32, #tpu.memory_space<vmem>>
      %dma_start3A_56 = tpu.memref_squeeze %dma_start3A_55 : memref<1x16x64xi32, #tpu.memory_space<vmem>> -> memref<16x64xi32, #tpu.memory_space<vmem>>
      %dma_start3A_57 = arith.constant 0 : i32
      %dma_start3A_58 = arith.constant 0 : i32
      %dma_start3A_59 = tpu.memref_slice %arg3[%add3A, %dma_start3A_57, %dma_start3A_58] : memref<32x160x64xi32, #tpu.memory_space<hbm>> -> memref<1x16x64xi32, #tpu.memory_space<hbm>>
      %dma_start3A_60 = tpu.memref_squeeze %dma_start3A_59 : memref<1x16x64xi32, #tpu.memory_space<hbm>> -> memref<16x64xi32, #tpu.memory_space<hbm>>
      %dma_start3A_61 = arith.constant 0 : i32
      %dma_start3A_62 = arith.constant 0 : i32
      %dma_start3A_63 = tpu.memref_slice %arg6[%run_scoped3A, %dma_start3A_61, %dma_start3A_62] : memref<2x16x64xi32, #tpu.memory_space<vmem>> -> memref<1x16x64xi32, #tpu.memory_space<vmem>>
      %dma_start3A_64 = tpu.memref_squeeze %dma_start3A_63 : memref<1x16x64xi32, #tpu.memory_space<vmem>> -> memref<16x64xi32, #tpu.memory_space<vmem>>
      %dma_start3A_65 = arith.constant 0 : i32
      %dma_start3A_66 = arith.constant 0 : i32
      %dma_start3A_67 = tpu.memref_slice %arg3[%add3A, %dma_start3A_65, %dma_start3A_66] : memref<32x160x64xi32, #tpu.memory_space<hbm>> -> memref<1x16x64xi32, #tpu.memory_space<hbm>>
      %dma_start3A_68 = tpu.memref_squeeze %dma_start3A_67 : memref<1x16x64xi32, #tpu.memory_space<hbm>> -> memref<16x64xi32, #tpu.memory_space<hbm>>
      tpu.enqueue_dma source(%dma_start3A_68 : memref<16x64xi32, #tpu.memory_space<hbm>>) target(%dma_start3A_64 : memref<16x64xi32, #tpu.memory_space<vmem>>) target_semaphore(%run_scoped3A_52 : memref<!tpu.dma_semaphore, #tpu.memory_space<semaphore_mem>>)
      %dma_wait3A_69 = arith.constant 0 : i32
      %dma_wait3A_70 = arith.constant 0 : i32
      %dma_wait3A_71 = tpu.memref_slice %arg6[%run_scoped3A, %dma_wait3A_69, %dma_wait3A_70] : memref<2x16x64xi32, #tpu.memory_space<vmem>> -> memref<1x16x64xi32, #tpu.memory_space<vmem>>
      %dma_wait3A_72 = tpu.memref_squeeze %dma_wait3A_71 : memref<1x16x64xi32, #tpu.memory_space<vmem>> -> memref<16x64xi32, #tpu.memory_space<vmem>>
      %dma_wait3A_73 = arith.constant 0 : i32
      %dma_wait3A_74 = arith.constant 0 : i32
      %dma_wait3A_75 = tpu.memref_slice %arg3[%add3A, %dma_wait3A_73, %dma_wait3A_74] : memref<32x160x64xi32, #tpu.memory_space<hbm>> -> memref<1x16x64xi32, #tpu.memory_space<hbm>>
      %dma_wait3A_76 = tpu.memref_squeeze %dma_wait3A_75 : memref<1x16x64xi32, #tpu.memory_space<hbm>> -> memref<16x64xi32, #tpu.memory_space<hbm>>
      %dma_wait3A_77 = arith.constant 0 : i32
      %dma_wait3A_78 = arith.constant 0 : i32
      %dma_wait3A_79 = tpu.memref_slice %arg6[%run_scoped3A, %dma_wait3A_77, %dma_wait3A_78] : memref<2x16x64xi32, #tpu.memory_space<vmem>> -> memref<1x16x64xi32, #tpu.memory_space<vmem>>
      %dma_wait3A_80 = tpu.memref_squeeze %dma_wait3A_79 : memref<1x16x64xi32, #tpu.memory_space<vmem>> -> memref<16x64xi32, #tpu.memory_space<vmem>>
      %dma_wait3A_81 = arith.constant 0 : i32
      %dma_wait3A_82 = arith.constant 0 : i32
      %dma_wait3A_83 = tpu.memref_slice %arg3[%add3A, %dma_wait3A_81, %dma_wait3A_82] : memref<32x160x64xi32, #tpu.memory_space<hbm>> -> memref<1x16x64xi32, #tpu.memory_space<hbm>>
      %dma_wait3A_84 = tpu.memref_squeeze %dma_wait3A_83 : memref<1x16x64xi32, #tpu.memory_space<hbm>> -> memref<16x64xi32, #tpu.memory_space<hbm>>
      tpu.wait_dma2 semaphore(%run_scoped3A_52 : memref<!tpu.dma_semaphore, #tpu.memory_space<semaphore_mem>>) src(%dma_wait3A_84 : memref<16x64xi32, #tpu.memory_space<hbm>>) dst(%dma_wait3A_80 : memref<16x64xi32, #tpu.memory_space<vmem>>)
      tpu.yield
    }) : () -> ()
    "tpu.region"() ({
      %run_scoped3A_52 = tpu.sem_alloc : memref<!tpu.dma_semaphore, #tpu.memory_space<semaphore_mem>>
      %dma_start3A_53 = arith.constant 0 : i32
      %dma_start3A_54 = arith.constant 0 : i32
      %dma_start3A_55 = tpu.memref_slice %arg4[%add3A, %dma_start3A_53, %dma_start3A_54] : memref<32x160x64xi32, #tpu.memory_space<hbm>> -> memref<1x16x64xi32, #tpu.memory_space<hbm>>
      %dma_start3A_56 = tpu.memref_squeeze %dma_start3A_55 : memref<1x16x64xi32, #tpu.memory_space<hbm>> -> memref<16x64xi32, #tpu.memory_space<hbm>>
      %dma_start3A_57 = arith.constant 0 : i32
      %dma_start3A_58 = arith.constant 0 : i32
      %dma_start3A_59 = tpu.memref_slice %arg4[%add3A, %dma_start3A_57, %dma_start3A_58] : memref<32x160x64xi32, #tpu.memory_space<hbm>> -> memref<1x16x64xi32, #tpu.memory_space<hbm>>
      %dma_start3A_60 = tpu.memref_squeeze %dma_start3A_59 : memref<1x16x64xi32, #tpu.memory_space<hbm>> -> memref<16x64xi32, #tpu.memory_space<hbm>>
      tpu.enqueue_dma source(%dma_start3A_60 : memref<16x64xi32, #tpu.memory_space<hbm>>) target(%arg7 : memref<16x64xi32, #tpu.memory_space<vmem>>) target_semaphore(%run_scoped3A_52 : memref<!tpu.dma_semaphore, #tpu.memory_space<semaphore_mem>>)
      %dma_wait3A_61 = arith.constant 0 : i32
      %dma_wait3A_62 = arith.constant 0 : i32
      %dma_wait3A_63 = tpu.memref_slice %arg4[%add3A, %dma_wait3A_61, %dma_wait3A_62] : memref<32x160x64xi32, #tpu.memory_space<hbm>> -> memref<1x16x64xi32, #tpu.memory_space<hbm>>
      %dma_wait3A_64 = tpu.memref_squeeze %dma_wait3A_63 : memref<1x16x64xi32, #tpu.memory_space<hbm>> -> memref<16x64xi32, #tpu.memory_space<hbm>>
      %dma_wait3A_65 = arith.constant 0 : i32
      %dma_wait3A_66 = arith.constant 0 : i32
      %dma_wait3A_67 = tpu.memref_slice %arg4[%add3A, %dma_wait3A_65, %dma_wait3A_66] : memref<32x160x64xi32, #tpu.memory_space<hbm>> -> memref<1x16x64xi32, #tpu.memory_space<hbm>>
      %dma_wait3A_68 = tpu.memref_squeeze %dma_wait3A_67 : memref<1x16x64xi32, #tpu.memory_space<hbm>> -> memref<16x64xi32, #tpu.memory_space<hbm>>
      tpu.wait_dma2 semaphore(%run_scoped3A_52 : memref<!tpu.dma_semaphore, #tpu.memory_space<semaphore_mem>>) src(%dma_wait3A_68 : memref<16x64xi32, #tpu.memory_space<hbm>>) dst(%arg7 : memref<16x64xi32, #tpu.memory_space<vmem>>)
      tpu.yield
    }) : () -> ()
    %mul3A_1 = arith.constant 640 : i32
    %mul3A_2 = arith.muli %arg1, %mul3A_1 : i32
    %mul3A_3 = arith.constant 640 : i32
    %mul3A_4 = arith.muli %arg1, %mul3A_3 : i32
    "tpu.region"() ({
      %run_scoped3A_52 = tpu.sem_alloc : memref<!tpu.dma_semaphore, #tpu.memory_space<semaphore_mem>>
      %dma_start3A_53 = arith.constant 0 : i32
      %dma_start3A_54 = tpu.memref_slice %arg13[%mul3A_4, %dma_start3A_53] : memref<10240x128xf32, #tpu.memory_space<vmem_shared>> -> memref<640x128xf32, #tpu.memory_space<vmem_shared>>
      %dma_start3A_55 = arith.constant 0 : i32
      %dma_start3A_56 = tpu.memref_slice %arg2[%mul3A_2, %dma_start3A_55] : memref<10240x128xf32, #tpu.memory_space<hbm>> -> memref<640x128xf32, #tpu.memory_space<hbm>>
      tpu.enqueue_dma source(%dma_start3A_56 : memref<640x128xf32, #tpu.memory_space<hbm>>) target(%dma_start3A_54 : memref<640x128xf32, #tpu.memory_space<vmem_shared>>) target_semaphore(%run_scoped3A_52 : memref<!tpu.dma_semaphore, #tpu.memory_space<semaphore_mem>>)
      %dma_wait3A_57 = arith.constant 0 : i32
      %dma_wait3A_58 = tpu.memref_slice %arg13[%mul3A_4, %dma_wait3A_57] : memref<10240x128xf32, #tpu.memory_space<vmem_shared>> -> memref<640x128xf32, #tpu.memory_space<vmem_shared>>
      %dma_wait3A_59 = arith.constant 0 : i32
      %dma_wait3A_60 = tpu.memref_slice %arg2[%mul3A_2, %dma_wait3A_59] : memref<10240x128xf32, #tpu.memory_space<hbm>> -> memref<640x128xf32, #tpu.memory_space<hbm>>
      tpu.wait_dma2 semaphore(%run_scoped3A_52 : memref<!tpu.dma_semaphore, #tpu.memory_space<semaphore_mem>>) src(%dma_wait3A_60 : memref<640x128xf32, #tpu.memory_space<hbm>>) dst(%dma_wait3A_58 : memref<640x128xf32, #tpu.memory_space<vmem_shared>>)
      tpu.yield
    }) : () -> ()
    %dma_start3A = arith.constant 0 : i32
    %dma_start3A_5 = arith.constant 0 : i32
    %dma_start3A_6 = arith.constant 0 : i32
    %dma_start3A_7 = tpu.memref_slice %arg6[%dma_start3A, %dma_start3A_5, %dma_start3A_6] : memref<2x16x64xi32, #tpu.memory_space<vmem>> -> memref<1x1x64xi32, #tpu.memory_space<vmem>>
    %dma_start3A_8 = tpu.memref_squeeze %dma_start3A_7 : memref<1x1x64xi32, #tpu.memory_space<vmem>> -> memref<64xi32, #tpu.memory_space<vmem>>
    %dma_start3A_9 = arith.constant 0 : i32
    %dma_start3A_10 = arith.constant 0 : i32
    %dma_start3A_11 = tpu.memref_slice %arg2[%dma_start3A_9, %dma_start3A_10] : memref<10240x128xf32, #tpu.memory_space<hbm>> -> memref<10240x128xf32, #tpu.memory_space<hbm>>
    tpu.enqueue_indirect_dma source(%dma_start3A_11 : memref<10240x128xf32, #tpu.memory_space<hbm>>) target(%arg8 : memref<64x128xf32, #tpu.memory_space<vmem>>) offsets(%dma_start3A_8 : memref<64xi32, #tpu.memory_space<vmem>>) semaphore(%arg14 : memref<!tpu.dma_semaphore, #tpu.memory_space<semaphore_mem>>)
    %dma_start3A_12 = arith.constant 0 : i32
    %dma_start3A_13 = arith.constant 1 : i32
    %dma_start3A_14 = arith.constant 0 : i32
    %dma_start3A_15 = tpu.memref_slice %arg6[%dma_start3A_12, %dma_start3A_13, %dma_start3A_14] : memref<2x16x64xi32, #tpu.memory_space<vmem>> -> memref<1x1x64xi32, #tpu.memory_space<vmem>>
    %dma_start3A_16 = tpu.memref_squeeze %dma_start3A_15 : memref<1x1x64xi32, #tpu.memory_space<vmem>> -> memref<64xi32, #tpu.memory_space<vmem>>
    %dma_start3A_17 = arith.constant 0 : i32
    %dma_start3A_18 = arith.constant 0 : i32
    %dma_start3A_19 = tpu.memref_slice %arg2[%dma_start3A_17, %dma_start3A_18] : memref<10240x128xf32, #tpu.memory_space<hbm>> -> memref<10240x128xf32, #tpu.memory_space<hbm>>
    tpu.enqueue_indirect_dma source(%dma_start3A_19 : memref<10240x128xf32, #tpu.memory_space<hbm>>) target(%arg9 : memref<64x128xf32, #tpu.memory_space<vmem>>) offsets(%dma_start3A_16 : memref<64xi32, #tpu.memory_space<vmem>>) semaphore(%arg15 : memref<!tpu.dma_semaphore, #tpu.memory_space<semaphore_mem>>)
    %dma_start3A_20 = arith.constant 0 : i32
    %dma_start3A_21 = arith.constant 2 : i32
    %dma_start3A_22 = arith.constant 0 : i32
    %dma_start3A_23 = tpu.memref_slice %arg6[%dma_start3A_20, %dma_start3A_21, %dma_start3A_22] : memref<2x16x64xi32, #tpu.memory_space<vmem>> -> memref<1x1x64xi32, #tpu.memory_space<vmem>>
    %dma_start3A_24 = tpu.memref_squeeze %dma_start3A_23 : memref<1x1x64xi32, #tpu.memory_space<vmem>> -> memref<64xi32, #tpu.memory_space<vmem>>
    %dma_start3A_25 = arith.constant 0 : i32
    %dma_start3A_26 = arith.constant 0 : i32
    %dma_start3A_27 = tpu.memref_slice %arg2[%dma_start3A_25, %dma_start3A_26] : memref<10240x128xf32, #tpu.memory_space<hbm>> -> memref<10240x128xf32, #tpu.memory_space<hbm>>
    tpu.enqueue_indirect_dma source(%dma_start3A_27 : memref<10240x128xf32, #tpu.memory_space<hbm>>) target(%arg10 : memref<64x128xf32, #tpu.memory_space<vmem>>) offsets(%dma_start3A_24 : memref<64xi32, #tpu.memory_space<vmem>>) semaphore(%arg16 : memref<!tpu.dma_semaphore, #tpu.memory_space<semaphore_mem>>)
    %dma_start3A_28 = arith.constant 0 : i32
    %dma_start3A_29 = arith.constant 3 : i32
    %dma_start3A_30 = arith.constant 0 : i32
    %dma_start3A_31 = tpu.memref_slice %arg6[%dma_start3A_28, %dma_start3A_29, %dma_start3A_30] : memref<2x16x64xi32, #tpu.memory_space<vmem>> -> memref<1x1x64xi32, #tpu.memory_space<vmem>>
    %dma_start3A_32 = tpu.memref_squeeze %dma_start3A_31 : memref<1x1x64xi32, #tpu.memory_space<vmem>> -> memref<64xi32, #tpu.memory_space<vmem>>
    %dma_start3A_33 = arith.constant 0 : i32
    %dma_start3A_34 = arith.constant 0 : i32
    %dma_start3A_35 = tpu.memref_slice %arg2[%dma_start3A_33, %dma_start3A_34] : memref<10240x128xf32, #tpu.memory_space<hbm>> -> memref<10240x128xf32, #tpu.memory_space<hbm>>
    tpu.enqueue_indirect_dma source(%dma_start3A_35 : memref<10240x128xf32, #tpu.memory_space<hbm>>) target(%arg11 : memref<64x128xf32, #tpu.memory_space<vmem>>) offsets(%dma_start3A_32 : memref<64xi32, #tpu.memory_space<vmem>>) semaphore(%arg17 : memref<!tpu.dma_semaphore, #tpu.memory_space<semaphore_mem>>)
    %barrier3A = arith.constant 0 : index
    tpu.barrier barrier_id(%barrier3A)
    %scan3A = arith.constant 0 : i32
    %scan3A_36 = arith.constant 0 : i32
    %scan3A_37 = arith.constant 32 : i32
    %scan3A_38 = arith.addi %scan3A_36, %scan3A_37 : i32
    %scan3A_39 = arith.constant 1 : i32
    scf.for %scan3A_52 = %scan3A_36 to %scan3A_38 step %scan3A_39  : i32 {
      %mul3A_53 = arith.constant 5 : i32
      %mul3A_54 = arith.muli %scan3A_52, %mul3A_53 : i32
      %add3A_55 = arith.constant 0 : i32
      %add3A_56 = arith.addi %mul3A_54, %add3A_55 : i32
      %dma_wait3A_57 = arith.constant 0 : i32
      %dma_wait3A_58 = arith.constant 0 : i32
      %dma_wait3A_59 = arith.constant 0 : i32
      %dma_wait3A_60 = tpu.memref_slice %arg6[%dma_wait3A_57, %dma_wait3A_58, %dma_wait3A_59] : memref<2x16x64xi32, #tpu.memory_space<vmem>> -> memref<1x1x64xi32, #tpu.memory_space<vmem>>
      %dma_wait3A_61 = tpu.memref_squeeze %dma_wait3A_60 : memref<1x1x64xi32, #tpu.memory_space<vmem>> -> memref<64xi32, #tpu.memory_space<vmem>>
      %dma_wait3A_62 = arith.constant 0 : i32
      %dma_wait3A_63 = arith.constant 0 : i32
      %dma_wait3A_64 = tpu.memref_slice %arg2[%dma_wait3A_62, %dma_wait3A_63] : memref<10240x128xf32, #tpu.memory_space<hbm>> -> memref<10240x128xf32, #tpu.memory_space<hbm>>
      tpu.wait_indirect_dma semaphore(%arg14 : memref<!tpu.dma_semaphore, #tpu.memory_space<semaphore_mem>>) src(%dma_wait3A_64 : memref<10240x128xf32, #tpu.memory_space<hbm>>) dst(%arg8 : memref<64x128xf32, #tpu.memory_space<vmem>>)
      %gt3A = arith.constant 0 : i32
      %gt3A_65 = arith.cmpi sgt, %add3A_56, %gt3A : i32
      %convert_element_type3A = arith.extui %gt3A_65 : i1 to i32
      %cond3A = arith.constant 0 : i32
      %cond3A_66 = arith.cmpi ne, %convert_element_type3A, %cond3A : i32
      scf.if %cond3A_66 {
        %dma_wait3A_402 = arith.constant 0 : i32
        %dma_wait3A_403 = arith.constant 0 : i32
        %dma_wait3A_404 = tpu.memref_slice %arg7[%dma_wait3A_402, %dma_wait3A_403] : memref<16x64xi32, #tpu.memory_space<vmem>> -> memref<1x64xi32, #tpu.memory_space<vmem>>
        %dma_wait3A_405 = tpu.memref_squeeze %dma_wait3A_404 : memref<1x64xi32, #tpu.memory_space<vmem>> -> memref<64xi32, #tpu.memory_space<vmem>>
        %dma_wait3A_406 = arith.constant 0 : i32
        %dma_wait3A_407 = arith.constant 0 : i32
        %dma_wait3A_408 = tpu.memref_slice %arg13[%dma_wait3A_406, %dma_wait3A_407] : memref<10240x128xf32, #tpu.memory_space<vmem_shared>> -> memref<10240x128xf32, #tpu.memory_space<vmem_shared>>
        tpu.wait_indirect_dma semaphore(%arg23 : memref<!tpu.dma_semaphore, #tpu.memory_space<semaphore_mem>>) src(%arg12 : memref<64x128xf32, #tpu.memory_space<vmem>>) dst(%dma_wait3A_408 : memref<10240x128xf32, #tpu.memory_space<vmem_shared>>)
      } else {
      }
      %jit3A = arith.constant 16 : i32
      %eq3A = arith.constant 0 : i32
      %eq3A_67 = arith.cmpi eq, %jit3A, %eq3A : i32
      %jit3A_68 = arith.constant 1 : i32
      %select_n3A = arith.select %eq3A_67, %jit3A_68, %jit3A : i32
      %rem3A = arith.remsi %add3A_56, %select_n3A : i32
      %ne3A = arith.constant 0 : i32
      %ne3A_69 = arith.cmpi ne, %rem3A, %ne3A : i32
      %lt3A = arith.constant 0 : i32
      %lt3A_70 = arith.cmpi slt, %rem3A, %lt3A : i32
      %lt3A_71 = arith.constant 0 : i32
      %lt3A_72 = arith.cmpi slt, %select_n3A, %lt3A_71 : i32
      %ne3A_73 = arith.xori %lt3A_70, %lt3A_72 : i1
      %and3A = arith.andi %ne3A_73, %ne3A_69 : i1
      %add3A_74 = arith.addi %rem3A, %select_n3A : i32
      %select_n3A_75 = arith.select %and3A, %add3A_74, %rem3A : i32
      %eq3A_76 = arith.constant 0 : i32
      %eq3A_77 = arith.cmpi eq, %select_n3A_75, %eq3A_76 : i32
      %gt3A_78 = arith.constant 0 : i32
      %gt3A_79 = arith.cmpi sgt, %add3A_56, %gt3A_78 : i32
      %and3A_80 = arith.andi %eq3A_77, %gt3A_79 : i1
      %convert_element_type3A_81 = arith.extui %and3A_80 : i1 to i32
      %cond3A_82 = arith.constant 0 : i32
      %cond3A_83 = arith.cmpi ne, %convert_element_type3A_81, %cond3A_82 : i32
      scf.if %cond3A_83 {
        %multiple_of3A = tpu.assume_multiple %add3A_56, 16 : i32
        "tpu.region"() ({
          %run_scoped3A_402 = tpu.sem_alloc : memref<!tpu.dma_semaphore, #tpu.memory_space<semaphore_mem>>
          %dma_start3A_403 = arith.constant 0 : i32
          %dma_start3A_404 = tpu.memref_slice %arg4[%add3A, %multiple_of3A, %dma_start3A_403] : memref<32x160x64xi32, #tpu.memory_space<hbm>> -> memref<1x16x64xi32, #tpu.memory_space<hbm>>
          %dma_start3A_405 = tpu.memref_squeeze %dma_start3A_404 : memref<1x16x64xi32, #tpu.memory_space<hbm>> -> memref<16x64xi32, #tpu.memory_space<hbm>>
          %dma_start3A_406 = arith.constant 0 : i32
          %dma_start3A_407 = tpu.memref_slice %arg4[%add3A, %multiple_of3A, %dma_start3A_406] : memref<32x160x64xi32, #tpu.memory_space<hbm>> -> memref<1x16x64xi32, #tpu.memory_space<hbm>>
          %dma_start3A_408 = tpu.memref_squeeze %dma_start3A_407 : memref<1x16x64xi32, #tpu.memory_space<hbm>> -> memref<16x64xi32, #tpu.memory_space<hbm>>
          tpu.enqueue_dma source(%dma_start3A_408 : memref<16x64xi32, #tpu.memory_space<hbm>>) target(%arg7 : memref<16x64xi32, #tpu.memory_space<vmem>>) target_semaphore(%run_scoped3A_402 : memref<!tpu.dma_semaphore, #tpu.memory_space<semaphore_mem>>)
          %dma_wait3A_409 = arith.constant 0 : i32
          %dma_wait3A_410 = tpu.memref_slice %arg4[%add3A, %multiple_of3A, %dma_wait3A_409] : memref<32x160x64xi32, #tpu.memory_space<hbm>> -> memref<1x16x64xi32, #tpu.memory_space<hbm>>
          %dma_wait3A_411 = tpu.memref_squeeze %dma_wait3A_410 : memref<1x16x64xi32, #tpu.memory_space<hbm>> -> memref<16x64xi32, #tpu.memory_space<hbm>>
          %dma_wait3A_412 = arith.constant 0 : i32
          %dma_wait3A_413 = tpu.memref_slice %arg4[%add3A, %multiple_of3A, %dma_wait3A_412] : memref<32x160x64xi32, #tpu.memory_space<hbm>> -> memref<1x16x64xi32, #tpu.memory_space<hbm>>
          %dma_wait3A_414 = tpu.memref_squeeze %dma_wait3A_413 : memref<1x16x64xi32, #tpu.memory_space<hbm>> -> memref<16x64xi32, #tpu.memory_space<hbm>>
          tpu.wait_dma2 semaphore(%run_scoped3A_402 : memref<!tpu.dma_semaphore, #tpu.memory_space<semaphore_mem>>) src(%dma_wait3A_414 : memref<16x64xi32, #tpu.memory_space<hbm>>) dst(%arg7 : memref<16x64xi32, #tpu.memory_space<vmem>>)
          tpu.yield
        }) : () -> ()
      } else {
      }
      %jit3A_84 = arith.constant 16 : i32
      %eq3A_85 = arith.constant 0 : i32
      %eq3A_86 = arith.cmpi eq, %jit3A_84, %eq3A_85 : i32
      %jit3A_87 = arith.constant 1 : i32
      %select_n3A_88 = arith.select %eq3A_86, %jit3A_87, %jit3A_84 : i32
      %rem3A_89 = arith.remsi %add3A_56, %select_n3A_88 : i32
      %ne3A_90 = arith.constant 0 : i32
      %ne3A_91 = arith.cmpi ne, %rem3A_89, %ne3A_90 : i32
      %lt3A_92 = arith.constant 0 : i32
      %lt3A_93 = arith.cmpi slt, %rem3A_89, %lt3A_92 : i32
      %lt3A_94 = arith.constant 0 : i32
      %lt3A_95 = arith.cmpi slt, %select_n3A_88, %lt3A_94 : i32
      %ne3A_96 = arith.xori %lt3A_93, %lt3A_95 : i1
      %and3A_97 = arith.andi %ne3A_96, %ne3A_91 : i1
      %add3A_98 = arith.addi %rem3A_89, %select_n3A_88 : i32
      %select_n3A_99 = arith.select %and3A_97, %add3A_98, %rem3A_89 : i32
      %dma_start3A_100 = arith.constant 0 : i32
      %dma_start3A_101 = tpu.memref_slice %arg7[%select_n3A_99, %dma_start3A_100] : memref<16x64xi32, #tpu.memory_space<vmem>> -> memref<1x64xi32, #tpu.memory_space<vmem>>
      %dma_start3A_102 = tpu.memref_squeeze %dma_start3A_101 : memref<1x64xi32, #tpu.memory_space<vmem>> -> memref<64xi32, #tpu.memory_space<vmem>>
      %dma_start3A_103 = arith.constant 0 : i32
      %dma_start3A_104 = arith.constant 0 : i32
      %dma_start3A_105 = tpu.memref_slice %arg13[%dma_start3A_103, %dma_start3A_104] : memref<10240x128xf32, #tpu.memory_space<vmem_shared>> -> memref<10240x128xf32, #tpu.memory_space<vmem_shared>>
      tpu.enqueue_indirect_dma source(%arg8 : memref<64x128xf32, #tpu.memory_space<vmem>>) target(%dma_start3A_105 : memref<10240x128xf32, #tpu.memory_space<vmem_shared>>) offsets(%dma_start3A_102 : memref<64xi32, #tpu.memory_space<vmem>>) semaphore(%arg19 : memref<!tpu.dma_semaphore, #tpu.memory_space<semaphore_mem>>) {add = true}
      %add3A_106 = arith.constant 5 : i32
      %add3A_107 = arith.addi %add3A_56, %add3A_106 : i32
      %sub3A = arith.constant 1 : i32
      %sub3A_108 = arith.subi %add3A_107, %sub3A : i32
      %lt3A_109 = arith.constant 160 : i32
      %lt3A_110 = arith.cmpi slt, %sub3A_108, %lt3A_109 : i32
      %convert_element_type3A_111 = arith.extui %lt3A_110 : i1 to i32
      %cond3A_112 = arith.constant 0 : i32
      %cond3A_113 = arith.cmpi ne, %convert_element_type3A_111, %cond3A_112 : i32
      scf.if %cond3A_113 {
        %jit3A_402 = arith.constant 16 : i32
        %div3A = arith.divsi %sub3A_108, %jit3A_402 : i32
        %sign3A = arith.constant 0 : i32
        %sign3A_403 = arith.cmpi sgt, %sub3A_108, %sign3A : i32
        %sign3A_404 = arith.extui %sign3A_403 : i1 to i32
        %sign3A_405 = arith.constant 0 : i32
        %sign3A_406 = arith.cmpi slt, %sub3A_108, %sign3A_405 : i32
        %sign3A_407 = arith.extui %sign3A_406 : i1 to i32
        %sign3A_408 = arith.subi %sign3A_404, %sign3A_407 : i32
        %sign3A_409 = arith.constant 0 : i32
        %sign3A_410 = arith.cmpi sgt, %jit3A_402, %sign3A_409 : i32
        %sign3A_411 = arith.extui %sign3A_410 : i1 to i32
        %sign3A_412 = arith.constant 0 : i32
        %sign3A_413 = arith.cmpi slt, %jit3A_402, %sign3A_412 : i32
        %sign3A_414 = arith.extui %sign3A_413 : i1 to i32
        %sign3A_415 = arith.subi %sign3A_411, %sign3A_414 : i32
        %ne3A_416 = arith.cmpi ne, %sign3A_408, %sign3A_415 : i32
        %rem3A_417 = arith.remsi %sub3A_108, %jit3A_402 : i32
        %ne3A_418 = arith.constant 0 : i32
        %ne3A_419 = arith.cmpi ne, %rem3A_417, %ne3A_418 : i32
        %and3A_420 = arith.andi %ne3A_416, %ne3A_419 : i1
        %sub3A_421 = arith.constant 1 : i32
        %sub3A_422 = arith.subi %div3A, %sub3A_421 : i32
        %select_n3A_423 = arith.select %and3A_420, %sub3A_422, %div3A : i32
        %jit3A_424 = arith.constant 2 : i32
        %eq3A_425 = arith.constant 0 : i32
        %eq3A_426 = arith.cmpi eq, %jit3A_424, %eq3A_425 : i32
        %jit3A_427 = arith.constant 1 : i32
        %select_n3A_428 = arith.select %eq3A_426, %jit3A_427, %jit3A_424 : i32
        %rem3A_429 = arith.remsi %select_n3A_423, %select_n3A_428 : i32
        %ne3A_430 = arith.constant 0 : i32
        %ne3A_431 = arith.cmpi ne, %rem3A_429, %ne3A_430 : i32
        %lt3A_432 = arith.constant 0 : i32
        %lt3A_433 = arith.cmpi slt, %rem3A_429, %lt3A_432 : i32
        %lt3A_434 = arith.constant 0 : i32
        %lt3A_435 = arith.cmpi slt, %select_n3A_428, %lt3A_434 : i32
        %ne3A_436 = arith.xori %lt3A_433, %lt3A_435 : i1
        %and3A_437 = arith.andi %ne3A_436, %ne3A_431 : i1
        %add3A_438 = arith.addi %rem3A_429, %select_n3A_428 : i32
        %select_n3A_439 = arith.select %and3A_437, %add3A_438, %rem3A_429 : i32
        %jit3A_440 = arith.constant 16 : i32
        %eq3A_441 = arith.constant 0 : i32
        %eq3A_442 = arith.cmpi eq, %jit3A_440, %eq3A_441 : i32
        %jit3A_443 = arith.constant 1 : i32
        %select_n3A_444 = arith.select %eq3A_442, %jit3A_443, %jit3A_440 : i32
        %rem3A_445 = arith.remsi %sub3A_108, %select_n3A_444 : i32
        %ne3A_446 = arith.constant 0 : i32
        %ne3A_447 = arith.cmpi ne, %rem3A_445, %ne3A_446 : i32
        %lt3A_448 = arith.constant 0 : i32
        %lt3A_449 = arith.cmpi slt, %rem3A_445, %lt3A_448 : i32
        %lt3A_450 = arith.constant 0 : i32
        %lt3A_451 = arith.cmpi slt, %select_n3A_444, %lt3A_450 : i32
        %ne3A_452 = arith.xori %lt3A_449, %lt3A_451 : i1
        %and3A_453 = arith.andi %ne3A_452, %ne3A_447 : i1
        %add3A_454 = arith.addi %rem3A_445, %select_n3A_444 : i32
        %select_n3A_455 = arith.select %and3A_453, %add3A_454, %rem3A_445 : i32
        %eq3A_456 = arith.constant 0 : i32
        %eq3A_457 = arith.cmpi eq, %select_n3A_455, %eq3A_456 : i32
        %convert_element_type3A_458 = arith.extui %eq3A_457 : i1 to i32
        %cond3A_459 = arith.constant 0 : i32
        %cond3A_460 = arith.cmpi ne, %convert_element_type3A_458, %cond3A_459 : i32
        scf.if %cond3A_460 {
          %multiple_of3A = tpu.assume_multiple %sub3A_108, 16 : i32
          "tpu.region"() ({
            %run_scoped3A_483 = tpu.sem_alloc : memref<!tpu.dma_semaphore, #tpu.memory_space<semaphore_mem>>
            %dma_start3A_484 = arith.constant 0 : i32
            %dma_start3A_485 = arith.constant 0 : i32
            %dma_start3A_486 = tpu.memref_slice %arg6[%select_n3A_439, %dma_start3A_484, %dma_start3A_485] : memref<2x16x64xi32, #tpu.memory_space<vmem>> -> memref<1x16x64xi32, #tpu.memory_space<vmem>>
            %dma_start3A_487 = tpu.memref_squeeze %dma_start3A_486 : memref<1x16x64xi32, #tpu.memory_space<vmem>> -> memref<16x64xi32, #tpu.memory_space<vmem>>
            %dma_start3A_488 = arith.constant 0 : i32
            %dma_start3A_489 = tpu.memref_slice %arg3[%add3A, %multiple_of3A, %dma_start3A_488] : memref<32x160x64xi32, #tpu.memory_space<hbm>> -> memref<1x16x64xi32, #tpu.memory_space<hbm>>
            %dma_start3A_490 = tpu.memref_squeeze %dma_start3A_489 : memref<1x16x64xi32, #tpu.memory_space<hbm>> -> memref<16x64xi32, #tpu.memory_space<hbm>>
            %dma_start3A_491 = arith.constant 0 : i32
            %dma_start3A_492 = arith.constant 0 : i32
            %dma_start3A_493 = tpu.memref_slice %arg6[%select_n3A_439, %dma_start3A_491, %dma_start3A_492] : memref<2x16x64xi32, #tpu.memory_space<vmem>> -> memref<1x16x64xi32, #tpu.memory_space<vmem>>
            %dma_start3A_494 = tpu.memref_squeeze %dma_start3A_493 : memref<1x16x64xi32, #tpu.memory_space<vmem>> -> memref<16x64xi32, #tpu.memory_space<vmem>>
            %dma_start3A_495 = arith.constant 0 : i32
            %dma_start3A_496 = tpu.memref_slice %arg3[%add3A, %multiple_of3A, %dma_start3A_495] : memref<32x160x64xi32, #tpu.memory_space<hbm>> -> memref<1x16x64xi32, #tpu.memory_space<hbm>>
            %dma_start3A_497 = tpu.memref_squeeze %dma_start3A_496 : memref<1x16x64xi32, #tpu.memory_space<hbm>> -> memref<16x64xi32, #tpu.memory_space<hbm>>
            tpu.enqueue_dma source(%dma_start3A_497 : memref<16x64xi32, #tpu.memory_space<hbm>>) target(%dma_start3A_494 : memref<16x64xi32, #tpu.memory_space<vmem>>) target_semaphore(%run_scoped3A_483 : memref<!tpu.dma_semaphore, #tpu.memory_space<semaphore_mem>>)
            %dma_wait3A_498 = arith.constant 0 : i32
            %dma_wait3A_499 = arith.constant 0 : i32
            %dma_wait3A_500 = tpu.memref_slice %arg6[%select_n3A_439, %dma_wait3A_498, %dma_wait3A_499] : memref<2x16x64xi32, #tpu.memory_space<vmem>> -> memref<1x16x64xi32, #tpu.memory_space<vmem>>
            %dma_wait3A_501 = tpu.memref_squeeze %dma_wait3A_500 : memref<1x16x64xi32, #tpu.memory_space<vmem>> -> memref<16x64xi32, #tpu.memory_space<vmem>>
            %dma_wait3A_502 = arith.constant 0 : i32
            %dma_wait3A_503 = tpu.memref_slice %arg3[%add3A, %multiple_of3A, %dma_wait3A_502] : memref<32x160x64xi32, #tpu.memory_space<hbm>> -> memref<1x16x64xi32, #tpu.memory_space<hbm>>
            %dma_wait3A_504 = tpu.memref_squeeze %dma_wait3A_503 : memref<1x16x64xi32, #tpu.memory_space<hbm>> -> memref<16x64xi32, #tpu.memory_space<hbm>>
            %dma_wait3A_505 = arith.constant 0 : i32
            %dma_wait3A_506 = arith.constant 0 : i32
            %dma_wait3A_507 = tpu.memref_slice %arg6[%select_n3A_439, %dma_wait3A_505, %dma_wait3A_506] : memref<2x16x64xi32, #tpu.memory_space<vmem>> -> memref<1x16x64xi32, #tpu.memory_space<vmem>>
            %dma_wait3A_508 = tpu.memref_squeeze %dma_wait3A_507 : memref<1x16x64xi32, #tpu.memory_space<vmem>> -> memref<16x64xi32, #tpu.memory_space<vmem>>
            %dma_wait3A_509 = arith.constant 0 : i32
            %dma_wait3A_510 = tpu.memref_slice %arg3[%add3A, %multiple_of3A, %dma_wait3A_509] : memref<32x160x64xi32, #tpu.memory_space<hbm>> -> memref<1x16x64xi32, #tpu.memory_space<hbm>>
            %dma_wait3A_511 = tpu.memref_squeeze %dma_wait3A_510 : memref<1x16x64xi32, #tpu.memory_space<hbm>> -> memref<16x64xi32, #tpu.memory_space<hbm>>
            tpu.wait_dma2 semaphore(%run_scoped3A_483 : memref<!tpu.dma_semaphore, #tpu.memory_space<semaphore_mem>>) src(%dma_wait3A_511 : memref<16x64xi32, #tpu.memory_space<hbm>>) dst(%dma_wait3A_508 : memref<16x64xi32, #tpu.memory_space<vmem>>)
            tpu.yield
          }) : () -> ()
        } else {
        }
        %jit3A_461 = arith.constant 16 : i32
        %eq3A_462 = arith.constant 0 : i32
        %eq3A_463 = arith.cmpi eq, %jit3A_461, %eq3A_462 : i32
        %jit3A_464 = arith.constant 1 : i32
        %select_n3A_465 = arith.select %eq3A_463, %jit3A_464, %jit3A_461 : i32
        %rem3A_466 = arith.remsi %sub3A_108, %select_n3A_465 : i32
        %ne3A_467 = arith.constant 0 : i32
        %ne3A_468 = arith.cmpi ne, %rem3A_466, %ne3A_467 : i32
        %lt3A_469 = arith.constant 0 : i32
        %lt3A_470 = arith.cmpi slt, %rem3A_466, %lt3A_469 : i32
        %lt3A_471 = arith.constant 0 : i32
        %lt3A_472 = arith.cmpi slt, %select_n3A_465, %lt3A_471 : i32
        %ne3A_473 = arith.xori %lt3A_470, %lt3A_472 : i1
        %and3A_474 = arith.andi %ne3A_473, %ne3A_468 : i1
        %add3A_475 = arith.addi %rem3A_466, %select_n3A_465 : i32
        %select_n3A_476 = arith.select %and3A_474, %add3A_475, %rem3A_466 : i32
        %dma_start3A_477 = arith.constant 0 : i32
        %dma_start3A_478 = tpu.memref_slice %arg6[%select_n3A_439, %select_n3A_476, %dma_start3A_477] : memref<2x16x64xi32, #tpu.memory_space<vmem>> -> memref<1x1x64xi32, #tpu.memory_space<vmem>>
        %dma_start3A_479 = tpu.memref_squeeze %dma_start3A_478 : memref<1x1x64xi32, #tpu.memory_space<vmem>> -> memref<64xi32, #tpu.memory_space<vmem>>
        %dma_start3A_480 = arith.constant 0 : i32
        %dma_start3A_481 = arith.constant 0 : i32
        %dma_start3A_482 = tpu.memref_slice %arg2[%dma_start3A_480, %dma_start3A_481] : memref<10240x128xf32, #tpu.memory_space<hbm>> -> memref<10240x128xf32, #tpu.memory_space<hbm>>
        tpu.enqueue_indirect_dma source(%dma_start3A_482 : memref<10240x128xf32, #tpu.memory_space<hbm>>) target(%arg12 : memref<64x128xf32, #tpu.memory_space<vmem>>) offsets(%dma_start3A_479 : memref<64xi32, #tpu.memory_space<vmem>>) semaphore(%arg18 : memref<!tpu.dma_semaphore, #tpu.memory_space<semaphore_mem>>)
      } else {
      }
      %mul3A_114 = arith.constant 5 : i32
      %mul3A_115 = arith.muli %scan3A_52, %mul3A_114 : i32
      %add3A_116 = arith.constant 1 : i32
      %add3A_117 = arith.addi %mul3A_115, %add3A_116 : i32
      %dma_wait3A_118 = arith.constant 0 : i32
      %dma_wait3A_119 = arith.constant 0 : i32
      %dma_wait3A_120 = arith.constant 0 : i32
      %dma_wait3A_121 = tpu.memref_slice %arg6[%dma_wait3A_118, %dma_wait3A_119, %dma_wait3A_120] : memref<2x16x64xi32, #tpu.memory_space<vmem>> -> memref<1x1x64xi32, #tpu.memory_space<vmem>>
      %dma_wait3A_122 = tpu.memref_squeeze %dma_wait3A_121 : memref<1x1x64xi32, #tpu.memory_space<vmem>> -> memref<64xi32, #tpu.memory_space<vmem>>
      %dma_wait3A_123 = arith.constant 0 : i32
      %dma_wait3A_124 = arith.constant 0 : i32
      %dma_wait3A_125 = tpu.memref_slice %arg2[%dma_wait3A_123, %dma_wait3A_124] : memref<10240x128xf32, #tpu.memory_space<hbm>> -> memref<10240x128xf32, #tpu.memory_space<hbm>>
      tpu.wait_indirect_dma semaphore(%arg15 : memref<!tpu.dma_semaphore, #tpu.memory_space<semaphore_mem>>) src(%dma_wait3A_125 : memref<10240x128xf32, #tpu.memory_space<hbm>>) dst(%arg9 : memref<64x128xf32, #tpu.memory_space<vmem>>)
      %gt3A_126 = arith.constant 0 : i32
      %gt3A_127 = arith.cmpi sgt, %add3A_117, %gt3A_126 : i32
      %convert_element_type3A_128 = arith.extui %gt3A_127 : i1 to i32
      %cond3A_129 = arith.constant 0 : i32
      %cond3A_130 = arith.cmpi ne, %convert_element_type3A_128, %cond3A_129 : i32
      scf.if %cond3A_130 {
        %dma_wait3A_402 = arith.constant 0 : i32
        %dma_wait3A_403 = arith.constant 0 : i32
        %dma_wait3A_404 = tpu.memref_slice %arg7[%dma_wait3A_402, %dma_wait3A_403] : memref<16x64xi32, #tpu.memory_space<vmem>> -> memref<1x64xi32, #tpu.memory_space<vmem>>
        %dma_wait3A_405 = tpu.memref_squeeze %dma_wait3A_404 : memref<1x64xi32, #tpu.memory_space<vmem>> -> memref<64xi32, #tpu.memory_space<vmem>>
        %dma_wait3A_406 = arith.constant 0 : i32
        %dma_wait3A_407 = arith.constant 0 : i32
        %dma_wait3A_408 = tpu.memref_slice %arg13[%dma_wait3A_406, %dma_wait3A_407] : memref<10240x128xf32, #tpu.memory_space<vmem_shared>> -> memref<10240x128xf32, #tpu.memory_space<vmem_shared>>
        tpu.wait_indirect_dma semaphore(%arg19 : memref<!tpu.dma_semaphore, #tpu.memory_space<semaphore_mem>>) src(%arg8 : memref<64x128xf32, #tpu.memory_space<vmem>>) dst(%dma_wait3A_408 : memref<10240x128xf32, #tpu.memory_space<vmem_shared>>)
      } else {
      }
      %jit3A_131 = arith.constant 16 : i32
      %eq3A_132 = arith.constant 0 : i32
      %eq3A_133 = arith.cmpi eq, %jit3A_131, %eq3A_132 : i32
      %jit3A_134 = arith.constant 1 : i32
      %select_n3A_135 = arith.select %eq3A_133, %jit3A_134, %jit3A_131 : i32
      %rem3A_136 = arith.remsi %add3A_117, %select_n3A_135 : i32
      %ne3A_137 = arith.constant 0 : i32
      %ne3A_138 = arith.cmpi ne, %rem3A_136, %ne3A_137 : i32
      %lt3A_139 = arith.constant 0 : i32
      %lt3A_140 = arith.cmpi slt, %rem3A_136, %lt3A_139 : i32
      %lt3A_141 = arith.constant 0 : i32
      %lt3A_142 = arith.cmpi slt, %select_n3A_135, %lt3A_141 : i32
      %ne3A_143 = arith.xori %lt3A_140, %lt3A_142 : i1
      %and3A_144 = arith.andi %ne3A_143, %ne3A_138 : i1
      %add3A_145 = arith.addi %rem3A_136, %select_n3A_135 : i32
      %select_n3A_146 = arith.select %and3A_144, %add3A_145, %rem3A_136 : i32
      %eq3A_147 = arith.constant 0 : i32
      %eq3A_148 = arith.cmpi eq, %select_n3A_146, %eq3A_147 : i32
      %gt3A_149 = arith.constant 0 : i32
      %gt3A_150 = arith.cmpi sgt, %add3A_117, %gt3A_149 : i32
      %and3A_151 = arith.andi %eq3A_148, %gt3A_150 : i1
      %convert_element_type3A_152 = arith.extui %and3A_151 : i1 to i32
      %cond3A_153 = arith.constant 0 : i32
      %cond3A_154 = arith.cmpi ne, %convert_element_type3A_152, %cond3A_153 : i32
      scf.if %cond3A_154 {
        %multiple_of3A = tpu.assume_multiple %add3A_117, 16 : i32
        "tpu.region"() ({
          %run_scoped3A_402 = tpu.sem_alloc : memref<!tpu.dma_semaphore, #tpu.memory_space<semaphore_mem>>
          %dma_start3A_403 = arith.constant 0 : i32
          %dma_start3A_404 = tpu.memref_slice %arg4[%add3A, %multiple_of3A, %dma_start3A_403] : memref<32x160x64xi32, #tpu.memory_space<hbm>> -> memref<1x16x64xi32, #tpu.memory_space<hbm>>
          %dma_start3A_405 = tpu.memref_squeeze %dma_start3A_404 : memref<1x16x64xi32, #tpu.memory_space<hbm>> -> memref<16x64xi32, #tpu.memory_space<hbm>>
          %dma_start3A_406 = arith.constant 0 : i32
          %dma_start3A_407 = tpu.memref_slice %arg4[%add3A, %multiple_of3A, %dma_start3A_406] : memref<32x160x64xi32, #tpu.memory_space<hbm>> -> memref<1x16x64xi32, #tpu.memory_space<hbm>>
          %dma_start3A_408 = tpu.memref_squeeze %dma_start3A_407 : memref<1x16x64xi32, #tpu.memory_space<hbm>> -> memref<16x64xi32, #tpu.memory_space<hbm>>
          tpu.enqueue_dma source(%dma_start3A_408 : memref<16x64xi32, #tpu.memory_space<hbm>>) target(%arg7 : memref<16x64xi32, #tpu.memory_space<vmem>>) target_semaphore(%run_scoped3A_402 : memref<!tpu.dma_semaphore, #tpu.memory_space<semaphore_mem>>)
          %dma_wait3A_409 = arith.constant 0 : i32
          %dma_wait3A_410 = tpu.memref_slice %arg4[%add3A, %multiple_of3A, %dma_wait3A_409] : memref<32x160x64xi32, #tpu.memory_space<hbm>> -> memref<1x16x64xi32, #tpu.memory_space<hbm>>
          %dma_wait3A_411 = tpu.memref_squeeze %dma_wait3A_410 : memref<1x16x64xi32, #tpu.memory_space<hbm>> -> memref<16x64xi32, #tpu.memory_space<hbm>>
          %dma_wait3A_412 = arith.constant 0 : i32
          %dma_wait3A_413 = tpu.memref_slice %arg4[%add3A, %multiple_of3A, %dma_wait3A_412] : memref<32x160x64xi32, #tpu.memory_space<hbm>> -> memref<1x16x64xi32, #tpu.memory_space<hbm>>
          %dma_wait3A_414 = tpu.memref_squeeze %dma_wait3A_413 : memref<1x16x64xi32, #tpu.memory_space<hbm>> -> memref<16x64xi32, #tpu.memory_space<hbm>>
          tpu.wait_dma2 semaphore(%run_scoped3A_402 : memref<!tpu.dma_semaphore, #tpu.memory_space<semaphore_mem>>) src(%dma_wait3A_414 : memref<16x64xi32, #tpu.memory_space<hbm>>) dst(%arg7 : memref<16x64xi32, #tpu.memory_space<vmem>>)
          tpu.yield
        }) : () -> ()
      } else {
      }
      %jit3A_155 = arith.constant 16 : i32
      %eq3A_156 = arith.constant 0 : i32
      %eq3A_157 = arith.cmpi eq, %jit3A_155, %eq3A_156 : i32
      %jit3A_158 = arith.constant 1 : i32
      %select_n3A_159 = arith.select %eq3A_157, %jit3A_158, %jit3A_155 : i32
      %rem3A_160 = arith.remsi %add3A_117, %select_n3A_159 : i32
      %ne3A_161 = arith.constant 0 : i32
      %ne3A_162 = arith.cmpi ne, %rem3A_160, %ne3A_161 : i32
      %lt3A_163 = arith.constant 0 : i32
      %lt3A_164 = arith.cmpi slt, %rem3A_160, %lt3A_163 : i32
      %lt3A_165 = arith.constant 0 : i32
      %lt3A_166 = arith.cmpi slt, %select_n3A_159, %lt3A_165 : i32
      %ne3A_167 = arith.xori %lt3A_164, %lt3A_166 : i1
      %and3A_168 = arith.andi %ne3A_167, %ne3A_162 : i1
      %add3A_169 = arith.addi %rem3A_160, %select_n3A_159 : i32
      %select_n3A_170 = arith.select %and3A_168, %add3A_169, %rem3A_160 : i32
      %dma_start3A_171 = arith.constant 0 : i32
      %dma_start3A_172 = tpu.memref_slice %arg7[%select_n3A_170, %dma_start3A_171] : memref<16x64xi32, #tpu.memory_space<vmem>> -> memref<1x64xi32, #tpu.memory_space<vmem>>
      %dma_start3A_173 = tpu.memref_squeeze %dma_start3A_172 : memref<1x64xi32, #tpu.memory_space<vmem>> -> memref<64xi32, #tpu.memory_space<vmem>>
      %dma_start3A_174 = arith.constant 0 : i32
      %dma_start3A_175 = arith.constant 0 : i32
      %dma_start3A_176 = tpu.memref_slice %arg13[%dma_start3A_174, %dma_start3A_175] : memref<10240x128xf32, #tpu.memory_space<vmem_shared>> -> memref<10240x128xf32, #tpu.memory_space<vmem_shared>>
      tpu.enqueue_indirect_dma source(%arg9 : memref<64x128xf32, #tpu.memory_space<vmem>>) target(%dma_start3A_176 : memref<10240x128xf32, #tpu.memory_space<vmem_shared>>) offsets(%dma_start3A_173 : memref<64xi32, #tpu.memory_space<vmem>>) semaphore(%arg20 : memref<!tpu.dma_semaphore, #tpu.memory_space<semaphore_mem>>) {add = true}
      %add3A_177 = arith.constant 5 : i32
      %add3A_178 = arith.addi %add3A_117, %add3A_177 : i32
      %sub3A_179 = arith.constant 1 : i32
      %sub3A_180 = arith.subi %add3A_178, %sub3A_179 : i32
      %lt3A_181 = arith.constant 160 : i32
      %lt3A_182 = arith.cmpi slt, %sub3A_180, %lt3A_181 : i32
      %convert_element_type3A_183 = arith.extui %lt3A_182 : i1 to i32
      %cond3A_184 = arith.constant 0 : i32
      %cond3A_185 = arith.cmpi ne, %convert_element_type3A_183, %cond3A_184 : i32
      scf.if %cond3A_185 {
        %jit3A_402 = arith.constant 16 : i32
        %div3A = arith.divsi %sub3A_180, %jit3A_402 : i32
        %sign3A = arith.constant 0 : i32
        %sign3A_403 = arith.cmpi sgt, %sub3A_180, %sign3A : i32
        %sign3A_404 = arith.extui %sign3A_403 : i1 to i32
        %sign3A_405 = arith.constant 0 : i32
        %sign3A_406 = arith.cmpi slt, %sub3A_180, %sign3A_405 : i32
        %sign3A_407 = arith.extui %sign3A_406 : i1 to i32
        %sign3A_408 = arith.subi %sign3A_404, %sign3A_407 : i32
        %sign3A_409 = arith.constant 0 : i32
        %sign3A_410 = arith.cmpi sgt, %jit3A_402, %sign3A_409 : i32
        %sign3A_411 = arith.extui %sign3A_410 : i1 to i32
        %sign3A_412 = arith.constant 0 : i32
        %sign3A_413 = arith.cmpi slt, %jit3A_402, %sign3A_412 : i32
        %sign3A_414 = arith.extui %sign3A_413 : i1 to i32
        %sign3A_415 = arith.subi %sign3A_411, %sign3A_414 : i32
        %ne3A_416 = arith.cmpi ne, %sign3A_408, %sign3A_415 : i32
        %rem3A_417 = arith.remsi %sub3A_180, %jit3A_402 : i32
        %ne3A_418 = arith.constant 0 : i32
        %ne3A_419 = arith.cmpi ne, %rem3A_417, %ne3A_418 : i32
        %and3A_420 = arith.andi %ne3A_416, %ne3A_419 : i1
        %sub3A_421 = arith.constant 1 : i32
        %sub3A_422 = arith.subi %div3A, %sub3A_421 : i32
        %select_n3A_423 = arith.select %and3A_420, %sub3A_422, %div3A : i32
        %jit3A_424 = arith.constant 2 : i32
        %eq3A_425 = arith.constant 0 : i32
        %eq3A_426 = arith.cmpi eq, %jit3A_424, %eq3A_425 : i32
        %jit3A_427 = arith.constant 1 : i32
        %select_n3A_428 = arith.select %eq3A_426, %jit3A_427, %jit3A_424 : i32
        %rem3A_429 = arith.remsi %select_n3A_423, %select_n3A_428 : i32
        %ne3A_430 = arith.constant 0 : i32
        %ne3A_431 = arith.cmpi ne, %rem3A_429, %ne3A_430 : i32
        %lt3A_432 = arith.constant 0 : i32
        %lt3A_433 = arith.cmpi slt, %rem3A_429, %lt3A_432 : i32
        %lt3A_434 = arith.constant 0 : i32
        %lt3A_435 = arith.cmpi slt, %select_n3A_428, %lt3A_434 : i32
        %ne3A_436 = arith.xori %lt3A_433, %lt3A_435 : i1
        %and3A_437 = arith.andi %ne3A_436, %ne3A_431 : i1
        %add3A_438 = arith.addi %rem3A_429, %select_n3A_428 : i32
        %select_n3A_439 = arith.select %and3A_437, %add3A_438, %rem3A_429 : i32
        %jit3A_440 = arith.constant 16 : i32
        %eq3A_441 = arith.constant 0 : i32
        %eq3A_442 = arith.cmpi eq, %jit3A_440, %eq3A_441 : i32
        %jit3A_443 = arith.constant 1 : i32
        %select_n3A_444 = arith.select %eq3A_442, %jit3A_443, %jit3A_440 : i32
        %rem3A_445 = arith.remsi %sub3A_180, %select_n3A_444 : i32
        %ne3A_446 = arith.constant 0 : i32
        %ne3A_447 = arith.cmpi ne, %rem3A_445, %ne3A_446 : i32
        %lt3A_448 = arith.constant 0 : i32
        %lt3A_449 = arith.cmpi slt, %rem3A_445, %lt3A_448 : i32
        %lt3A_450 = arith.constant 0 : i32
        %lt3A_451 = arith.cmpi slt, %select_n3A_444, %lt3A_450 : i32
        %ne3A_452 = arith.xori %lt3A_449, %lt3A_451 : i1
        %and3A_453 = arith.andi %ne3A_452, %ne3A_447 : i1
        %add3A_454 = arith.addi %rem3A_445, %select_n3A_444 : i32
        %select_n3A_455 = arith.select %and3A_453, %add3A_454, %rem3A_445 : i32
        %eq3A_456 = arith.constant 0 : i32
        %eq3A_457 = arith.cmpi eq, %select_n3A_455, %eq3A_456 : i32
        %convert_element_type3A_458 = arith.extui %eq3A_457 : i1 to i32
        %cond3A_459 = arith.constant 0 : i32
        %cond3A_460 = arith.cmpi ne, %convert_element_type3A_458, %cond3A_459 : i32
        scf.if %cond3A_460 {
          %multiple_of3A = tpu.assume_multiple %sub3A_180, 16 : i32
          "tpu.region"() ({
            %run_scoped3A_483 = tpu.sem_alloc : memref<!tpu.dma_semaphore, #tpu.memory_space<semaphore_mem>>
            %dma_start3A_484 = arith.constant 0 : i32
            %dma_start3A_485 = arith.constant 0 : i32
            %dma_start3A_486 = tpu.memref_slice %arg6[%select_n3A_439, %dma_start3A_484, %dma_start3A_485] : memref<2x16x64xi32, #tpu.memory_space<vmem>> -> memref<1x16x64xi32, #tpu.memory_space<vmem>>
            %dma_start3A_487 = tpu.memref_squeeze %dma_start3A_486 : memref<1x16x64xi32, #tpu.memory_space<vmem>> -> memref<16x64xi32, #tpu.memory_space<vmem>>
            %dma_start3A_488 = arith.constant 0 : i32
            %dma_start3A_489 = tpu.memref_slice %arg3[%add3A, %multiple_of3A, %dma_start3A_488] : memref<32x160x64xi32, #tpu.memory_space<hbm>> -> memref<1x16x64xi32, #tpu.memory_space<hbm>>
            %dma_start3A_490 = tpu.memref_squeeze %dma_start3A_489 : memref<1x16x64xi32, #tpu.memory_space<hbm>> -> memref<16x64xi32, #tpu.memory_space<hbm>>
            %dma_start3A_491 = arith.constant 0 : i32
            %dma_start3A_492 = arith.constant 0 : i32
            %dma_start3A_493 = tpu.memref_slice %arg6[%select_n3A_439, %dma_start3A_491, %dma_start3A_492] : memref<2x16x64xi32, #tpu.memory_space<vmem>> -> memref<1x16x64xi32, #tpu.memory_space<vmem>>
            %dma_start3A_494 = tpu.memref_squeeze %dma_start3A_493 : memref<1x16x64xi32, #tpu.memory_space<vmem>> -> memref<16x64xi32, #tpu.memory_space<vmem>>
            %dma_start3A_495 = arith.constant 0 : i32
            %dma_start3A_496 = tpu.memref_slice %arg3[%add3A, %multiple_of3A, %dma_start3A_495] : memref<32x160x64xi32, #tpu.memory_space<hbm>> -> memref<1x16x64xi32, #tpu.memory_space<hbm>>
            %dma_start3A_497 = tpu.memref_squeeze %dma_start3A_496 : memref<1x16x64xi32, #tpu.memory_space<hbm>> -> memref<16x64xi32, #tpu.memory_space<hbm>>
            tpu.enqueue_dma source(%dma_start3A_497 : memref<16x64xi32, #tpu.memory_space<hbm>>) target(%dma_start3A_494 : memref<16x64xi32, #tpu.memory_space<vmem>>) target_semaphore(%run_scoped3A_483 : memref<!tpu.dma_semaphore, #tpu.memory_space<semaphore_mem>>)
            %dma_wait3A_498 = arith.constant 0 : i32
            %dma_wait3A_499 = arith.constant 0 : i32
            %dma_wait3A_500 = tpu.memref_slice %arg6[%select_n3A_439, %dma_wait3A_498, %dma_wait3A_499] : memref<2x16x64xi32, #tpu.memory_space<vmem>> -> memref<1x16x64xi32, #tpu.memory_space<vmem>>
            %dma_wait3A_501 = tpu.memref_squeeze %dma_wait3A_500 : memref<1x16x64xi32, #tpu.memory_space<vmem>> -> memref<16x64xi32, #tpu.memory_space<vmem>>
            %dma_wait3A_502 = arith.constant 0 : i32
            %dma_wait3A_503 = tpu.memref_slice %arg3[%add3A, %multiple_of3A, %dma_wait3A_502] : memref<32x160x64xi32, #tpu.memory_space<hbm>> -> memref<1x16x64xi32, #tpu.memory_space<hbm>>
            %dma_wait3A_504 = tpu.memref_squeeze %dma_wait3A_503 : memref<1x16x64xi32, #tpu.memory_space<hbm>> -> memref<16x64xi32, #tpu.memory_space<hbm>>
            %dma_wait3A_505 = arith.constant 0 : i32
            %dma_wait3A_506 = arith.constant 0 : i32
            %dma_wait3A_507 = tpu.memref_slice %arg6[%select_n3A_439, %dma_wait3A_505, %dma_wait3A_506] : memref<2x16x64xi32, #tpu.memory_space<vmem>> -> memref<1x16x64xi32, #tpu.memory_space<vmem>>
            %dma_wait3A_508 = tpu.memref_squeeze %dma_wait3A_507 : memref<1x16x64xi32, #tpu.memory_space<vmem>> -> memref<16x64xi32, #tpu.memory_space<vmem>>
            %dma_wait3A_509 = arith.constant 0 : i32
            %dma_wait3A_510 = tpu.memref_slice %arg3[%add3A, %multiple_of3A, %dma_wait3A_509] : memref<32x160x64xi32, #tpu.memory_space<hbm>> -> memref<1x16x64xi32, #tpu.memory_space<hbm>>
            %dma_wait3A_511 = tpu.memref_squeeze %dma_wait3A_510 : memref<1x16x64xi32, #tpu.memory_space<hbm>> -> memref<16x64xi32, #tpu.memory_space<hbm>>
            tpu.wait_dma2 semaphore(%run_scoped3A_483 : memref<!tpu.dma_semaphore, #tpu.memory_space<semaphore_mem>>) src(%dma_wait3A_511 : memref<16x64xi32, #tpu.memory_space<hbm>>) dst(%dma_wait3A_508 : memref<16x64xi32, #tpu.memory_space<vmem>>)
            tpu.yield
          }) : () -> ()
        } else {
        }
        %jit3A_461 = arith.constant 16 : i32
        %eq3A_462 = arith.constant 0 : i32
        %eq3A_463 = arith.cmpi eq, %jit3A_461, %eq3A_462 : i32
        %jit3A_464 = arith.constant 1 : i32
        %select_n3A_465 = arith.select %eq3A_463, %jit3A_464, %jit3A_461 : i32
        %rem3A_466 = arith.remsi %sub3A_180, %select_n3A_465 : i32
        %ne3A_467 = arith.constant 0 : i32
        %ne3A_468 = arith.cmpi ne, %rem3A_466, %ne3A_467 : i32
        %lt3A_469 = arith.constant 0 : i32
        %lt3A_470 = arith.cmpi slt, %rem3A_466, %lt3A_469 : i32
        %lt3A_471 = arith.constant 0 : i32
        %lt3A_472 = arith.cmpi slt, %select_n3A_465, %lt3A_471 : i32
        %ne3A_473 = arith.xori %lt3A_470, %lt3A_472 : i1
        %and3A_474 = arith.andi %ne3A_473, %ne3A_468 : i1
        %add3A_475 = arith.addi %rem3A_466, %select_n3A_465 : i32
        %select_n3A_476 = arith.select %and3A_474, %add3A_475, %rem3A_466 : i32
        %dma_start3A_477 = arith.constant 0 : i32
        %dma_start3A_478 = tpu.memref_slice %arg6[%select_n3A_439, %select_n3A_476, %dma_start3A_477] : memref<2x16x64xi32, #tpu.memory_space<vmem>> -> memref<1x1x64xi32, #tpu.memory_space<vmem>>
        %dma_start3A_479 = tpu.memref_squeeze %dma_start3A_478 : memref<1x1x64xi32, #tpu.memory_space<vmem>> -> memref<64xi32, #tpu.memory_space<vmem>>
        %dma_start3A_480 = arith.constant 0 : i32
        %dma_start3A_481 = arith.constant 0 : i32
        %dma_start3A_482 = tpu.memref_slice %arg2[%dma_start3A_480, %dma_start3A_481] : memref<10240x128xf32, #tpu.memory_space<hbm>> -> memref<10240x128xf32, #tpu.memory_space<hbm>>
        tpu.enqueue_indirect_dma source(%dma_start3A_482 : memref<10240x128xf32, #tpu.memory_space<hbm>>) target(%arg8 : memref<64x128xf32, #tpu.memory_space<vmem>>) offsets(%dma_start3A_479 : memref<64xi32, #tpu.memory_space<vmem>>) semaphore(%arg14 : memref<!tpu.dma_semaphore, #tpu.memory_space<semaphore_mem>>)
      } else {
      }
      %mul3A_186 = arith.constant 5 : i32
      %mul3A_187 = arith.muli %scan3A_52, %mul3A_186 : i32
      %add3A_188 = arith.constant 2 : i32
      %add3A_189 = arith.addi %mul3A_187, %add3A_188 : i32
      %dma_wait3A_190 = arith.constant 0 : i32
      %dma_wait3A_191 = arith.constant 0 : i32
      %dma_wait3A_192 = arith.constant 0 : i32
      %dma_wait3A_193 = tpu.memref_slice %arg6[%dma_wait3A_190, %dma_wait3A_191, %dma_wait3A_192] : memref<2x16x64xi32, #tpu.memory_space<vmem>> -> memref<1x1x64xi32, #tpu.memory_space<vmem>>
      %dma_wait3A_194 = tpu.memref_squeeze %dma_wait3A_193 : memref<1x1x64xi32, #tpu.memory_space<vmem>> -> memref<64xi32, #tpu.memory_space<vmem>>
      %dma_wait3A_195 = arith.constant 0 : i32
      %dma_wait3A_196 = arith.constant 0 : i32
      %dma_wait3A_197 = tpu.memref_slice %arg2[%dma_wait3A_195, %dma_wait3A_196] : memref<10240x128xf32, #tpu.memory_space<hbm>> -> memref<10240x128xf32, #tpu.memory_space<hbm>>
      tpu.wait_indirect_dma semaphore(%arg16 : memref<!tpu.dma_semaphore, #tpu.memory_space<semaphore_mem>>) src(%dma_wait3A_197 : memref<10240x128xf32, #tpu.memory_space<hbm>>) dst(%arg10 : memref<64x128xf32, #tpu.memory_space<vmem>>)
      %gt3A_198 = arith.constant 0 : i32
      %gt3A_199 = arith.cmpi sgt, %add3A_189, %gt3A_198 : i32
      %convert_element_type3A_200 = arith.extui %gt3A_199 : i1 to i32
      %cond3A_201 = arith.constant 0 : i32
      %cond3A_202 = arith.cmpi ne, %convert_element_type3A_200, %cond3A_201 : i32
      scf.if %cond3A_202 {
        %dma_wait3A_402 = arith.constant 0 : i32
        %dma_wait3A_403 = arith.constant 0 : i32
        %dma_wait3A_404 = tpu.memref_slice %arg7[%dma_wait3A_402, %dma_wait3A_403] : memref<16x64xi32, #tpu.memory_space<vmem>> -> memref<1x64xi32, #tpu.memory_space<vmem>>
        %dma_wait3A_405 = tpu.memref_squeeze %dma_wait3A_404 : memref<1x64xi32, #tpu.memory_space<vmem>> -> memref<64xi32, #tpu.memory_space<vmem>>
        %dma_wait3A_406 = arith.constant 0 : i32
        %dma_wait3A_407 = arith.constant 0 : i32
        %dma_wait3A_408 = tpu.memref_slice %arg13[%dma_wait3A_406, %dma_wait3A_407] : memref<10240x128xf32, #tpu.memory_space<vmem_shared>> -> memref<10240x128xf32, #tpu.memory_space<vmem_shared>>
        tpu.wait_indirect_dma semaphore(%arg20 : memref<!tpu.dma_semaphore, #tpu.memory_space<semaphore_mem>>) src(%arg9 : memref<64x128xf32, #tpu.memory_space<vmem>>) dst(%dma_wait3A_408 : memref<10240x128xf32, #tpu.memory_space<vmem_shared>>)
      } else {
      }
      %jit3A_203 = arith.constant 16 : i32
      %eq3A_204 = arith.constant 0 : i32
      %eq3A_205 = arith.cmpi eq, %jit3A_203, %eq3A_204 : i32
      %jit3A_206 = arith.constant 1 : i32
      %select_n3A_207 = arith.select %eq3A_205, %jit3A_206, %jit3A_203 : i32
      %rem3A_208 = arith.remsi %add3A_189, %select_n3A_207 : i32
      %ne3A_209 = arith.constant 0 : i32
      %ne3A_210 = arith.cmpi ne, %rem3A_208, %ne3A_209 : i32
      %lt3A_211 = arith.constant 0 : i32
      %lt3A_212 = arith.cmpi slt, %rem3A_208, %lt3A_211 : i32
      %lt3A_213 = arith.constant 0 : i32
      %lt3A_214 = arith.cmpi slt, %select_n3A_207, %lt3A_213 : i32
      %ne3A_215 = arith.xori %lt3A_212, %lt3A_214 : i1
      %and3A_216 = arith.andi %ne3A_215, %ne3A_210 : i1
      %add3A_217 = arith.addi %rem3A_208, %select_n3A_207 : i32
      %select_n3A_218 = arith.select %and3A_216, %add3A_217, %rem3A_208 : i32
      %eq3A_219 = arith.constant 0 : i32
      %eq3A_220 = arith.cmpi eq, %select_n3A_218, %eq3A_219 : i32
      %gt3A_221 = arith.constant 0 : i32
      %gt3A_222 = arith.cmpi sgt, %add3A_189, %gt3A_221 : i32
      %and3A_223 = arith.andi %eq3A_220, %gt3A_222 : i1
      %convert_element_type3A_224 = arith.extui %and3A_223 : i1 to i32
      %cond3A_225 = arith.constant 0 : i32
      %cond3A_226 = arith.cmpi ne, %convert_element_type3A_224, %cond3A_225 : i32
      scf.if %cond3A_226 {
        %multiple_of3A = tpu.assume_multiple %add3A_189, 16 : i32
        "tpu.region"() ({
          %run_scoped3A_402 = tpu.sem_alloc : memref<!tpu.dma_semaphore, #tpu.memory_space<semaphore_mem>>
          %dma_start3A_403 = arith.constant 0 : i32
          %dma_start3A_404 = tpu.memref_slice %arg4[%add3A, %multiple_of3A, %dma_start3A_403] : memref<32x160x64xi32, #tpu.memory_space<hbm>> -> memref<1x16x64xi32, #tpu.memory_space<hbm>>
          %dma_start3A_405 = tpu.memref_squeeze %dma_start3A_404 : memref<1x16x64xi32, #tpu.memory_space<hbm>> -> memref<16x64xi32, #tpu.memory_space<hbm>>
          %dma_start3A_406 = arith.constant 0 : i32
          %dma_start3A_407 = tpu.memref_slice %arg4[%add3A, %multiple_of3A, %dma_start3A_406] : memref<32x160x64xi32, #tpu.memory_space<hbm>> -> memref<1x16x64xi32, #tpu.memory_space<hbm>>
          %dma_start3A_408 = tpu.memref_squeeze %dma_start3A_407 : memref<1x16x64xi32, #tpu.memory_space<hbm>> -> memref<16x64xi32, #tpu.memory_space<hbm>>
          tpu.enqueue_dma source(%dma_start3A_408 : memref<16x64xi32, #tpu.memory_space<hbm>>) target(%arg7 : memref<16x64xi32, #tpu.memory_space<vmem>>) target_semaphore(%run_scoped3A_402 : memref<!tpu.dma_semaphore, #tpu.memory_space<semaphore_mem>>)
          %dma_wait3A_409 = arith.constant 0 : i32
          %dma_wait3A_410 = tpu.memref_slice %arg4[%add3A, %multiple_of3A, %dma_wait3A_409] : memref<32x160x64xi32, #tpu.memory_space<hbm>> -> memref<1x16x64xi32, #tpu.memory_space<hbm>>
          %dma_wait3A_411 = tpu.memref_squeeze %dma_wait3A_410 : memref<1x16x64xi32, #tpu.memory_space<hbm>> -> memref<16x64xi32, #tpu.memory_space<hbm>>
          %dma_wait3A_412 = arith.constant 0 : i32
          %dma_wait3A_413 = tpu.memref_slice %arg4[%add3A, %multiple_of3A, %dma_wait3A_412] : memref<32x160x64xi32, #tpu.memory_space<hbm>> -> memref<1x16x64xi32, #tpu.memory_space<hbm>>
          %dma_wait3A_414 = tpu.memref_squeeze %dma_wait3A_413 : memref<1x16x64xi32, #tpu.memory_space<hbm>> -> memref<16x64xi32, #tpu.memory_space<hbm>>
          tpu.wait_dma2 semaphore(%run_scoped3A_402 : memref<!tpu.dma_semaphore, #tpu.memory_space<semaphore_mem>>) src(%dma_wait3A_414 : memref<16x64xi32, #tpu.memory_space<hbm>>) dst(%arg7 : memref<16x64xi32, #tpu.memory_space<vmem>>)
          tpu.yield
        }) : () -> ()
      } else {
      }
      %jit3A_227 = arith.constant 16 : i32
      %eq3A_228 = arith.constant 0 : i32
      %eq3A_229 = arith.cmpi eq, %jit3A_227, %eq3A_228 : i32
      %jit3A_230 = arith.constant 1 : i32
      %select_n3A_231 = arith.select %eq3A_229, %jit3A_230, %jit3A_227 : i32
      %rem3A_232 = arith.remsi %add3A_189, %select_n3A_231 : i32
      %ne3A_233 = arith.constant 0 : i32
      %ne3A_234 = arith.cmpi ne, %rem3A_232, %ne3A_233 : i32
      %lt3A_235 = arith.constant 0 : i32
      %lt3A_236 = arith.cmpi slt, %rem3A_232, %lt3A_235 : i32
      %lt3A_237 = arith.constant 0 : i32
      %lt3A_238 = arith.cmpi slt, %select_n3A_231, %lt3A_237 : i32
      %ne3A_239 = arith.xori %lt3A_236, %lt3A_238 : i1
      %and3A_240 = arith.andi %ne3A_239, %ne3A_234 : i1
      %add3A_241 = arith.addi %rem3A_232, %select_n3A_231 : i32
      %select_n3A_242 = arith.select %and3A_240, %add3A_241, %rem3A_232 : i32
      %dma_start3A_243 = arith.constant 0 : i32
      %dma_start3A_244 = tpu.memref_slice %arg7[%select_n3A_242, %dma_start3A_243] : memref<16x64xi32, #tpu.memory_space<vmem>> -> memref<1x64xi32, #tpu.memory_space<vmem>>
      %dma_start3A_245 = tpu.memref_squeeze %dma_start3A_244 : memref<1x64xi32, #tpu.memory_space<vmem>> -> memref<64xi32, #tpu.memory_space<vmem>>
      %dma_start3A_246 = arith.constant 0 : i32
      %dma_start3A_247 = arith.constant 0 : i32
      %dma_start3A_248 = tpu.memref_slice %arg13[%dma_start3A_246, %dma_start3A_247] : memref<10240x128xf32, #tpu.memory_space<vmem_shared>> -> memref<10240x128xf32, #tpu.memory_space<vmem_shared>>
      tpu.enqueue_indirect_dma source(%arg10 : memref<64x128xf32, #tpu.memory_space<vmem>>) target(%dma_start3A_248 : memref<10240x128xf32, #tpu.memory_space<vmem_shared>>) offsets(%dma_start3A_245 : memref<64xi32, #tpu.memory_space<vmem>>) semaphore(%arg21 : memref<!tpu.dma_semaphore, #tpu.memory_space<semaphore_mem>>) {add = true}
      %add3A_249 = arith.constant 5 : i32
      %add3A_250 = arith.addi %add3A_189, %add3A_249 : i32
      %sub3A_251 = arith.constant 1 : i32
      %sub3A_252 = arith.subi %add3A_250, %sub3A_251 : i32
      %lt3A_253 = arith.constant 160 : i32
      %lt3A_254 = arith.cmpi slt, %sub3A_252, %lt3A_253 : i32
      %convert_element_type3A_255 = arith.extui %lt3A_254 : i1 to i32
      %cond3A_256 = arith.constant 0 : i32
      %cond3A_257 = arith.cmpi ne, %convert_element_type3A_255, %cond3A_256 : i32
      scf.if %cond3A_257 {
        %jit3A_402 = arith.constant 16 : i32
        %div3A = arith.divsi %sub3A_252, %jit3A_402 : i32
        %sign3A = arith.constant 0 : i32
        %sign3A_403 = arith.cmpi sgt, %sub3A_252, %sign3A : i32
        %sign3A_404 = arith.extui %sign3A_403 : i1 to i32
        %sign3A_405 = arith.constant 0 : i32
        %sign3A_406 = arith.cmpi slt, %sub3A_252, %sign3A_405 : i32
        %sign3A_407 = arith.extui %sign3A_406 : i1 to i32
        %sign3A_408 = arith.subi %sign3A_404, %sign3A_407 : i32
        %sign3A_409 = arith.constant 0 : i32
        %sign3A_410 = arith.cmpi sgt, %jit3A_402, %sign3A_409 : i32
        %sign3A_411 = arith.extui %sign3A_410 : i1 to i32
        %sign3A_412 = arith.constant 0 : i32
        %sign3A_413 = arith.cmpi slt, %jit3A_402, %sign3A_412 : i32
        %sign3A_414 = arith.extui %sign3A_413 : i1 to i32
        %sign3A_415 = arith.subi %sign3A_411, %sign3A_414 : i32
        %ne3A_416 = arith.cmpi ne, %sign3A_408, %sign3A_415 : i32
        %rem3A_417 = arith.remsi %sub3A_252, %jit3A_402 : i32
        %ne3A_418 = arith.constant 0 : i32
        %ne3A_419 = arith.cmpi ne, %rem3A_417, %ne3A_418 : i32
        %and3A_420 = arith.andi %ne3A_416, %ne3A_419 : i1
        %sub3A_421 = arith.constant 1 : i32
        %sub3A_422 = arith.subi %div3A, %sub3A_421 : i32
        %select_n3A_423 = arith.select %and3A_420, %sub3A_422, %div3A : i32
        %jit3A_424 = arith.constant 2 : i32
        %eq3A_425 = arith.constant 0 : i32
        %eq3A_426 = arith.cmpi eq, %jit3A_424, %eq3A_425 : i32
        %jit3A_427 = arith.constant 1 : i32
        %select_n3A_428 = arith.select %eq3A_426, %jit3A_427, %jit3A_424 : i32
        %rem3A_429 = arith.remsi %select_n3A_423, %select_n3A_428 : i32
        %ne3A_430 = arith.constant 0 : i32
        %ne3A_431 = arith.cmpi ne, %rem3A_429, %ne3A_430 : i32
        %lt3A_432 = arith.constant 0 : i32
        %lt3A_433 = arith.cmpi slt, %rem3A_429, %lt3A_432 : i32
        %lt3A_434 = arith.constant 0 : i32
        %lt3A_435 = arith.cmpi slt, %select_n3A_428, %lt3A_434 : i32
        %ne3A_436 = arith.xori %lt3A_433, %lt3A_435 : i1
        %and3A_437 = arith.andi %ne3A_436, %ne3A_431 : i1
        %add3A_438 = arith.addi %rem3A_429, %select_n3A_428 : i32
        %select_n3A_439 = arith.select %and3A_437, %add3A_438, %rem3A_429 : i32
        %jit3A_440 = arith.constant 16 : i32
        %eq3A_441 = arith.constant 0 : i32
        %eq3A_442 = arith.cmpi eq, %jit3A_440, %eq3A_441 : i32
        %jit3A_443 = arith.constant 1 : i32
        %select_n3A_444 = arith.select %eq3A_442, %jit3A_443, %jit3A_440 : i32
        %rem3A_445 = arith.remsi %sub3A_252, %select_n3A_444 : i32
        %ne3A_446 = arith.constant 0 : i32
        %ne3A_447 = arith.cmpi ne, %rem3A_445, %ne3A_446 : i32
        %lt3A_448 = arith.constant 0 : i32
        %lt3A_449 = arith.cmpi slt, %rem3A_445, %lt3A_448 : i32
        %lt3A_450 = arith.constant 0 : i32
        %lt3A_451 = arith.cmpi slt, %select_n3A_444, %lt3A_450 : i32
        %ne3A_452 = arith.xori %lt3A_449, %lt3A_451 : i1
        %and3A_453 = arith.andi %ne3A_452, %ne3A_447 : i1
        %add3A_454 = arith.addi %rem3A_445, %select_n3A_444 : i32
        %select_n3A_455 = arith.select %and3A_453, %add3A_454, %rem3A_445 : i32
        %eq3A_456 = arith.constant 0 : i32
        %eq3A_457 = arith.cmpi eq, %select_n3A_455, %eq3A_456 : i32
        %convert_element_type3A_458 = arith.extui %eq3A_457 : i1 to i32
        %cond3A_459 = arith.constant 0 : i32
        %cond3A_460 = arith.cmpi ne, %convert_element_type3A_458, %cond3A_459 : i32
        scf.if %cond3A_460 {
          %multiple_of3A = tpu.assume_multiple %sub3A_252, 16 : i32
          "tpu.region"() ({
            %run_scoped3A_483 = tpu.sem_alloc : memref<!tpu.dma_semaphore, #tpu.memory_space<semaphore_mem>>
            %dma_start3A_484 = arith.constant 0 : i32
            %dma_start3A_485 = arith.constant 0 : i32
            %dma_start3A_486 = tpu.memref_slice %arg6[%select_n3A_439, %dma_start3A_484, %dma_start3A_485] : memref<2x16x64xi32, #tpu.memory_space<vmem>> -> memref<1x16x64xi32, #tpu.memory_space<vmem>>
            %dma_start3A_487 = tpu.memref_squeeze %dma_start3A_486 : memref<1x16x64xi32, #tpu.memory_space<vmem>> -> memref<16x64xi32, #tpu.memory_space<vmem>>
            %dma_start3A_488 = arith.constant 0 : i32
            %dma_start3A_489 = tpu.memref_slice %arg3[%add3A, %multiple_of3A, %dma_start3A_488] : memref<32x160x64xi32, #tpu.memory_space<hbm>> -> memref<1x16x64xi32, #tpu.memory_space<hbm>>
            %dma_start3A_490 = tpu.memref_squeeze %dma_start3A_489 : memref<1x16x64xi32, #tpu.memory_space<hbm>> -> memref<16x64xi32, #tpu.memory_space<hbm>>
            %dma_start3A_491 = arith.constant 0 : i32
            %dma_start3A_492 = arith.constant 0 : i32
            %dma_start3A_493 = tpu.memref_slice %arg6[%select_n3A_439, %dma_start3A_491, %dma_start3A_492] : memref<2x16x64xi32, #tpu.memory_space<vmem>> -> memref<1x16x64xi32, #tpu.memory_space<vmem>>
            %dma_start3A_494 = tpu.memref_squeeze %dma_start3A_493 : memref<1x16x64xi32, #tpu.memory_space<vmem>> -> memref<16x64xi32, #tpu.memory_space<vmem>>
            %dma_start3A_495 = arith.constant 0 : i32
            %dma_start3A_496 = tpu.memref_slice %arg3[%add3A, %multiple_of3A, %dma_start3A_495] : memref<32x160x64xi32, #tpu.memory_space<hbm>> -> memref<1x16x64xi32, #tpu.memory_space<hbm>>
            %dma_start3A_497 = tpu.memref_squeeze %dma_start3A_496 : memref<1x16x64xi32, #tpu.memory_space<hbm>> -> memref<16x64xi32, #tpu.memory_space<hbm>>
            tpu.enqueue_dma source(%dma_start3A_497 : memref<16x64xi32, #tpu.memory_space<hbm>>) target(%dma_start3A_494 : memref<16x64xi32, #tpu.memory_space<vmem>>) target_semaphore(%run_scoped3A_483 : memref<!tpu.dma_semaphore, #tpu.memory_space<semaphore_mem>>)
            %dma_wait3A_498 = arith.constant 0 : i32
            %dma_wait3A_499 = arith.constant 0 : i32
            %dma_wait3A_500 = tpu.memref_slice %arg6[%select_n3A_439, %dma_wait3A_498, %dma_wait3A_499] : memref<2x16x64xi32, #tpu.memory_space<vmem>> -> memref<1x16x64xi32, #tpu.memory_space<vmem>>
            %dma_wait3A_501 = tpu.memref_squeeze %dma_wait3A_500 : memref<1x16x64xi32, #tpu.memory_space<vmem>> -> memref<16x64xi32, #tpu.memory_space<vmem>>
            %dma_wait3A_502 = arith.constant 0 : i32
            %dma_wait3A_503 = tpu.memref_slice %arg3[%add3A, %multiple_of3A, %dma_wait3A_502] : memref<32x160x64xi32, #tpu.memory_space<hbm>> -> memref<1x16x64xi32, #tpu.memory_space<hbm>>
            %dma_wait3A_504 = tpu.memref_squeeze %dma_wait3A_503 : memref<1x16x64xi32, #tpu.memory_space<hbm>> -> memref<16x64xi32, #tpu.memory_space<hbm>>
            %dma_wait3A_505 = arith.constant 0 : i32
            %dma_wait3A_506 = arith.constant 0 : i32
            %dma_wait3A_507 = tpu.memref_slice %arg6[%select_n3A_439, %dma_wait3A_505, %dma_wait3A_506] : memref<2x16x64xi32, #tpu.memory_space<vmem>> -> memref<1x16x64xi32, #tpu.memory_space<vmem>>
            %dma_wait3A_508 = tpu.memref_squeeze %dma_wait3A_507 : memref<1x16x64xi32, #tpu.memory_space<vmem>> -> memref<16x64xi32, #tpu.memory_space<vmem>>
            %dma_wait3A_509 = arith.constant 0 : i32
            %dma_wait3A_510 = tpu.memref_slice %arg3[%add3A, %multiple_of3A, %dma_wait3A_509] : memref<32x160x64xi32, #tpu.memory_space<hbm>> -> memref<1x16x64xi32, #tpu.memory_space<hbm>>
            %dma_wait3A_511 = tpu.memref_squeeze %dma_wait3A_510 : memref<1x16x64xi32, #tpu.memory_space<hbm>> -> memref<16x64xi32, #tpu.memory_space<hbm>>
            tpu.wait_dma2 semaphore(%run_scoped3A_483 : memref<!tpu.dma_semaphore, #tpu.memory_space<semaphore_mem>>) src(%dma_wait3A_511 : memref<16x64xi32, #tpu.memory_space<hbm>>) dst(%dma_wait3A_508 : memref<16x64xi32, #tpu.memory_space<vmem>>)
            tpu.yield
          }) : () -> ()
        } else {
        }
        %jit3A_461 = arith.constant 16 : i32
        %eq3A_462 = arith.constant 0 : i32
        %eq3A_463 = arith.cmpi eq, %jit3A_461, %eq3A_462 : i32
        %jit3A_464 = arith.constant 1 : i32
        %select_n3A_465 = arith.select %eq3A_463, %jit3A_464, %jit3A_461 : i32
        %rem3A_466 = arith.remsi %sub3A_252, %select_n3A_465 : i32
        %ne3A_467 = arith.constant 0 : i32
        %ne3A_468 = arith.cmpi ne, %rem3A_466, %ne3A_467 : i32
        %lt3A_469 = arith.constant 0 : i32
        %lt3A_470 = arith.cmpi slt, %rem3A_466, %lt3A_469 : i32
        %lt3A_471 = arith.constant 0 : i32
        %lt3A_472 = arith.cmpi slt, %select_n3A_465, %lt3A_471 : i32
        %ne3A_473 = arith.xori %lt3A_470, %lt3A_472 : i1
        %and3A_474 = arith.andi %ne3A_473, %ne3A_468 : i1
        %add3A_475 = arith.addi %rem3A_466, %select_n3A_465 : i32
        %select_n3A_476 = arith.select %and3A_474, %add3A_475, %rem3A_466 : i32
        %dma_start3A_477 = arith.constant 0 : i32
        %dma_start3A_478 = tpu.memref_slice %arg6[%select_n3A_439, %select_n3A_476, %dma_start3A_477] : memref<2x16x64xi32, #tpu.memory_space<vmem>> -> memref<1x1x64xi32, #tpu.memory_space<vmem>>
        %dma_start3A_479 = tpu.memref_squeeze %dma_start3A_478 : memref<1x1x64xi32, #tpu.memory_space<vmem>> -> memref<64xi32, #tpu.memory_space<vmem>>
        %dma_start3A_480 = arith.constant 0 : i32
        %dma_start3A_481 = arith.constant 0 : i32
        %dma_start3A_482 = tpu.memref_slice %arg2[%dma_start3A_480, %dma_start3A_481] : memref<10240x128xf32, #tpu.memory_space<hbm>> -> memref<10240x128xf32, #tpu.memory_space<hbm>>
        tpu.enqueue_indirect_dma source(%dma_start3A_482 : memref<10240x128xf32, #tpu.memory_space<hbm>>) target(%arg9 : memref<64x128xf32, #tpu.memory_space<vmem>>) offsets(%dma_start3A_479 : memref<64xi32, #tpu.memory_space<vmem>>) semaphore(%arg15 : memref<!tpu.dma_semaphore, #tpu.memory_space<semaphore_mem>>)
      } else {
      }
      %mul3A_258 = arith.constant 5 : i32
      %mul3A_259 = arith.muli %scan3A_52, %mul3A_258 : i32
      %add3A_260 = arith.constant 3 : i32
      %add3A_261 = arith.addi %mul3A_259, %add3A_260 : i32
      %dma_wait3A_262 = arith.constant 0 : i32
      %dma_wait3A_263 = arith.constant 0 : i32
      %dma_wait3A_264 = arith.constant 0 : i32
      %dma_wait3A_265 = tpu.memref_slice %arg6[%dma_wait3A_262, %dma_wait3A_263, %dma_wait3A_264] : memref<2x16x64xi32, #tpu.memory_space<vmem>> -> memref<1x1x64xi32, #tpu.memory_space<vmem>>
      %dma_wait3A_266 = tpu.memref_squeeze %dma_wait3A_265 : memref<1x1x64xi32, #tpu.memory_space<vmem>> -> memref<64xi32, #tpu.memory_space<vmem>>
      %dma_wait3A_267 = arith.constant 0 : i32
      %dma_wait3A_268 = arith.constant 0 : i32
      %dma_wait3A_269 = tpu.memref_slice %arg2[%dma_wait3A_267, %dma_wait3A_268] : memref<10240x128xf32, #tpu.memory_space<hbm>> -> memref<10240x128xf32, #tpu.memory_space<hbm>>
      tpu.wait_indirect_dma semaphore(%arg17 : memref<!tpu.dma_semaphore, #tpu.memory_space<semaphore_mem>>) src(%dma_wait3A_269 : memref<10240x128xf32, #tpu.memory_space<hbm>>) dst(%arg11 : memref<64x128xf32, #tpu.memory_space<vmem>>)
      %gt3A_270 = arith.constant 0 : i32
      %gt3A_271 = arith.cmpi sgt, %add3A_261, %gt3A_270 : i32
      %convert_element_type3A_272 = arith.extui %gt3A_271 : i1 to i32
      %cond3A_273 = arith.constant 0 : i32
      %cond3A_274 = arith.cmpi ne, %convert_element_type3A_272, %cond3A_273 : i32
      scf.if %cond3A_274 {
        %dma_wait3A_402 = arith.constant 0 : i32
        %dma_wait3A_403 = arith.constant 0 : i32
        %dma_wait3A_404 = tpu.memref_slice %arg7[%dma_wait3A_402, %dma_wait3A_403] : memref<16x64xi32, #tpu.memory_space<vmem>> -> memref<1x64xi32, #tpu.memory_space<vmem>>
        %dma_wait3A_405 = tpu.memref_squeeze %dma_wait3A_404 : memref<1x64xi32, #tpu.memory_space<vmem>> -> memref<64xi32, #tpu.memory_space<vmem>>
        %dma_wait3A_406 = arith.constant 0 : i32
        %dma_wait3A_407 = arith.constant 0 : i32
        %dma_wait3A_408 = tpu.memref_slice %arg13[%dma_wait3A_406, %dma_wait3A_407] : memref<10240x128xf32, #tpu.memory_space<vmem_shared>> -> memref<10240x128xf32, #tpu.memory_space<vmem_shared>>
        tpu.wait_indirect_dma semaphore(%arg21 : memref<!tpu.dma_semaphore, #tpu.memory_space<semaphore_mem>>) src(%arg10 : memref<64x128xf32, #tpu.memory_space<vmem>>) dst(%dma_wait3A_408 : memref<10240x128xf32, #tpu.memory_space<vmem_shared>>)
      } else {
      }
      %jit3A_275 = arith.constant 16 : i32
      %eq3A_276 = arith.constant 0 : i32
      %eq3A_277 = arith.cmpi eq, %jit3A_275, %eq3A_276 : i32
      %jit3A_278 = arith.constant 1 : i32
      %select_n3A_279 = arith.select %eq3A_277, %jit3A_278, %jit3A_275 : i32
      %rem3A_280 = arith.remsi %add3A_261, %select_n3A_279 : i32
      %ne3A_281 = arith.constant 0 : i32
      %ne3A_282 = arith.cmpi ne, %rem3A_280, %ne3A_281 : i32
      %lt3A_283 = arith.constant 0 : i32
      %lt3A_284 = arith.cmpi slt, %rem3A_280, %lt3A_283 : i32
      %lt3A_285 = arith.constant 0 : i32
      %lt3A_286 = arith.cmpi slt, %select_n3A_279, %lt3A_285 : i32
      %ne3A_287 = arith.xori %lt3A_284, %lt3A_286 : i1
      %and3A_288 = arith.andi %ne3A_287, %ne3A_282 : i1
      %add3A_289 = arith.addi %rem3A_280, %select_n3A_279 : i32
      %select_n3A_290 = arith.select %and3A_288, %add3A_289, %rem3A_280 : i32
      %eq3A_291 = arith.constant 0 : i32
      %eq3A_292 = arith.cmpi eq, %select_n3A_290, %eq3A_291 : i32
      %gt3A_293 = arith.constant 0 : i32
      %gt3A_294 = arith.cmpi sgt, %add3A_261, %gt3A_293 : i32
      %and3A_295 = arith.andi %eq3A_292, %gt3A_294 : i1
      %convert_element_type3A_296 = arith.extui %and3A_295 : i1 to i32
      %cond3A_297 = arith.constant 0 : i32
      %cond3A_298 = arith.cmpi ne, %convert_element_type3A_296, %cond3A_297 : i32
      scf.if %cond3A_298 {
        %multiple_of3A = tpu.assume_multiple %add3A_261, 16 : i32
        "tpu.region"() ({
          %run_scoped3A_402 = tpu.sem_alloc : memref<!tpu.dma_semaphore, #tpu.memory_space<semaphore_mem>>
          %dma_start3A_403 = arith.constant 0 : i32
          %dma_start3A_404 = tpu.memref_slice %arg4[%add3A, %multiple_of3A, %dma_start3A_403] : memref<32x160x64xi32, #tpu.memory_space<hbm>> -> memref<1x16x64xi32, #tpu.memory_space<hbm>>
          %dma_start3A_405 = tpu.memref_squeeze %dma_start3A_404 : memref<1x16x64xi32, #tpu.memory_space<hbm>> -> memref<16x64xi32, #tpu.memory_space<hbm>>
          %dma_start3A_406 = arith.constant 0 : i32
          %dma_start3A_407 = tpu.memref_slice %arg4[%add3A, %multiple_of3A, %dma_start3A_406] : memref<32x160x64xi32, #tpu.memory_space<hbm>> -> memref<1x16x64xi32, #tpu.memory_space<hbm>>
          %dma_start3A_408 = tpu.memref_squeeze %dma_start3A_407 : memref<1x16x64xi32, #tpu.memory_space<hbm>> -> memref<16x64xi32, #tpu.memory_space<hbm>>
          tpu.enqueue_dma source(%dma_start3A_408 : memref<16x64xi32, #tpu.memory_space<hbm>>) target(%arg7 : memref<16x64xi32, #tpu.memory_space<vmem>>) target_semaphore(%run_scoped3A_402 : memref<!tpu.dma_semaphore, #tpu.memory_space<semaphore_mem>>)
          %dma_wait3A_409 = arith.constant 0 : i32
          %dma_wait3A_410 = tpu.memref_slice %arg4[%add3A, %multiple_of3A, %dma_wait3A_409] : memref<32x160x64xi32, #tpu.memory_space<hbm>> -> memref<1x16x64xi32, #tpu.memory_space<hbm>>
          %dma_wait3A_411 = tpu.memref_squeeze %dma_wait3A_410 : memref<1x16x64xi32, #tpu.memory_space<hbm>> -> memref<16x64xi32, #tpu.memory_space<hbm>>
          %dma_wait3A_412 = arith.constant 0 : i32
          %dma_wait3A_413 = tpu.memref_slice %arg4[%add3A, %multiple_of3A, %dma_wait3A_412] : memref<32x160x64xi32, #tpu.memory_space<hbm>> -> memref<1x16x64xi32, #tpu.memory_space<hbm>>
          %dma_wait3A_414 = tpu.memref_squeeze %dma_wait3A_413 : memref<1x16x64xi32, #tpu.memory_space<hbm>> -> memref<16x64xi32, #tpu.memory_space<hbm>>
          tpu.wait_dma2 semaphore(%run_scoped3A_402 : memref<!tpu.dma_semaphore, #tpu.memory_space<semaphore_mem>>) src(%dma_wait3A_414 : memref<16x64xi32, #tpu.memory_space<hbm>>) dst(%arg7 : memref<16x64xi32, #tpu.memory_space<vmem>>)
          tpu.yield
        }) : () -> ()
      } else {
      }
      %jit3A_299 = arith.constant 16 : i32
      %eq3A_300 = arith.constant 0 : i32
      %eq3A_301 = arith.cmpi eq, %jit3A_299, %eq3A_300 : i32
      %jit3A_302 = arith.constant 1 : i32
      %select_n3A_303 = arith.select %eq3A_301, %jit3A_302, %jit3A_299 : i32
      %rem3A_304 = arith.remsi %add3A_261, %select_n3A_303 : i32
      %ne3A_305 = arith.constant 0 : i32
      %ne3A_306 = arith.cmpi ne, %rem3A_304, %ne3A_305 : i32
      %lt3A_307 = arith.constant 0 : i32
      %lt3A_308 = arith.cmpi slt, %rem3A_304, %lt3A_307 : i32
      %lt3A_309 = arith.constant 0 : i32
      %lt3A_310 = arith.cmpi slt, %select_n3A_303, %lt3A_309 : i32
      %ne3A_311 = arith.xori %lt3A_308, %lt3A_310 : i1
      %and3A_312 = arith.andi %ne3A_311, %ne3A_306 : i1
      %add3A_313 = arith.addi %rem3A_304, %select_n3A_303 : i32
      %select_n3A_314 = arith.select %and3A_312, %add3A_313, %rem3A_304 : i32
      %dma_start3A_315 = arith.constant 0 : i32
      %dma_start3A_316 = tpu.memref_slice %arg7[%select_n3A_314, %dma_start3A_315] : memref<16x64xi32, #tpu.memory_space<vmem>> -> memref<1x64xi32, #tpu.memory_space<vmem>>
      %dma_start3A_317 = tpu.memref_squeeze %dma_start3A_316 : memref<1x64xi32, #tpu.memory_space<vmem>> -> memref<64xi32, #tpu.memory_space<vmem>>
      %dma_start3A_318 = arith.constant 0 : i32
      %dma_start3A_319 = arith.constant 0 : i32
      %dma_start3A_320 = tpu.memref_slice %arg13[%dma_start3A_318, %dma_start3A_319] : memref<10240x128xf32, #tpu.memory_space<vmem_shared>> -> memref<10240x128xf32, #tpu.memory_space<vmem_shared>>
      tpu.enqueue_indirect_dma source(%arg11 : memref<64x128xf32, #tpu.memory_space<vmem>>) target(%dma_start3A_320 : memref<10240x128xf32, #tpu.memory_space<vmem_shared>>) offsets(%dma_start3A_317 : memref<64xi32, #tpu.memory_space<vmem>>) semaphore(%arg22 : memref<!tpu.dma_semaphore, #tpu.memory_space<semaphore_mem>>) {add = true}
      %add3A_321 = arith.constant 5 : i32
      %add3A_322 = arith.addi %add3A_261, %add3A_321 : i32
      %sub3A_323 = arith.constant 1 : i32
      %sub3A_324 = arith.subi %add3A_322, %sub3A_323 : i32
      %lt3A_325 = arith.constant 160 : i32
      %lt3A_326 = arith.cmpi slt, %sub3A_324, %lt3A_325 : i32
      %convert_element_type3A_327 = arith.extui %lt3A_326 : i1 to i32
      %cond3A_328 = arith.constant 0 : i32
      %cond3A_329 = arith.cmpi ne, %convert_element_type3A_327, %cond3A_328 : i32
      scf.if %cond3A_329 {
        %jit3A_402 = arith.constant 16 : i32
        %div3A = arith.divsi %sub3A_324, %jit3A_402 : i32
        %sign3A = arith.constant 0 : i32
        %sign3A_403 = arith.cmpi sgt, %sub3A_324, %sign3A : i32
        %sign3A_404 = arith.extui %sign3A_403 : i1 to i32
        %sign3A_405 = arith.constant 0 : i32
        %sign3A_406 = arith.cmpi slt, %sub3A_324, %sign3A_405 : i32
        %sign3A_407 = arith.extui %sign3A_406 : i1 to i32
        %sign3A_408 = arith.subi %sign3A_404, %sign3A_407 : i32
        %sign3A_409 = arith.constant 0 : i32
        %sign3A_410 = arith.cmpi sgt, %jit3A_402, %sign3A_409 : i32
        %sign3A_411 = arith.extui %sign3A_410 : i1 to i32
        %sign3A_412 = arith.constant 0 : i32
        %sign3A_413 = arith.cmpi slt, %jit3A_402, %sign3A_412 : i32
        %sign3A_414 = arith.extui %sign3A_413 : i1 to i32
        %sign3A_415 = arith.subi %sign3A_411, %sign3A_414 : i32
        %ne3A_416 = arith.cmpi ne, %sign3A_408, %sign3A_415 : i32
        %rem3A_417 = arith.remsi %sub3A_324, %jit3A_402 : i32
        %ne3A_418 = arith.constant 0 : i32
        %ne3A_419 = arith.cmpi ne, %rem3A_417, %ne3A_418 : i32
        %and3A_420 = arith.andi %ne3A_416, %ne3A_419 : i1
        %sub3A_421 = arith.constant 1 : i32
        %sub3A_422 = arith.subi %div3A, %sub3A_421 : i32
        %select_n3A_423 = arith.select %and3A_420, %sub3A_422, %div3A : i32
        %jit3A_424 = arith.constant 2 : i32
        %eq3A_425 = arith.constant 0 : i32
        %eq3A_426 = arith.cmpi eq, %jit3A_424, %eq3A_425 : i32
        %jit3A_427 = arith.constant 1 : i32
        %select_n3A_428 = arith.select %eq3A_426, %jit3A_427, %jit3A_424 : i32
        %rem3A_429 = arith.remsi %select_n3A_423, %select_n3A_428 : i32
        %ne3A_430 = arith.constant 0 : i32
        %ne3A_431 = arith.cmpi ne, %rem3A_429, %ne3A_430 : i32
        %lt3A_432 = arith.constant 0 : i32
        %lt3A_433 = arith.cmpi slt, %rem3A_429, %lt3A_432 : i32
        %lt3A_434 = arith.constant 0 : i32
        %lt3A_435 = arith.cmpi slt, %select_n3A_428, %lt3A_434 : i32
        %ne3A_436 = arith.xori %lt3A_433, %lt3A_435 : i1
        %and3A_437 = arith.andi %ne3A_436, %ne3A_431 : i1
        %add3A_438 = arith.addi %rem3A_429, %select_n3A_428 : i32
        %select_n3A_439 = arith.select %and3A_437, %add3A_438, %rem3A_429 : i32
        %jit3A_440 = arith.constant 16 : i32
        %eq3A_441 = arith.constant 0 : i32
        %eq3A_442 = arith.cmpi eq, %jit3A_440, %eq3A_441 : i32
        %jit3A_443 = arith.constant 1 : i32
        %select_n3A_444 = arith.select %eq3A_442, %jit3A_443, %jit3A_440 : i32
        %rem3A_445 = arith.remsi %sub3A_324, %select_n3A_444 : i32
        %ne3A_446 = arith.constant 0 : i32
        %ne3A_447 = arith.cmpi ne, %rem3A_445, %ne3A_446 : i32
        %lt3A_448 = arith.constant 0 : i32
        %lt3A_449 = arith.cmpi slt, %rem3A_445, %lt3A_448 : i32
        %lt3A_450 = arith.constant 0 : i32
        %lt3A_451 = arith.cmpi slt, %select_n3A_444, %lt3A_450 : i32
        %ne3A_452 = arith.xori %lt3A_449, %lt3A_451 : i1
        %and3A_453 = arith.andi %ne3A_452, %ne3A_447 : i1
        %add3A_454 = arith.addi %rem3A_445, %select_n3A_444 : i32
        %select_n3A_455 = arith.select %and3A_453, %add3A_454, %rem3A_445 : i32
        %eq3A_456 = arith.constant 0 : i32
        %eq3A_457 = arith.cmpi eq, %select_n3A_455, %eq3A_456 : i32
        %convert_element_type3A_458 = arith.extui %eq3A_457 : i1 to i32
        %cond3A_459 = arith.constant 0 : i32
        %cond3A_460 = arith.cmpi ne, %convert_element_type3A_458, %cond3A_459 : i32
        scf.if %cond3A_460 {
          %multiple_of3A = tpu.assume_multiple %sub3A_324, 16 : i32
          "tpu.region"() ({
            %run_scoped3A_483 = tpu.sem_alloc : memref<!tpu.dma_semaphore, #tpu.memory_space<semaphore_mem>>
            %dma_start3A_484 = arith.constant 0 : i32
            %dma_start3A_485 = arith.constant 0 : i32
            %dma_start3A_486 = tpu.memref_slice %arg6[%select_n3A_439, %dma_start3A_484, %dma_start3A_485] : memref<2x16x64xi32, #tpu.memory_space<vmem>> -> memref<1x16x64xi32, #tpu.memory_space<vmem>>
            %dma_start3A_487 = tpu.memref_squeeze %dma_start3A_486 : memref<1x16x64xi32, #tpu.memory_space<vmem>> -> memref<16x64xi32, #tpu.memory_space<vmem>>
            %dma_start3A_488 = arith.constant 0 : i32
            %dma_start3A_489 = tpu.memref_slice %arg3[%add3A, %multiple_of3A, %dma_start3A_488] : memref<32x160x64xi32, #tpu.memory_space<hbm>> -> memref<1x16x64xi32, #tpu.memory_space<hbm>>
            %dma_start3A_490 = tpu.memref_squeeze %dma_start3A_489 : memref<1x16x64xi32, #tpu.memory_space<hbm>> -> memref<16x64xi32, #tpu.memory_space<hbm>>
            %dma_start3A_491 = arith.constant 0 : i32
            %dma_start3A_492 = arith.constant 0 : i32
            %dma_start3A_493 = tpu.memref_slice %arg6[%select_n3A_439, %dma_start3A_491, %dma_start3A_492] : memref<2x16x64xi32, #tpu.memory_space<vmem>> -> memref<1x16x64xi32, #tpu.memory_space<vmem>>
            %dma_start3A_494 = tpu.memref_squeeze %dma_start3A_493 : memref<1x16x64xi32, #tpu.memory_space<vmem>> -> memref<16x64xi32, #tpu.memory_space<vmem>>
            %dma_start3A_495 = arith.constant 0 : i32
            %dma_start3A_496 = tpu.memref_slice %arg3[%add3A, %multiple_of3A, %dma_start3A_495] : memref<32x160x64xi32, #tpu.memory_space<hbm>> -> memref<1x16x64xi32, #tpu.memory_space<hbm>>
            %dma_start3A_497 = tpu.memref_squeeze %dma_start3A_496 : memref<1x16x64xi32, #tpu.memory_space<hbm>> -> memref<16x64xi32, #tpu.memory_space<hbm>>
            tpu.enqueue_dma source(%dma_start3A_497 : memref<16x64xi32, #tpu.memory_space<hbm>>) target(%dma_start3A_494 : memref<16x64xi32, #tpu.memory_space<vmem>>) target_semaphore(%run_scoped3A_483 : memref<!tpu.dma_semaphore, #tpu.memory_space<semaphore_mem>>)
            %dma_wait3A_498 = arith.constant 0 : i32
            %dma_wait3A_499 = arith.constant 0 : i32
            %dma_wait3A_500 = tpu.memref_slice %arg6[%select_n3A_439, %dma_wait3A_498, %dma_wait3A_499] : memref<2x16x64xi32, #tpu.memory_space<vmem>> -> memref<1x16x64xi32, #tpu.memory_space<vmem>>
            %dma_wait3A_501 = tpu.memref_squeeze %dma_wait3A_500 : memref<1x16x64xi32, #tpu.memory_space<vmem>> -> memref<16x64xi32, #tpu.memory_space<vmem>>
            %dma_wait3A_502 = arith.constant 0 : i32
            %dma_wait3A_503 = tpu.memref_slice %arg3[%add3A, %multiple_of3A, %dma_wait3A_502] : memref<32x160x64xi32, #tpu.memory_space<hbm>> -> memref<1x16x64xi32, #tpu.memory_space<hbm>>
            %dma_wait3A_504 = tpu.memref_squeeze %dma_wait3A_503 : memref<1x16x64xi32, #tpu.memory_space<hbm>> -> memref<16x64xi32, #tpu.memory_space<hbm>>
            %dma_wait3A_505 = arith.constant 0 : i32
            %dma_wait3A_506 = arith.constant 0 : i32
            %dma_wait3A_507 = tpu.memref_slice %arg6[%select_n3A_439, %dma_wait3A_505, %dma_wait3A_506] : memref<2x16x64xi32, #tpu.memory_space<vmem>> -> memref<1x16x64xi32, #tpu.memory_space<vmem>>
            %dma_wait3A_508 = tpu.memref_squeeze %dma_wait3A_507 : memref<1x16x64xi32, #tpu.memory_space<vmem>> -> memref<16x64xi32, #tpu.memory_space<vmem>>
            %dma_wait3A_509 = arith.constant 0 : i32
            %dma_wait3A_510 = tpu.memref_slice %arg3[%add3A, %multiple_of3A, %dma_wait3A_509] : memref<32x160x64xi32, #tpu.memory_space<hbm>> -> memref<1x16x64xi32, #tpu.memory_space<hbm>>
            %dma_wait3A_511 = tpu.memref_squeeze %dma_wait3A_510 : memref<1x16x64xi32, #tpu.memory_space<hbm>> -> memref<16x64xi32, #tpu.memory_space<hbm>>
            tpu.wait_dma2 semaphore(%run_scoped3A_483 : memref<!tpu.dma_semaphore, #tpu.memory_space<semaphore_mem>>) src(%dma_wait3A_511 : memref<16x64xi32, #tpu.memory_space<hbm>>) dst(%dma_wait3A_508 : memref<16x64xi32, #tpu.memory_space<vmem>>)
            tpu.yield
          }) : () -> ()
        } else {
        }
        %jit3A_461 = arith.constant 16 : i32
        %eq3A_462 = arith.constant 0 : i32
        %eq3A_463 = arith.cmpi eq, %jit3A_461, %eq3A_462 : i32
        %jit3A_464 = arith.constant 1 : i32
        %select_n3A_465 = arith.select %eq3A_463, %jit3A_464, %jit3A_461 : i32
        %rem3A_466 = arith.remsi %sub3A_324, %select_n3A_465 : i32
        %ne3A_467 = arith.constant 0 : i32
        %ne3A_468 = arith.cmpi ne, %rem3A_466, %ne3A_467 : i32
        %lt3A_469 = arith.constant 0 : i32
        %lt3A_470 = arith.cmpi slt, %rem3A_466, %lt3A_469 : i32
        %lt3A_471 = arith.constant 0 : i32
        %lt3A_472 = arith.cmpi slt, %select_n3A_465, %lt3A_471 : i32
        %ne3A_473 = arith.xori %lt3A_470, %lt3A_472 : i1
        %and3A_474 = arith.andi %ne3A_473, %ne3A_468 : i1
        %add3A_475 = arith.addi %rem3A_466, %select_n3A_465 : i32
        %select_n3A_476 = arith.select %and3A_474, %add3A_475, %rem3A_466 : i32
        %dma_start3A_477 = arith.constant 0 : i32
        %dma_start3A_478 = tpu.memref_slice %arg6[%select_n3A_439, %select_n3A_476, %dma_start3A_477] : memref<2x16x64xi32, #tpu.memory_space<vmem>> -> memref<1x1x64xi32, #tpu.memory_space<vmem>>
        %dma_start3A_479 = tpu.memref_squeeze %dma_start3A_478 : memref<1x1x64xi32, #tpu.memory_space<vmem>> -> memref<64xi32, #tpu.memory_space<vmem>>
        %dma_start3A_480 = arith.constant 0 : i32
        %dma_start3A_481 = arith.constant 0 : i32
        %dma_start3A_482 = tpu.memref_slice %arg2[%dma_start3A_480, %dma_start3A_481] : memref<10240x128xf32, #tpu.memory_space<hbm>> -> memref<10240x128xf32, #tpu.memory_space<hbm>>
        tpu.enqueue_indirect_dma source(%dma_start3A_482 : memref<10240x128xf32, #tpu.memory_space<hbm>>) target(%arg10 : memref<64x128xf32, #tpu.memory_space<vmem>>) offsets(%dma_start3A_479 : memref<64xi32, #tpu.memory_space<vmem>>) semaphore(%arg16 : memref<!tpu.dma_semaphore, #tpu.memory_space<semaphore_mem>>)
      } else {
      }
      %mul3A_330 = arith.constant 5 : i32
      %mul3A_331 = arith.muli %scan3A_52, %mul3A_330 : i32
      %add3A_332 = arith.constant 4 : i32
      %add3A_333 = arith.addi %mul3A_331, %add3A_332 : i32
      %dma_wait3A_334 = arith.constant 0 : i32
      %dma_wait3A_335 = arith.constant 0 : i32
      %dma_wait3A_336 = arith.constant 0 : i32
      %dma_wait3A_337 = tpu.memref_slice %arg6[%dma_wait3A_334, %dma_wait3A_335, %dma_wait3A_336] : memref<2x16x64xi32, #tpu.memory_space<vmem>> -> memref<1x1x64xi32, #tpu.memory_space<vmem>>
      %dma_wait3A_338 = tpu.memref_squeeze %dma_wait3A_337 : memref<1x1x64xi32, #tpu.memory_space<vmem>> -> memref<64xi32, #tpu.memory_space<vmem>>
      %dma_wait3A_339 = arith.constant 0 : i32
      %dma_wait3A_340 = arith.constant 0 : i32
      %dma_wait3A_341 = tpu.memref_slice %arg2[%dma_wait3A_339, %dma_wait3A_340] : memref<10240x128xf32, #tpu.memory_space<hbm>> -> memref<10240x128xf32, #tpu.memory_space<hbm>>
      tpu.wait_indirect_dma semaphore(%arg18 : memref<!tpu.dma_semaphore, #tpu.memory_space<semaphore_mem>>) src(%dma_wait3A_341 : memref<10240x128xf32, #tpu.memory_space<hbm>>) dst(%arg12 : memref<64x128xf32, #tpu.memory_space<vmem>>)
      %gt3A_342 = arith.constant 0 : i32
      %gt3A_343 = arith.cmpi sgt, %add3A_333, %gt3A_342 : i32
      %convert_element_type3A_344 = arith.extui %gt3A_343 : i1 to i32
      %cond3A_345 = arith.constant 0 : i32
      %cond3A_346 = arith.cmpi ne, %convert_element_type3A_344, %cond3A_345 : i32
      scf.if %cond3A_346 {
        %dma_wait3A_402 = arith.constant 0 : i32
        %dma_wait3A_403 = arith.constant 0 : i32
        %dma_wait3A_404 = tpu.memref_slice %arg7[%dma_wait3A_402, %dma_wait3A_403] : memref<16x64xi32, #tpu.memory_space<vmem>> -> memref<1x64xi32, #tpu.memory_space<vmem>>
        %dma_wait3A_405 = tpu.memref_squeeze %dma_wait3A_404 : memref<1x64xi32, #tpu.memory_space<vmem>> -> memref<64xi32, #tpu.memory_space<vmem>>
        %dma_wait3A_406 = arith.constant 0 : i32
        %dma_wait3A_407 = arith.constant 0 : i32
        %dma_wait3A_408 = tpu.memref_slice %arg13[%dma_wait3A_406, %dma_wait3A_407] : memref<10240x128xf32, #tpu.memory_space<vmem_shared>> -> memref<10240x128xf32, #tpu.memory_space<vmem_shared>>
        tpu.wait_indirect_dma semaphore(%arg22 : memref<!tpu.dma_semaphore, #tpu.memory_space<semaphore_mem>>) src(%arg11 : memref<64x128xf32, #tpu.memory_space<vmem>>) dst(%dma_wait3A_408 : memref<10240x128xf32, #tpu.memory_space<vmem_shared>>)
      } else {
      }
      %jit3A_347 = arith.constant 16 : i32
      %eq3A_348 = arith.constant 0 : i32
      %eq3A_349 = arith.cmpi eq, %jit3A_347, %eq3A_348 : i32
      %jit3A_350 = arith.constant 1 : i32
      %select_n3A_351 = arith.select %eq3A_349, %jit3A_350, %jit3A_347 : i32
      %rem3A_352 = arith.remsi %add3A_333, %select_n3A_351 : i32
      %ne3A_353 = arith.constant 0 : i32
      %ne3A_354 = arith.cmpi ne, %rem3A_352, %ne3A_353 : i32
      %lt3A_355 = arith.constant 0 : i32
      %lt3A_356 = arith.cmpi slt, %rem3A_352, %lt3A_355 : i32
      %lt3A_357 = arith.constant 0 : i32
      %lt3A_358 = arith.cmpi slt, %select_n3A_351, %lt3A_357 : i32
      %ne3A_359 = arith.xori %lt3A_356, %lt3A_358 : i1
      %and3A_360 = arith.andi %ne3A_359, %ne3A_354 : i1
      %add3A_361 = arith.addi %rem3A_352, %select_n3A_351 : i32
      %select_n3A_362 = arith.select %and3A_360, %add3A_361, %rem3A_352 : i32
      %eq3A_363 = arith.constant 0 : i32
      %eq3A_364 = arith.cmpi eq, %select_n3A_362, %eq3A_363 : i32
      %gt3A_365 = arith.constant 0 : i32
      %gt3A_366 = arith.cmpi sgt, %add3A_333, %gt3A_365 : i32
      %and3A_367 = arith.andi %eq3A_364, %gt3A_366 : i1
      %convert_element_type3A_368 = arith.extui %and3A_367 : i1 to i32
      %cond3A_369 = arith.constant 0 : i32
      %cond3A_370 = arith.cmpi ne, %convert_element_type3A_368, %cond3A_369 : i32
      scf.if %cond3A_370 {
        %multiple_of3A = tpu.assume_multiple %add3A_333, 16 : i32
        "tpu.region"() ({
          %run_scoped3A_402 = tpu.sem_alloc : memref<!tpu.dma_semaphore, #tpu.memory_space<semaphore_mem>>
          %dma_start3A_403 = arith.constant 0 : i32
          %dma_start3A_404 = tpu.memref_slice %arg4[%add3A, %multiple_of3A, %dma_start3A_403] : memref<32x160x64xi32, #tpu.memory_space<hbm>> -> memref<1x16x64xi32, #tpu.memory_space<hbm>>
          %dma_start3A_405 = tpu.memref_squeeze %dma_start3A_404 : memref<1x16x64xi32, #tpu.memory_space<hbm>> -> memref<16x64xi32, #tpu.memory_space<hbm>>
          %dma_start3A_406 = arith.constant 0 : i32
          %dma_start3A_407 = tpu.memref_slice %arg4[%add3A, %multiple_of3A, %dma_start3A_406] : memref<32x160x64xi32, #tpu.memory_space<hbm>> -> memref<1x16x64xi32, #tpu.memory_space<hbm>>
          %dma_start3A_408 = tpu.memref_squeeze %dma_start3A_407 : memref<1x16x64xi32, #tpu.memory_space<hbm>> -> memref<16x64xi32, #tpu.memory_space<hbm>>
          tpu.enqueue_dma source(%dma_start3A_408 : memref<16x64xi32, #tpu.memory_space<hbm>>) target(%arg7 : memref<16x64xi32, #tpu.memory_space<vmem>>) target_semaphore(%run_scoped3A_402 : memref<!tpu.dma_semaphore, #tpu.memory_space<semaphore_mem>>)
          %dma_wait3A_409 = arith.constant 0 : i32
          %dma_wait3A_410 = tpu.memref_slice %arg4[%add3A, %multiple_of3A, %dma_wait3A_409] : memref<32x160x64xi32, #tpu.memory_space<hbm>> -> memref<1x16x64xi32, #tpu.memory_space<hbm>>
          %dma_wait3A_411 = tpu.memref_squeeze %dma_wait3A_410 : memref<1x16x64xi32, #tpu.memory_space<hbm>> -> memref<16x64xi32, #tpu.memory_space<hbm>>
          %dma_wait3A_412 = arith.constant 0 : i32
          %dma_wait3A_413 = tpu.memref_slice %arg4[%add3A, %multiple_of3A, %dma_wait3A_412] : memref<32x160x64xi32, #tpu.memory_space<hbm>> -> memref<1x16x64xi32, #tpu.memory_space<hbm>>
          %dma_wait3A_414 = tpu.memref_squeeze %dma_wait3A_413 : memref<1x16x64xi32, #tpu.memory_space<hbm>> -> memref<16x64xi32, #tpu.memory_space<hbm>>
          tpu.wait_dma2 semaphore(%run_scoped3A_402 : memref<!tpu.dma_semaphore, #tpu.memory_space<semaphore_mem>>) src(%dma_wait3A_414 : memref<16x64xi32, #tpu.memory_space<hbm>>) dst(%arg7 : memref<16x64xi32, #tpu.memory_space<vmem>>)
          tpu.yield
        }) : () -> ()
      } else {
      }
      %jit3A_371 = arith.constant 16 : i32
      %eq3A_372 = arith.constant 0 : i32
      %eq3A_373 = arith.cmpi eq, %jit3A_371, %eq3A_372 : i32
      %jit3A_374 = arith.constant 1 : i32
      %select_n3A_375 = arith.select %eq3A_373, %jit3A_374, %jit3A_371 : i32
      %rem3A_376 = arith.remsi %add3A_333, %select_n3A_375 : i32
      %ne3A_377 = arith.constant 0 : i32
      %ne3A_378 = arith.cmpi ne, %rem3A_376, %ne3A_377 : i32
      %lt3A_379 = arith.constant 0 : i32
      %lt3A_380 = arith.cmpi slt, %rem3A_376, %lt3A_379 : i32
      %lt3A_381 = arith.constant 0 : i32
      %lt3A_382 = arith.cmpi slt, %select_n3A_375, %lt3A_381 : i32
      %ne3A_383 = arith.xori %lt3A_380, %lt3A_382 : i1
      %and3A_384 = arith.andi %ne3A_383, %ne3A_378 : i1
      %add3A_385 = arith.addi %rem3A_376, %select_n3A_375 : i32
      %select_n3A_386 = arith.select %and3A_384, %add3A_385, %rem3A_376 : i32
      %dma_start3A_387 = arith.constant 0 : i32
      %dma_start3A_388 = tpu.memref_slice %arg7[%select_n3A_386, %dma_start3A_387] : memref<16x64xi32, #tpu.memory_space<vmem>> -> memref<1x64xi32, #tpu.memory_space<vmem>>
      %dma_start3A_389 = tpu.memref_squeeze %dma_start3A_388 : memref<1x64xi32, #tpu.memory_space<vmem>> -> memref<64xi32, #tpu.memory_space<vmem>>
      %dma_start3A_390 = arith.constant 0 : i32
      %dma_start3A_391 = arith.constant 0 : i32
      %dma_start3A_392 = tpu.memref_slice %arg13[%dma_start3A_390, %dma_start3A_391] : memref<10240x128xf32, #tpu.memory_space<vmem_shared>> -> memref<10240x128xf32, #tpu.memory_space<vmem_shared>>
      tpu.enqueue_indirect_dma source(%arg12 : memref<64x128xf32, #tpu.memory_space<vmem>>) target(%dma_start3A_392 : memref<10240x128xf32, #tpu.memory_space<vmem_shared>>) offsets(%dma_start3A_389 : memref<64xi32, #tpu.memory_space<vmem>>) semaphore(%arg23 : memref<!tpu.dma_semaphore, #tpu.memory_space<semaphore_mem>>) {add = true}
      %add3A_393 = arith.constant 5 : i32
      %add3A_394 = arith.addi %add3A_333, %add3A_393 : i32
      %sub3A_395 = arith.constant 1 : i32
      %sub3A_396 = arith.subi %add3A_394, %sub3A_395 : i32
      %lt3A_397 = arith.constant 160 : i32
      %lt3A_398 = arith.cmpi slt, %sub3A_396, %lt3A_397 : i32
      %convert_element_type3A_399 = arith.extui %lt3A_398 : i1 to i32
      %cond3A_400 = arith.constant 0 : i32
      %cond3A_401 = arith.cmpi ne, %convert_element_type3A_399, %cond3A_400 : i32
      scf.if %cond3A_401 {
        %jit3A_402 = arith.constant 16 : i32
        %div3A = arith.divsi %sub3A_396, %jit3A_402 : i32
        %sign3A = arith.constant 0 : i32
        %sign3A_403 = arith.cmpi sgt, %sub3A_396, %sign3A : i32
        %sign3A_404 = arith.extui %sign3A_403 : i1 to i32
        %sign3A_405 = arith.constant 0 : i32
        %sign3A_406 = arith.cmpi slt, %sub3A_396, %sign3A_405 : i32
        %sign3A_407 = arith.extui %sign3A_406 : i1 to i32
        %sign3A_408 = arith.subi %sign3A_404, %sign3A_407 : i32
        %sign3A_409 = arith.constant 0 : i32
        %sign3A_410 = arith.cmpi sgt, %jit3A_402, %sign3A_409 : i32
        %sign3A_411 = arith.extui %sign3A_410 : i1 to i32
        %sign3A_412 = arith.constant 0 : i32
        %sign3A_413 = arith.cmpi slt, %jit3A_402, %sign3A_412 : i32
        %sign3A_414 = arith.extui %sign3A_413 : i1 to i32
        %sign3A_415 = arith.subi %sign3A_411, %sign3A_414 : i32
        %ne3A_416 = arith.cmpi ne, %sign3A_408, %sign3A_415 : i32
        %rem3A_417 = arith.remsi %sub3A_396, %jit3A_402 : i32
        %ne3A_418 = arith.constant 0 : i32
        %ne3A_419 = arith.cmpi ne, %rem3A_417, %ne3A_418 : i32
        %and3A_420 = arith.andi %ne3A_416, %ne3A_419 : i1
        %sub3A_421 = arith.constant 1 : i32
        %sub3A_422 = arith.subi %div3A, %sub3A_421 : i32
        %select_n3A_423 = arith.select %and3A_420, %sub3A_422, %div3A : i32
        %jit3A_424 = arith.constant 2 : i32
        %eq3A_425 = arith.constant 0 : i32
        %eq3A_426 = arith.cmpi eq, %jit3A_424, %eq3A_425 : i32
        %jit3A_427 = arith.constant 1 : i32
        %select_n3A_428 = arith.select %eq3A_426, %jit3A_427, %jit3A_424 : i32
        %rem3A_429 = arith.remsi %select_n3A_423, %select_n3A_428 : i32
        %ne3A_430 = arith.constant 0 : i32
        %ne3A_431 = arith.cmpi ne, %rem3A_429, %ne3A_430 : i32
        %lt3A_432 = arith.constant 0 : i32
        %lt3A_433 = arith.cmpi slt, %rem3A_429, %lt3A_432 : i32
        %lt3A_434 = arith.constant 0 : i32
        %lt3A_435 = arith.cmpi slt, %select_n3A_428, %lt3A_434 : i32
        %ne3A_436 = arith.xori %lt3A_433, %lt3A_435 : i1
        %and3A_437 = arith.andi %ne3A_436, %ne3A_431 : i1
        %add3A_438 = arith.addi %rem3A_429, %select_n3A_428 : i32
        %select_n3A_439 = arith.select %and3A_437, %add3A_438, %rem3A_429 : i32
        %jit3A_440 = arith.constant 16 : i32
        %eq3A_441 = arith.constant 0 : i32
        %eq3A_442 = arith.cmpi eq, %jit3A_440, %eq3A_441 : i32
        %jit3A_443 = arith.constant 1 : i32
        %select_n3A_444 = arith.select %eq3A_442, %jit3A_443, %jit3A_440 : i32
        %rem3A_445 = arith.remsi %sub3A_396, %select_n3A_444 : i32
        %ne3A_446 = arith.constant 0 : i32
        %ne3A_447 = arith.cmpi ne, %rem3A_445, %ne3A_446 : i32
        %lt3A_448 = arith.constant 0 : i32
        %lt3A_449 = arith.cmpi slt, %rem3A_445, %lt3A_448 : i32
        %lt3A_450 = arith.constant 0 : i32
        %lt3A_451 = arith.cmpi slt, %select_n3A_444, %lt3A_450 : i32
        %ne3A_452 = arith.xori %lt3A_449, %lt3A_451 : i1
        %and3A_453 = arith.andi %ne3A_452, %ne3A_447 : i1
        %add3A_454 = arith.addi %rem3A_445, %select_n3A_444 : i32
        %select_n3A_455 = arith.select %and3A_453, %add3A_454, %rem3A_445 : i32
        %eq3A_456 = arith.constant 0 : i32
        %eq3A_457 = arith.cmpi eq, %select_n3A_455, %eq3A_456 : i32
        %convert_element_type3A_458 = arith.extui %eq3A_457 : i1 to i32
        %cond3A_459 = arith.constant 0 : i32
        %cond3A_460 = arith.cmpi ne, %convert_element_type3A_458, %cond3A_459 : i32
        scf.if %cond3A_460 {
          %multiple_of3A = tpu.assume_multiple %sub3A_396, 16 : i32
          "tpu.region"() ({
            %run_scoped3A_483 = tpu.sem_alloc : memref<!tpu.dma_semaphore, #tpu.memory_space<semaphore_mem>>
            %dma_start3A_484 = arith.constant 0 : i32
            %dma_start3A_485 = arith.constant 0 : i32
            %dma_start3A_486 = tpu.memref_slice %arg6[%select_n3A_439, %dma_start3A_484, %dma_start3A_485] : memref<2x16x64xi32, #tpu.memory_space<vmem>> -> memref<1x16x64xi32, #tpu.memory_space<vmem>>
            %dma_start3A_487 = tpu.memref_squeeze %dma_start3A_486 : memref<1x16x64xi32, #tpu.memory_space<vmem>> -> memref<16x64xi32, #tpu.memory_space<vmem>>
            %dma_start3A_488 = arith.constant 0 : i32
            %dma_start3A_489 = tpu.memref_slice %arg3[%add3A, %multiple_of3A, %dma_start3A_488] : memref<32x160x64xi32, #tpu.memory_space<hbm>> -> memref<1x16x64xi32, #tpu.memory_space<hbm>>
            %dma_start3A_490 = tpu.memref_squeeze %dma_start3A_489 : memref<1x16x64xi32, #tpu.memory_space<hbm>> -> memref<16x64xi32, #tpu.memory_space<hbm>>
            %dma_start3A_491 = arith.constant 0 : i32
            %dma_start3A_492 = arith.constant 0 : i32
            %dma_start3A_493 = tpu.memref_slice %arg6[%select_n3A_439, %dma_start3A_491, %dma_start3A_492] : memref<2x16x64xi32, #tpu.memory_space<vmem>> -> memref<1x16x64xi32, #tpu.memory_space<vmem>>
            %dma_start3A_494 = tpu.memref_squeeze %dma_start3A_493 : memref<1x16x64xi32, #tpu.memory_space<vmem>> -> memref<16x64xi32, #tpu.memory_space<vmem>>
            %dma_start3A_495 = arith.constant 0 : i32
            %dma_start3A_496 = tpu.memref_slice %arg3[%add3A, %multiple_of3A, %dma_start3A_495] : memref<32x160x64xi32, #tpu.memory_space<hbm>> -> memref<1x16x64xi32, #tpu.memory_space<hbm>>
            %dma_start3A_497 = tpu.memref_squeeze %dma_start3A_496 : memref<1x16x64xi32, #tpu.memory_space<hbm>> -> memref<16x64xi32, #tpu.memory_space<hbm>>
            tpu.enqueue_dma source(%dma_start3A_497 : memref<16x64xi32, #tpu.memory_space<hbm>>) target(%dma_start3A_494 : memref<16x64xi32, #tpu.memory_space<vmem>>) target_semaphore(%run_scoped3A_483 : memref<!tpu.dma_semaphore, #tpu.memory_space<semaphore_mem>>)
            %dma_wait3A_498 = arith.constant 0 : i32
            %dma_wait3A_499 = arith.constant 0 : i32
            %dma_wait3A_500 = tpu.memref_slice %arg6[%select_n3A_439, %dma_wait3A_498, %dma_wait3A_499] : memref<2x16x64xi32, #tpu.memory_space<vmem>> -> memref<1x16x64xi32, #tpu.memory_space<vmem>>
            %dma_wait3A_501 = tpu.memref_squeeze %dma_wait3A_500 : memref<1x16x64xi32, #tpu.memory_space<vmem>> -> memref<16x64xi32, #tpu.memory_space<vmem>>
            %dma_wait3A_502 = arith.constant 0 : i32
            %dma_wait3A_503 = tpu.memref_slice %arg3[%add3A, %multiple_of3A, %dma_wait3A_502] : memref<32x160x64xi32, #tpu.memory_space<hbm>> -> memref<1x16x64xi32, #tpu.memory_space<hbm>>
            %dma_wait3A_504 = tpu.memref_squeeze %dma_wait3A_503 : memref<1x16x64xi32, #tpu.memory_space<hbm>> -> memref<16x64xi32, #tpu.memory_space<hbm>>
            %dma_wait3A_505 = arith.constant 0 : i32
            %dma_wait3A_506 = arith.constant 0 : i32
            %dma_wait3A_507 = tpu.memref_slice %arg6[%select_n3A_439, %dma_wait3A_505, %dma_wait3A_506] : memref<2x16x64xi32, #tpu.memory_space<vmem>> -> memref<1x16x64xi32, #tpu.memory_space<vmem>>
            %dma_wait3A_508 = tpu.memref_squeeze %dma_wait3A_507 : memref<1x16x64xi32, #tpu.memory_space<vmem>> -> memref<16x64xi32, #tpu.memory_space<vmem>>
            %dma_wait3A_509 = arith.constant 0 : i32
            %dma_wait3A_510 = tpu.memref_slice %arg3[%add3A, %multiple_of3A, %dma_wait3A_509] : memref<32x160x64xi32, #tpu.memory_space<hbm>> -> memref<1x16x64xi32, #tpu.memory_space<hbm>>
            %dma_wait3A_511 = tpu.memref_squeeze %dma_wait3A_510 : memref<1x16x64xi32, #tpu.memory_space<hbm>> -> memref<16x64xi32, #tpu.memory_space<hbm>>
            tpu.wait_dma2 semaphore(%run_scoped3A_483 : memref<!tpu.dma_semaphore, #tpu.memory_space<semaphore_mem>>) src(%dma_wait3A_511 : memref<16x64xi32, #tpu.memory_space<hbm>>) dst(%dma_wait3A_508 : memref<16x64xi32, #tpu.memory_space<vmem>>)
            tpu.yield
          }) : () -> ()
        } else {
        }
        %jit3A_461 = arith.constant 16 : i32
        %eq3A_462 = arith.constant 0 : i32
        %eq3A_463 = arith.cmpi eq, %jit3A_461, %eq3A_462 : i32
        %jit3A_464 = arith.constant 1 : i32
        %select_n3A_465 = arith.select %eq3A_463, %jit3A_464, %jit3A_461 : i32
        %rem3A_466 = arith.remsi %sub3A_396, %select_n3A_465 : i32
        %ne3A_467 = arith.constant 0 : i32
        %ne3A_468 = arith.cmpi ne, %rem3A_466, %ne3A_467 : i32
        %lt3A_469 = arith.constant 0 : i32
        %lt3A_470 = arith.cmpi slt, %rem3A_466, %lt3A_469 : i32
        %lt3A_471 = arith.constant 0 : i32
        %lt3A_472 = arith.cmpi slt, %select_n3A_465, %lt3A_471 : i32
        %ne3A_473 = arith.xori %lt3A_470, %lt3A_472 : i1
        %and3A_474 = arith.andi %ne3A_473, %ne3A_468 : i1
        %add3A_475 = arith.addi %rem3A_466, %select_n3A_465 : i32
        %select_n3A_476 = arith.select %and3A_474, %add3A_475, %rem3A_466 : i32
        %dma_start3A_477 = arith.constant 0 : i32
        %dma_start3A_478 = tpu.memref_slice %arg6[%select_n3A_439, %select_n3A_476, %dma_start3A_477] : memref<2x16x64xi32, #tpu.memory_space<vmem>> -> memref<1x1x64xi32, #tpu.memory_space<vmem>>
        %dma_start3A_479 = tpu.memref_squeeze %dma_start3A_478 : memref<1x1x64xi32, #tpu.memory_space<vmem>> -> memref<64xi32, #tpu.memory_space<vmem>>
        %dma_start3A_480 = arith.constant 0 : i32
        %dma_start3A_481 = arith.constant 0 : i32
        %dma_start3A_482 = tpu.memref_slice %arg2[%dma_start3A_480, %dma_start3A_481] : memref<10240x128xf32, #tpu.memory_space<hbm>> -> memref<10240x128xf32, #tpu.memory_space<hbm>>
        tpu.enqueue_indirect_dma source(%dma_start3A_482 : memref<10240x128xf32, #tpu.memory_space<hbm>>) target(%arg11 : memref<64x128xf32, #tpu.memory_space<vmem>>) offsets(%dma_start3A_479 : memref<64xi32, #tpu.memory_space<vmem>>) semaphore(%arg17 : memref<!tpu.dma_semaphore, #tpu.memory_space<semaphore_mem>>)
      } else {
      }
    }
    %scan3A_40 = arith.constant 32 : i32
    %dma_wait3A = arith.constant 0 : i32
    %dma_wait3A_41 = arith.constant 0 : i32
    %dma_wait3A_42 = tpu.memref_slice %arg7[%dma_wait3A, %dma_wait3A_41] : memref<16x64xi32, #tpu.memory_space<vmem>> -> memref<1x64xi32, #tpu.memory_space<vmem>>
    %dma_wait3A_43 = tpu.memref_squeeze %dma_wait3A_42 : memref<1x64xi32, #tpu.memory_space<vmem>> -> memref<64xi32, #tpu.memory_space<vmem>>
    %dma_wait3A_44 = arith.constant 0 : i32
    %dma_wait3A_45 = arith.constant 0 : i32
    %dma_wait3A_46 = tpu.memref_slice %arg13[%dma_wait3A_44, %dma_wait3A_45] : memref<10240x128xf32, #tpu.memory_space<vmem_shared>> -> memref<10240x128xf32, #tpu.memory_space<vmem_shared>>
    tpu.wait_indirect_dma semaphore(%arg23 : memref<!tpu.dma_semaphore, #tpu.memory_space<semaphore_mem>>) src(%arg12 : memref<64x128xf32, #tpu.memory_space<vmem>>) dst(%dma_wait3A_46 : memref<10240x128xf32, #tpu.memory_space<vmem_shared>>)
    %barrier3A_47 = arith.constant 0 : index
    tpu.barrier barrier_id(%barrier3A_47)
    %mul3A_48 = arith.constant 640 : i32
    %mul3A_49 = arith.muli %arg1, %mul3A_48 : i32
    %mul3A_50 = arith.constant 640 : i32
    %mul3A_51 = arith.muli %arg1, %mul3A_50 : i32
    "tpu.region"() ({
      %run_scoped3A_52 = tpu.sem_alloc : memref<!tpu.dma_semaphore, #tpu.memory_space<semaphore_mem>>
      %dma_start3A_53 = arith.constant 0 : i32
      %dma_start3A_54 = tpu.memref_slice %arg5[%arg0, %mul3A_51, %dma_start3A_53] : memref<2x10240x128xf32, #tpu.memory_space<hbm>> -> memref<1x640x128xf32, #tpu.memory_space<hbm>>
      %dma_start3A_55 = tpu.memref_squeeze %dma_start3A_54 : memref<1x640x128xf32, #tpu.memory_space<hbm>> -> memref<640x128xf32, #tpu.memory_space<hbm>>
      %dma_start3A_56 = arith.constant 0 : i32
      %dma_start3A_57 = tpu.memref_slice %arg13[%mul3A_49, %dma_start3A_56] : memref<10240x128xf32, #tpu.memory_space<vmem_shared>> -> memref<640x128xf32, #tpu.memory_space<vmem_shared>>
      tpu.enqueue_dma source(%dma_start3A_57 : memref<640x128xf32, #tpu.memory_space<vmem_shared>>) target(%dma_start3A_55 : memref<640x128xf32, #tpu.memory_space<hbm>>) target_semaphore(%run_scoped3A_52 : memref<!tpu.dma_semaphore, #tpu.memory_space<semaphore_mem>>)
      %dma_wait3A_58 = arith.constant 0 : i32
      %dma_wait3A_59 = tpu.memref_slice %arg5[%arg0, %mul3A_51, %dma_wait3A_58] : memref<2x10240x128xf32, #tpu.memory_space<hbm>> -> memref<1x640x128xf32, #tpu.memory_space<hbm>>
      %dma_wait3A_60 = tpu.memref_squeeze %dma_wait3A_59 : memref<1x640x128xf32, #tpu.memory_space<hbm>> -> memref<640x128xf32, #tpu.memory_space<hbm>>
      %dma_wait3A_61 = arith.constant 0 : i32
      %dma_wait3A_62 = tpu.memref_slice %arg13[%mul3A_49, %dma_wait3A_61] : memref<10240x128xf32, #tpu.memory_space<vmem_shared>> -> memref<640x128xf32, #tpu.memory_space<vmem_shared>>
      tpu.wait_dma2 semaphore(%run_scoped3A_52 : memref<!tpu.dma_semaphore, #tpu.memory_space<semaphore_mem>>) src(%dma_wait3A_62 : memref<640x128xf32, #tpu.memory_space<vmem_shared>>) dst(%dma_wait3A_60 : memref<640x128xf32, #tpu.memory_space<hbm>>)
      tpu.yield
    }) : () -> ()
    return
  }
}

#map = affine_map<(d0, d1) -> (0, 0)>
#map1 = affine_map<(d0, d1) -> (0, 0, 0)>
module attributes {stable_mosaic.version = 14 : i64} {
  func.func @gather_kernel(%arg0: i32, %arg1: i32, %arg2: memref<10240x128xf32, #tpu.memory_space<hbm>>, %arg3: memref<32x3x128xi32, #tpu.memory_space<hbm>>, %arg4: memref<96x128x128xf32, #tpu.memory_space<hbm>>, %arg5: memref<3x128xi32, #tpu.memory_space<vmem>>, %arg6: memref<3x128x128xf32, #tpu.memory_space<vmem>>, %arg7: memref<!tpu.dma_semaphore, #tpu.memory_space<semaphore_mem>>) attributes {dimension_semantics = [#tpu.dimension_semantics<core_parallel>, #tpu.dimension_semantics<subcore_parallel>], iteration_bounds = array<i64: 2, 16>, scalar_prefetch = 0 : i64, scratch_operands = 3 : i64, tpu.core_type = #tpu.core_type<sc_vector_subcore>, window_params = [{transform_indices = #map}, {transform_indices = #map1}, {transform_indices = #map1}]} {
    %mul3A = arith.constant 16 : i32
    %mul3A_0 = arith.muli %arg0, %mul3A : i32
    %add3A = arith.addi %mul3A_0, %arg1 : i32
    "tpu.region"() ({
      %run_scoped3A = tpu.sem_alloc : memref<!tpu.dma_semaphore, #tpu.memory_space<semaphore_mem>>
      %dma_start3A_73 = arith.constant 0 : i32
      %dma_start3A_74 = arith.constant 0 : i32
      %dma_start3A_75 = tpu.memref_slice %arg3[%add3A, %dma_start3A_73, %dma_start3A_74] : memref<32x3x128xi32, #tpu.memory_space<hbm>> -> memref<1x3x128xi32, #tpu.memory_space<hbm>>
      %dma_start3A_76 = tpu.memref_squeeze %dma_start3A_75 : memref<1x3x128xi32, #tpu.memory_space<hbm>> -> memref<3x128xi32, #tpu.memory_space<hbm>>
      %dma_start3A_77 = arith.constant 0 : i32
      %dma_start3A_78 = arith.constant 0 : i32
      %dma_start3A_79 = tpu.memref_slice %arg3[%add3A, %dma_start3A_77, %dma_start3A_78] : memref<32x3x128xi32, #tpu.memory_space<hbm>> -> memref<1x3x128xi32, #tpu.memory_space<hbm>>
      %dma_start3A_80 = tpu.memref_squeeze %dma_start3A_79 : memref<1x3x128xi32, #tpu.memory_space<hbm>> -> memref<3x128xi32, #tpu.memory_space<hbm>>
      tpu.enqueue_dma source(%dma_start3A_80 : memref<3x128xi32, #tpu.memory_space<hbm>>) target(%arg5 : memref<3x128xi32, #tpu.memory_space<vmem>>) target_semaphore(%run_scoped3A : memref<!tpu.dma_semaphore, #tpu.memory_space<semaphore_mem>>)
      %dma_wait3A_81 = arith.constant 0 : i32
      %dma_wait3A_82 = arith.constant 0 : i32
      %dma_wait3A_83 = tpu.memref_slice %arg3[%add3A, %dma_wait3A_81, %dma_wait3A_82] : memref<32x3x128xi32, #tpu.memory_space<hbm>> -> memref<1x3x128xi32, #tpu.memory_space<hbm>>
      %dma_wait3A_84 = tpu.memref_squeeze %dma_wait3A_83 : memref<1x3x128xi32, #tpu.memory_space<hbm>> -> memref<3x128xi32, #tpu.memory_space<hbm>>
      %dma_wait3A_85 = arith.constant 0 : i32
      %dma_wait3A_86 = arith.constant 0 : i32
      %dma_wait3A_87 = tpu.memref_slice %arg3[%add3A, %dma_wait3A_85, %dma_wait3A_86] : memref<32x3x128xi32, #tpu.memory_space<hbm>> -> memref<1x3x128xi32, #tpu.memory_space<hbm>>
      %dma_wait3A_88 = tpu.memref_squeeze %dma_wait3A_87 : memref<1x3x128xi32, #tpu.memory_space<hbm>> -> memref<3x128xi32, #tpu.memory_space<hbm>>
      tpu.wait_dma2 semaphore(%run_scoped3A : memref<!tpu.dma_semaphore, #tpu.memory_space<semaphore_mem>>) src(%dma_wait3A_88 : memref<3x128xi32, #tpu.memory_space<hbm>>) dst(%arg5 : memref<3x128xi32, #tpu.memory_space<vmem>>)
      tpu.yield
    }) : () -> ()
    %dma_start3A = arith.constant 0 : i32
    %dma_start3A_1 = arith.constant 0 : i32
    %dma_start3A_2 = arith.constant 0 : i32
    %dma_start3A_3 = arith.constant 0 : i32
    %dma_start3A_4 = tpu.memref_slice %arg6[%dma_start3A_1, %dma_start3A_2, %dma_start3A_3] : memref<3x128x128xf32, #tpu.memory_space<vmem>> -> memref<1x128x128xf32, #tpu.memory_space<vmem>>
    %dma_start3A_5 = tpu.memref_squeeze %dma_start3A_4 : memref<1x128x128xf32, #tpu.memory_space<vmem>> -> memref<128x128xf32, #tpu.memory_space<vmem>>
    %dma_start3A_6 = arith.constant 0 : i32
    %dma_start3A_7 = tpu.memref_slice %arg5[%dma_start3A, %dma_start3A_6] : memref<3x128xi32, #tpu.memory_space<vmem>> -> memref<1x128xi32, #tpu.memory_space<vmem>>
    %dma_start3A_8 = tpu.memref_squeeze %dma_start3A_7 : memref<1x128xi32, #tpu.memory_space<vmem>> -> memref<128xi32, #tpu.memory_space<vmem>>
    %dma_start3A_9 = arith.constant 0 : i32
    %dma_start3A_10 = arith.constant 0 : i32
    %dma_start3A_11 = tpu.memref_slice %arg2[%dma_start3A_9, %dma_start3A_10] : memref<10240x128xf32, #tpu.memory_space<hbm>> -> memref<10240x128xf32, #tpu.memory_space<hbm>>
    tpu.enqueue_indirect_dma source(%dma_start3A_11 : memref<10240x128xf32, #tpu.memory_space<hbm>>) target(%dma_start3A_5 : memref<128x128xf32, #tpu.memory_space<vmem>>) offsets(%dma_start3A_8 : memref<128xi32, #tpu.memory_space<vmem>>) semaphore(%arg7 : memref<!tpu.dma_semaphore, #tpu.memory_space<semaphore_mem>>)
    %dma_start3A_12 = arith.constant 1 : i32
    %dma_start3A_13 = arith.constant 1 : i32
    %dma_start3A_14 = arith.constant 0 : i32
    %dma_start3A_15 = arith.constant 0 : i32
    %dma_start3A_16 = tpu.memref_slice %arg6[%dma_start3A_13, %dma_start3A_14, %dma_start3A_15] : memref<3x128x128xf32, #tpu.memory_space<vmem>> -> memref<1x128x128xf32, #tpu.memory_space<vmem>>
    %dma_start3A_17 = tpu.memref_squeeze %dma_start3A_16 : memref<1x128x128xf32, #tpu.memory_space<vmem>> -> memref<128x128xf32, #tpu.memory_space<vmem>>
    %dma_start3A_18 = arith.constant 0 : i32
    %dma_start3A_19 = tpu.memref_slice %arg5[%dma_start3A_12, %dma_start3A_18] : memref<3x128xi32, #tpu.memory_space<vmem>> -> memref<1x128xi32, #tpu.memory_space<vmem>>
    %dma_start3A_20 = tpu.memref_squeeze %dma_start3A_19 : memref<1x128xi32, #tpu.memory_space<vmem>> -> memref<128xi32, #tpu.memory_space<vmem>>
    %dma_start3A_21 = arith.constant 0 : i32
    %dma_start3A_22 = arith.constant 0 : i32
    %dma_start3A_23 = tpu.memref_slice %arg2[%dma_start3A_21, %dma_start3A_22] : memref<10240x128xf32, #tpu.memory_space<hbm>> -> memref<10240x128xf32, #tpu.memory_space<hbm>>
    tpu.enqueue_indirect_dma source(%dma_start3A_23 : memref<10240x128xf32, #tpu.memory_space<hbm>>) target(%dma_start3A_17 : memref<128x128xf32, #tpu.memory_space<vmem>>) offsets(%dma_start3A_20 : memref<128xi32, #tpu.memory_space<vmem>>) semaphore(%arg7 : memref<!tpu.dma_semaphore, #tpu.memory_space<semaphore_mem>>)
    %dma_start3A_24 = arith.constant 2 : i32
    %dma_start3A_25 = arith.constant 2 : i32
    %dma_start3A_26 = arith.constant 0 : i32
    %dma_start3A_27 = arith.constant 0 : i32
    %dma_start3A_28 = tpu.memref_slice %arg6[%dma_start3A_25, %dma_start3A_26, %dma_start3A_27] : memref<3x128x128xf32, #tpu.memory_space<vmem>> -> memref<1x128x128xf32, #tpu.memory_space<vmem>>
    %dma_start3A_29 = tpu.memref_squeeze %dma_start3A_28 : memref<1x128x128xf32, #tpu.memory_space<vmem>> -> memref<128x128xf32, #tpu.memory_space<vmem>>
    %dma_start3A_30 = arith.constant 0 : i32
    %dma_start3A_31 = tpu.memref_slice %arg5[%dma_start3A_24, %dma_start3A_30] : memref<3x128xi32, #tpu.memory_space<vmem>> -> memref<1x128xi32, #tpu.memory_space<vmem>>
    %dma_start3A_32 = tpu.memref_squeeze %dma_start3A_31 : memref<1x128xi32, #tpu.memory_space<vmem>> -> memref<128xi32, #tpu.memory_space<vmem>>
    %dma_start3A_33 = arith.constant 0 : i32
    %dma_start3A_34 = arith.constant 0 : i32
    %dma_start3A_35 = tpu.memref_slice %arg2[%dma_start3A_33, %dma_start3A_34] : memref<10240x128xf32, #tpu.memory_space<hbm>> -> memref<10240x128xf32, #tpu.memory_space<hbm>>
    tpu.enqueue_indirect_dma source(%dma_start3A_35 : memref<10240x128xf32, #tpu.memory_space<hbm>>) target(%dma_start3A_29 : memref<128x128xf32, #tpu.memory_space<vmem>>) offsets(%dma_start3A_32 : memref<128xi32, #tpu.memory_space<vmem>>) semaphore(%arg7 : memref<!tpu.dma_semaphore, #tpu.memory_space<semaphore_mem>>)
    %dma_wait3A = arith.constant 0 : i32
    %dma_wait3A_36 = arith.constant 0 : i32
    %dma_wait3A_37 = arith.constant 0 : i32
    %dma_wait3A_38 = arith.constant 0 : i32
    %dma_wait3A_39 = tpu.memref_slice %arg6[%dma_wait3A_36, %dma_wait3A_37, %dma_wait3A_38] : memref<3x128x128xf32, #tpu.memory_space<vmem>> -> memref<1x128x128xf32, #tpu.memory_space<vmem>>
    %dma_wait3A_40 = tpu.memref_squeeze %dma_wait3A_39 : memref<1x128x128xf32, #tpu.memory_space<vmem>> -> memref<128x128xf32, #tpu.memory_space<vmem>>
    %dma_wait3A_41 = arith.constant 0 : i32
    %dma_wait3A_42 = tpu.memref_slice %arg5[%dma_wait3A, %dma_wait3A_41] : memref<3x128xi32, #tpu.memory_space<vmem>> -> memref<1x128xi32, #tpu.memory_space<vmem>>
    %dma_wait3A_43 = tpu.memref_squeeze %dma_wait3A_42 : memref<1x128xi32, #tpu.memory_space<vmem>> -> memref<128xi32, #tpu.memory_space<vmem>>
    %dma_wait3A_44 = arith.constant 0 : i32
    %dma_wait3A_45 = arith.constant 0 : i32
    %dma_wait3A_46 = tpu.memref_slice %arg2[%dma_wait3A_44, %dma_wait3A_45] : memref<10240x128xf32, #tpu.memory_space<hbm>> -> memref<10240x128xf32, #tpu.memory_space<hbm>>
    tpu.wait_indirect_dma semaphore(%arg7 : memref<!tpu.dma_semaphore, #tpu.memory_space<semaphore_mem>>) src(%dma_wait3A_46 : memref<10240x128xf32, #tpu.memory_space<hbm>>) dst(%dma_wait3A_40 : memref<128x128xf32, #tpu.memory_space<vmem>>)
    %dma_wait3A_47 = arith.constant 1 : i32
    %dma_wait3A_48 = arith.constant 1 : i32
    %dma_wait3A_49 = arith.constant 0 : i32
    %dma_wait3A_50 = arith.constant 0 : i32
    %dma_wait3A_51 = tpu.memref_slice %arg6[%dma_wait3A_48, %dma_wait3A_49, %dma_wait3A_50] : memref<3x128x128xf32, #tpu.memory_space<vmem>> -> memref<1x128x128xf32, #tpu.memory_space<vmem>>
    %dma_wait3A_52 = tpu.memref_squeeze %dma_wait3A_51 : memref<1x128x128xf32, #tpu.memory_space<vmem>> -> memref<128x128xf32, #tpu.memory_space<vmem>>
    %dma_wait3A_53 = arith.constant 0 : i32
    %dma_wait3A_54 = tpu.memref_slice %arg5[%dma_wait3A_47, %dma_wait3A_53] : memref<3x128xi32, #tpu.memory_space<vmem>> -> memref<1x128xi32, #tpu.memory_space<vmem>>
    %dma_wait3A_55 = tpu.memref_squeeze %dma_wait3A_54 : memref<1x128xi32, #tpu.memory_space<vmem>> -> memref<128xi32, #tpu.memory_space<vmem>>
    %dma_wait3A_56 = arith.constant 0 : i32
    %dma_wait3A_57 = arith.constant 0 : i32
    %dma_wait3A_58 = tpu.memref_slice %arg2[%dma_wait3A_56, %dma_wait3A_57] : memref<10240x128xf32, #tpu.memory_space<hbm>> -> memref<10240x128xf32, #tpu.memory_space<hbm>>
    tpu.wait_indirect_dma semaphore(%arg7 : memref<!tpu.dma_semaphore, #tpu.memory_space<semaphore_mem>>) src(%dma_wait3A_58 : memref<10240x128xf32, #tpu.memory_space<hbm>>) dst(%dma_wait3A_52 : memref<128x128xf32, #tpu.memory_space<vmem>>)
    %dma_wait3A_59 = arith.constant 2 : i32
    %dma_wait3A_60 = arith.constant 2 : i32
    %dma_wait3A_61 = arith.constant 0 : i32
    %dma_wait3A_62 = arith.constant 0 : i32
    %dma_wait3A_63 = tpu.memref_slice %arg6[%dma_wait3A_60, %dma_wait3A_61, %dma_wait3A_62] : memref<3x128x128xf32, #tpu.memory_space<vmem>> -> memref<1x128x128xf32, #tpu.memory_space<vmem>>
    %dma_wait3A_64 = tpu.memref_squeeze %dma_wait3A_63 : memref<1x128x128xf32, #tpu.memory_space<vmem>> -> memref<128x128xf32, #tpu.memory_space<vmem>>
    %dma_wait3A_65 = arith.constant 0 : i32
    %dma_wait3A_66 = tpu.memref_slice %arg5[%dma_wait3A_59, %dma_wait3A_65] : memref<3x128xi32, #tpu.memory_space<vmem>> -> memref<1x128xi32, #tpu.memory_space<vmem>>
    %dma_wait3A_67 = tpu.memref_squeeze %dma_wait3A_66 : memref<1x128xi32, #tpu.memory_space<vmem>> -> memref<128xi32, #tpu.memory_space<vmem>>
    %dma_wait3A_68 = arith.constant 0 : i32
    %dma_wait3A_69 = arith.constant 0 : i32
    %dma_wait3A_70 = tpu.memref_slice %arg2[%dma_wait3A_68, %dma_wait3A_69] : memref<10240x128xf32, #tpu.memory_space<hbm>> -> memref<10240x128xf32, #tpu.memory_space<hbm>>
    tpu.wait_indirect_dma semaphore(%arg7 : memref<!tpu.dma_semaphore, #tpu.memory_space<semaphore_mem>>) src(%dma_wait3A_70 : memref<10240x128xf32, #tpu.memory_space<hbm>>) dst(%dma_wait3A_64 : memref<128x128xf32, #tpu.memory_space<vmem>>)
    %mul3A_71 = arith.constant 3 : i32
    %mul3A_72 = arith.muli %add3A, %mul3A_71 : i32
    "tpu.region"() ({
      %run_scoped3A = tpu.sem_alloc : memref<!tpu.dma_semaphore, #tpu.memory_space<semaphore_mem>>
      %dma_start3A_73 = arith.constant 0 : i32
      %dma_start3A_74 = arith.constant 0 : i32
      %dma_start3A_75 = tpu.memref_slice %arg4[%mul3A_72, %dma_start3A_73, %dma_start3A_74] : memref<96x128x128xf32, #tpu.memory_space<hbm>> -> memref<3x128x128xf32, #tpu.memory_space<hbm>>
      %dma_start3A_76 = arith.constant 0 : i32
      %dma_start3A_77 = arith.constant 0 : i32
      %dma_start3A_78 = tpu.memref_slice %arg4[%mul3A_72, %dma_start3A_76, %dma_start3A_77] : memref<96x128x128xf32, #tpu.memory_space<hbm>> -> memref<3x128x128xf32, #tpu.memory_space<hbm>>
      tpu.enqueue_dma source(%arg6 : memref<3x128x128xf32, #tpu.memory_space<vmem>>) target(%dma_start3A_78 : memref<3x128x128xf32, #tpu.memory_space<hbm>>) target_semaphore(%run_scoped3A : memref<!tpu.dma_semaphore, #tpu.memory_space<semaphore_mem>>)
      %dma_wait3A_79 = arith.constant 0 : i32
      %dma_wait3A_80 = arith.constant 0 : i32
      %dma_wait3A_81 = tpu.memref_slice %arg4[%mul3A_72, %dma_wait3A_79, %dma_wait3A_80] : memref<96x128x128xf32, #tpu.memory_space<hbm>> -> memref<3x128x128xf32, #tpu.memory_space<hbm>>
      %dma_wait3A_82 = arith.constant 0 : i32
      %dma_wait3A_83 = arith.constant 0 : i32
      %dma_wait3A_84 = tpu.memref_slice %arg4[%mul3A_72, %dma_wait3A_82, %dma_wait3A_83] : memref<96x128x128xf32, #tpu.memory_space<hbm>> -> memref<3x128x128xf32, #tpu.memory_space<hbm>>
      tpu.wait_dma2 semaphore(%run_scoped3A : memref<!tpu.dma_semaphore, #tpu.memory_space<semaphore_mem>>) src(%arg6 : memref<3x128x128xf32, #tpu.memory_space<vmem>>) dst(%dma_wait3A_84 : memref<3x128x128xf32, #tpu.memory_space<hbm>>)
      tpu.yield
    }) : () -> ()
    return
  }
}

module attributes {stable_mosaic.version = 14 : i64} {
  func.func @_scale_body(%arg0: i32, %arg1: memref<2048x1xf32, #tpu.memory_space<vmem>>, %arg2: memref<2048x1xf32, #tpu.memory_space<vmem>>, %arg3: memref<2048x128xf32, #tpu.memory_space<vmem>>, %arg4: memref<128x128xf32, #tpu.memory_space<vmem>>, %arg5: memref<2048x128xf32, #tpu.memory_space<vmem>>) attributes {dimension_semantics = [#tpu.dimension_semantics<arbitrary>], iteration_bounds = array<i64: 5>, scalar_prefetch = 0 : i64, scratch_operands = 0 : i64, tpu.core_type = #tpu.core_type<tc>, window_params = [{transform_indices = @transform_0, window_bounds = array<i64: 2048, 1>}, {transform_indices = @transform_1, window_bounds = array<i64: 2048, 1>}, {transform_indices = @transform_2, window_bounds = array<i64: 2048, 128>}, {pipeline_mode = #tpu.pipeline_mode<synchronous>, transform_indices = @transform_3, window_bounds = array<i64: 128, 128>}, {transform_indices = @transform_4, window_bounds = array<i64: 2048, 128>}]} {
    %get3A = arith.constant 0 : index
    %get3A_0 = arith.constant 0 : index
    %get3A_1 = vector.load %arg1[%get3A, %get3A_0] : memref<2048x1xf32, #tpu.memory_space<vmem>>, vector<2048x1xf32>
    %get3A_2 = vector.shape_cast %get3A_1 : vector<2048x1xf32> to vector<2048xf32>
    %get3A_3 = arith.constant 0 : index
    %get3A_4 = arith.constant 0 : index
    %get3A_5 = vector.load %arg2[%get3A_3, %get3A_4] : memref<2048x1xf32, #tpu.memory_space<vmem>>, vector<2048x1xf32>
    %get3A_6 = vector.shape_cast %get3A_5 : vector<2048x1xf32> to vector<2048xf32>
    %add3A = arith.addf %get3A_2, %get3A_6 : vector<2048xf32>
    %add3A_7 = arith.constant 1.000000e+00 : f32
    %add3A_8 = vector.broadcast %add3A_7 : f32 to vector<2048xf32>
    %add3A_9 = arith.addf %add3A, %add3A_8 : vector<2048xf32>
    %max3A = arith.constant 9.99999996E-13 : f32
    %max3A_10 = vector.broadcast %max3A : f32 to vector<2048xf32>
    %max3A_11 = arith.maximumf %add3A_9, %max3A_10 : vector<2048xf32>
    %rsqrt3A = math.rsqrt %max3A_11 : vector<2048xf32>
    %get3A_12 = arith.constant 0 : index
    %get3A_13 = arith.constant 0 : index
    %get3A_14 = vector.load %arg3[%get3A_12, %get3A_13] : memref<2048x128xf32, #tpu.memory_space<vmem>>, vector<2048x128xf32>
    %get3A_15 = arith.constant 0 : index
    %get3A_16 = arith.constant 0 : index
    %get3A_17 = vector.load %arg4[%get3A_15, %get3A_16] : memref<128x128xf32, #tpu.memory_space<vmem>>, vector<128x128xf32>
    %dot_general3A = arith.constant dense<0.000000e+00> : vector<2048x128xf32>
    %dot_general3A_18 = tpu.matmul %get3A_14, %get3A_17, %dot_general3A {dimension_numbers = #tpu.dot_dimension_numbers<[1], [0], [0], [1], [0, 0, 1, 1], [], []>, transpose_lhs_hint = false} : vector<2048x128xf32>, vector<128x128xf32>, vector<2048x128xf32> -> vector<2048x128xf32>
    %iota3A = tpu.iota {dimensions = array<i32: 0>} : vector<2048x1xi32>
    %mul3A = arith.constant 2048 : i32
    %mul3A_19 = arith.muli %arg0, %mul3A : i32
    %add3A_20 = vector.broadcast %mul3A_19 : i32 to vector<2048x1xi32>
    %add3A_21 = arith.addi %iota3A, %add3A_20 : vector<2048x1xi32>
    %lt3A = arith.constant 10000 : i32
    %lt3A_22 = vector.broadcast %lt3A : i32 to vector<2048x1xi32>
    %lt3A_23 = arith.cmpi slt, %add3A_21, %lt3A_22 : vector<2048x1xi32>
    %broadcast_in_dim3A = vector.shape_cast %rsqrt3A : vector<2048xf32> to vector<2048x1xf32>
    %mul3A_24 = vector.broadcast %broadcast_in_dim3A : vector<2048x1xf32> to vector<2048x128xf32>
    %mul3A_25 = arith.mulf %dot_general3A_18, %mul3A_24 : vector<2048x128xf32>
    %jit3A = arith.constant 0.000000e+00 : f32
    %broadcast_in_dim3A_26 = vector.shape_cast %lt3A_23 : vector<2048x1xi1> to vector<2048x1xi1>
    %broadcast_in_dim3A_27 = vector.broadcast %broadcast_in_dim3A_26 : vector<2048x1xi1> to vector<2048x128xi1>
    %broadcast_in_dim3A_28 = vector.broadcast %jit3A : f32 to vector<2048x128xf32>
    %select_n3A = arith.select %broadcast_in_dim3A_27, %mul3A_25, %broadcast_in_dim3A_28 : vector<2048x128xi1>, vector<2048x128xf32>
    %swap3A = arith.constant 0 : index
    %swap3A_29 = arith.constant 0 : index
    %swap3A_30 = vector.load %arg5[%swap3A, %swap3A_29] : memref<2048x128xf32, #tpu.memory_space<vmem>>, vector<2048x128xf32>
    tpu.vector_store %arg5[%swap3A, %swap3A_29], %select_n3A {strides = array<i32>} : memref<2048x128xf32, #tpu.memory_space<vmem>>, vector<2048x128xf32>,
    return
  }
  func.func @transform_0(%arg0: i32) -> (i32, i32) {
    %c0_i32 = arith.constant 0 : i32
    %c0_i32_0 = arith.constant 0 : i32
    return %arg0, %c0_i32 : i32, i32
  }
  func.func @transform_1(%arg0: i32) -> (i32, i32) {
    %c0_i32 = arith.constant 0 : i32
    %c0_i32_0 = arith.constant 0 : i32
    return %arg0, %c0_i32 : i32, i32
  }
  func.func @transform_2(%arg0: i32) -> (i32, i32) {
    %c0_i32 = arith.constant 0 : i32
    %c0_i32_0 = arith.constant 0 : i32
    return %arg0, %c0_i32 : i32, i32
  }
  func.func @transform_3(%arg0: i32) -> (i32, i32) {
    %c0_i32 = arith.constant 0 : i32
    %c0_i32_0 = arith.constant 0 : i32
    %c0_i32_1 = arith.constant 0 : i32
    return %c0_i32, %c0_i32_0 : i32, i32
  }
  func.func @transform_4(%arg0: i32) -> (i32, i32) {
    %c0_i32 = arith.constant 0 : i32
    %c0_i32_0 = arith.constant 0 : i32
    return %arg0, %c0_i32 : i32, i32
  }
}

module attributes {stable_mosaic.version = 14 : i64} {
  func.func @_combine_body(%arg0: i32, %arg1: memref<2x2048x128xf32, #tpu.memory_space<vmem>>, %arg2: memref<2048x128xf32, #tpu.memory_space<vmem>>, %arg3: memref<2048x1xf32, #tpu.memory_space<vmem>>, %arg4: memref<2048x1xf32, #tpu.memory_space<vmem>>, %arg5: memref<1x128xf32, #tpu.memory_space<vmem>>, %arg6: memref<2048x128xf32, #tpu.memory_space<vmem>>) attributes {dimension_semantics = [#tpu.dimension_semantics<arbitrary>], iteration_bounds = array<i64: 5>, scalar_prefetch = 0 : i64, scratch_operands = 0 : i64, tpu.core_type = #tpu.core_type<tc>, window_params = [{transform_indices = @transform_0, window_bounds = array<i64: 2, 2048, 128>}, {transform_indices = @transform_1, window_bounds = array<i64: 2048, 128>}, {transform_indices = @transform_2, window_bounds = array<i64: 2048, 1>}, {transform_indices = @transform_3, window_bounds = array<i64: 2048, 1>}, {pipeline_mode = #tpu.pipeline_mode<synchronous>, transform_indices = @transform_4, window_bounds = array<i64: 1, 128>}, {transform_indices = @transform_5, window_bounds = array<i64: 2048, 128>}]} {
    %get3A = arith.constant 0 : index
    %get3A_0 = arith.constant 0 : index
    %get3A_1 = vector.load %arg3[%get3A, %get3A_0] : memref<2048x1xf32, #tpu.memory_space<vmem>>, vector<2048x1xf32>
    %get3A_2 = vector.shape_cast %get3A_1 : vector<2048x1xf32> to vector<2048xf32>
    %get3A_3 = arith.constant 0 : index
    %get3A_4 = arith.constant 0 : index
    %get3A_5 = vector.load %arg4[%get3A_3, %get3A_4] : memref<2048x1xf32, #tpu.memory_space<vmem>>, vector<2048x1xf32>
    %get3A_6 = vector.shape_cast %get3A_5 : vector<2048x1xf32> to vector<2048xf32>
    %add3A = arith.addf %get3A_2, %get3A_6 : vector<2048xf32>
    %add3A_7 = arith.constant 1.000000e+00 : f32
    %add3A_8 = vector.broadcast %add3A_7 : f32 to vector<2048xf32>
    %add3A_9 = arith.addf %add3A, %add3A_8 : vector<2048xf32>
    %max3A = arith.constant 9.99999996E-13 : f32
    %max3A_10 = vector.broadcast %max3A : f32 to vector<2048xf32>
    %max3A_11 = arith.maximumf %add3A_9, %max3A_10 : vector<2048xf32>
    %rsqrt3A = math.rsqrt %max3A_11 : vector<2048xf32>
    %get3A_12 = arith.constant 0 : index
    %get3A_13 = arith.constant 0 : index
    %get3A_14 = arith.constant 0 : index
    %get3A_15 = vector.load %arg1[%get3A_12, %get3A_13, %get3A_14] : memref<2x2048x128xf32, #tpu.memory_space<vmem>>, vector<1x2048x128xf32>
    %get3A_16 = vector.shape_cast %get3A_15 : vector<1x2048x128xf32> to vector<2048x128xf32>
    %get3A_17 = arith.constant 1 : index
    %get3A_18 = arith.constant 0 : index
    %get3A_19 = arith.constant 0 : index
    %get3A_20 = vector.load %arg1[%get3A_17, %get3A_18, %get3A_19] : memref<2x2048x128xf32, #tpu.memory_space<vmem>>, vector<1x2048x128xf32>
    %get3A_21 = vector.shape_cast %get3A_20 : vector<1x2048x128xf32> to vector<2048x128xf32>
    %add3A_22 = arith.addf %get3A_16, %get3A_21 : vector<2048x128xf32>
    %get3A_23 = arith.constant 0 : index
    %get3A_24 = arith.constant 0 : index
    %get3A_25 = vector.load %arg2[%get3A_23, %get3A_24] : memref<2048x128xf32, #tpu.memory_space<vmem>>, vector<2048x128xf32>
    %sub3A = arith.subf %add3A_22, %get3A_25 : vector<2048x128xf32>
    %broadcast_in_dim3A = vector.shape_cast %rsqrt3A : vector<2048xf32> to vector<2048x1xf32>
    %mul3A = vector.broadcast %broadcast_in_dim3A : vector<2048x1xf32> to vector<2048x128xf32>
    %mul3A_26 = arith.mulf %mul3A, %sub3A : vector<2048x128xf32>
    %get3A_27 = arith.constant 0 : index
    %get3A_28 = arith.constant 0 : index
    %get3A_29 = vector.load %arg5[%get3A_27, %get3A_28] : memref<1x128xf32, #tpu.memory_space<vmem>>, vector<1x128xf32>
    %add3A_30 = vector.broadcast %get3A_29 : vector<1x128xf32> to vector<2048x128xf32>
    %add3A_31 = arith.addf %mul3A_26, %add3A_30 : vector<2048x128xf32>
    %max3A_32 = arith.constant 0.000000e+00 : f32
    %max3A_33 = vector.broadcast %max3A_32 : f32 to vector<2048x128xf32>
    %max3A_34 = arith.maximumf %add3A_31, %max3A_33 : vector<2048x128xf32>
    %swap3A = arith.constant 0 : index
    %swap3A_35 = arith.constant 0 : index
    %swap3A_36 = vector.load %arg6[%swap3A, %swap3A_35] : memref<2048x128xf32, #tpu.memory_space<vmem>>, vector<2048x128xf32>
    tpu.vector_store %arg6[%swap3A, %swap3A_35], %max3A_34 {strides = array<i32>} : memref<2048x128xf32, #tpu.memory_space<vmem>>, vector<2048x128xf32>,
    return
  }
  func.func @transform_0(%arg0: i32) -> (i32, i32, i32) {
    %c0_i32 = arith.constant 0 : i32
    %c0_i32_0 = arith.constant 0 : i32
    %c0_i32_1 = arith.constant 0 : i32
    return %c0_i32, %arg0, %c0_i32_0 : i32, i32, i32
  }
  func.func @transform_1(%arg0: i32) -> (i32, i32) {
    %c0_i32 = arith.constant 0 : i32
    %c0_i32_0 = arith.constant 0 : i32
    return %arg0, %c0_i32 : i32, i32
  }
  func.func @transform_2(%arg0: i32) -> (i32, i32) {
    %c0_i32 = arith.constant 0 : i32
    %c0_i32_0 = arith.constant 0 : i32
    return %arg0, %c0_i32 : i32, i32
  }
  func.func @transform_3(%arg0: i32) -> (i32, i32) {
    %c0_i32 = arith.constant 0 : i32
    %c0_i32_0 = arith.constant 0 : i32
    return %arg0, %c0_i32 : i32, i32
  }
  func.func @transform_4(%arg0: i32) -> (i32, i32) {
    %c0_i32 = arith.constant 0 : i32
    %c0_i32_0 = arith.constant 0 : i32
    %c0_i32_1 = arith.constant 0 : i32
    return %c0_i32, %c0_i32_0 : i32, i32
  }
  func.func @transform_5(%arg0: i32) -> (i32, i32) {
    %c0_i32 = arith.constant 0 : i32
    %c0_i32_0 = arith.constant 0 : i32
    return %arg0, %c0_i32 : i32, i32
  }
}

module attributes {stable_mosaic.version = 14 : i64} {
  func.func @_mlp_loss_body(%arg0: i32, %arg1: memref<3x2048x128xf32, #tpu.memory_space<vmem>>, %arg2: memref<128x128xf32, #tpu.memory_space<vmem>>, %arg3: memref<1x128xf32, #tpu.memory_space<vmem>>, %arg4: memref<128x64xf32, #tpu.memory_space<vmem>>, %arg5: memref<1x64xf32, #tpu.memory_space<vmem>>, %arg6: memref<1x1xf32, #tpu.memory_space<vmem>>) attributes {dimension_semantics = [#tpu.dimension_semantics<arbitrary>], iteration_bounds = array<i64: 2>, scalar_prefetch = 0 : i64, scratch_operands = 0 : i64, tpu.core_type = #tpu.core_type<tc>, window_params = [{transform_indices = @transform_0, window_bounds = array<i64: 3, 2048, 128>}, {pipeline_mode = #tpu.pipeline_mode<synchronous>, transform_indices = @transform_1, window_bounds = array<i64: 128, 128>}, {pipeline_mode = #tpu.pipeline_mode<synchronous>, transform_indices = @transform_2, window_bounds = array<i64: 1, 128>}, {pipeline_mode = #tpu.pipeline_mode<synchronous>, transform_indices = @transform_3, window_bounds = array<i64: 128, 64>}, {pipeline_mode = #tpu.pipeline_mode<synchronous>, transform_indices = @transform_4, window_bounds = array<i64: 1, 64>}, {pipeline_mode = #tpu.pipeline_mode<synchronous>, transform_indices = @transform_5, window_bounds = array<i64: 1, 1>}]} {
    %get3A = arith.constant 0 : index
    %get3A_0 = arith.constant 0 : index
    %get3A_1 = arith.constant 0 : index
    %get3A_2 = vector.load %arg1[%get3A, %get3A_0, %get3A_1] : memref<3x2048x128xf32, #tpu.memory_space<vmem>>, vector<3x2048x128xf32>
    %reshape3A = vector.shape_cast %get3A_2 : vector<3x2048x128xf32> to vector<6144x128xf32>
    %get3A_3 = arith.constant 0 : index
    %get3A_4 = arith.constant 0 : index
    %get3A_5 = vector.load %arg2[%get3A_3, %get3A_4] : memref<128x128xf32, #tpu.memory_space<vmem>>, vector<128x128xf32>
    %dot_general3A = arith.constant dense<0.000000e+00> : vector<6144x128xf32>
    %dot_general3A_6 = tpu.matmul %reshape3A, %get3A_5, %dot_general3A {dimension_numbers = #tpu.dot_dimension_numbers<[1], [0], [0], [1], [0, 0, 1, 1], [], []>, transpose_lhs_hint = false} : vector<6144x128xf32>, vector<128x128xf32>, vector<6144x128xf32> -> vector<6144x128xf32>
    %get3A_7 = arith.constant 0 : index
    %get3A_8 = arith.constant 0 : index
    %get3A_9 = vector.load %arg3[%get3A_7, %get3A_8] : memref<1x128xf32, #tpu.memory_space<vmem>>, vector<1x128xf32>
    %add3A = vector.broadcast %get3A_9 : vector<1x128xf32> to vector<6144x128xf32>
    %add3A_10 = arith.addf %dot_general3A_6, %add3A : vector<6144x128xf32>
    %max3A = arith.constant 0.000000e+00 : f32
    %max3A_11 = vector.broadcast %max3A : f32 to vector<6144x128xf32>
    %max3A_12 = arith.maximumf %add3A_10, %max3A_11 : vector<6144x128xf32>
    %get3A_13 = arith.constant 0 : index
    %get3A_14 = arith.constant 0 : index
    %get3A_15 = vector.load %arg4[%get3A_13, %get3A_14] : memref<128x64xf32, #tpu.memory_space<vmem>>, vector<128x64xf32>
    %dot_general3A_16 = arith.constant dense<0.000000e+00> : vector<6144x64xf32>
    %dot_general3A_17 = tpu.matmul %max3A_12, %get3A_15, %dot_general3A_16 {dimension_numbers = #tpu.dot_dimension_numbers<[1], [0], [0], [1], [0, 0, 1, 1], [], []>, transpose_lhs_hint = false} : vector<6144x128xf32>, vector<128x64xf32>, vector<6144x64xf32> -> vector<6144x64xf32>
    %get3A_18 = arith.constant 0 : index
    %get3A_19 = arith.constant 0 : index
    %get3A_20 = vector.load %arg5[%get3A_18, %get3A_19] : memref<1x64xf32, #tpu.memory_space<vmem>>, vector<1x64xf32>
    %add3A_21 = vector.broadcast %get3A_20 : vector<1x64xf32> to vector<6144x64xf32>
    %add3A_22 = arith.addf %dot_general3A_17, %add3A_21 : vector<6144x64xf32>
    %slice3A = vector.extract_strided_slice %add3A_22 {offsets = [0, 0], sizes = [2048, 64], strides = [1, 1]} : vector<6144x64xf32> to vector<2048x64xf32>
    %slice3A_23 = vector.extract_strided_slice %add3A_22 {offsets = [2048, 0], sizes = [2048, 64], strides = [1, 1]} : vector<6144x64xf32> to vector<2048x64xf32>
    %slice3A_24 = vector.extract_strided_slice %add3A_22 {offsets = [4096, 0], sizes = [2048, 64], strides = [1, 1]} : vector<6144x64xf32> to vector<2048x64xf32>
    %sub3A = arith.subf %slice3A, %slice3A_23 : vector<2048x64xf32>
    %add3A_25 = arith.constant 9.99999997E-7 : f32
    %add3A_26 = vector.broadcast %add3A_25 : f32 to vector<2048x64xf32>
    %add3A_27 = arith.addf %sub3A, %add3A_26 : vector<2048x64xf32>
    %integer_pow3A = arith.mulf %add3A_27, %add3A_27 : vector<2048x64xf32>
    %reduce_sum3A = arith.constant dense<0.000000e+00> : vector<2048xf32>
    %reduce_sum3A_28 = vector.multi_reduction <add>, %integer_pow3A, %reduce_sum3A [1] : vector<2048x64xf32> to vector<2048xf32>
    %sqrt3A = math.sqrt %reduce_sum3A_28 : vector<2048xf32>
    %sub3A_29 = arith.subf %slice3A, %slice3A_24 : vector<2048x64xf32>
    %add3A_30 = arith.constant 9.99999997E-7 : f32
    %add3A_31 = vector.broadcast %add3A_30 : f32 to vector<2048x64xf32>
    %add3A_32 = arith.addf %sub3A_29, %add3A_31 : vector<2048x64xf32>
    %integer_pow3A_33 = arith.mulf %add3A_32, %add3A_32 : vector<2048x64xf32>
    %reduce_sum3A_34 = arith.constant dense<0.000000e+00> : vector<2048xf32>
    %reduce_sum3A_35 = vector.multi_reduction <add>, %integer_pow3A_33, %reduce_sum3A_34 [1] : vector<2048x64xf32> to vector<2048xf32>
    %sqrt3A_36 = math.sqrt %reduce_sum3A_35 : vector<2048xf32>
    %sub3A_37 = arith.subf %sqrt3A, %sqrt3A_36 : vector<2048xf32>
    %add3A_38 = arith.constant 1.000000e+00 : f32
    %add3A_39 = vector.broadcast %add3A_38 : f32 to vector<2048xf32>
    %add3A_40 = arith.addf %sub3A_37, %add3A_39 : vector<2048xf32>
    %max3A_41 = arith.constant 0.000000e+00 : f32
    %max3A_42 = vector.broadcast %max3A_41 : f32 to vector<2048xf32>
    %max3A_43 = arith.maximumf %add3A_40, %max3A_42 : vector<2048xf32>
    %reduce_sum3A_44 = vector.shape_cast %max3A_43 : vector<2048xf32> to vector<1x2048xf32>
    %reduce_sum3A_45 = arith.constant dense<0.000000e+00> : vector<1xf32>
    %reduce_sum3A_46 = vector.multi_reduction <add>, %reduce_sum3A_44, %reduce_sum3A_45 [1] : vector<1x2048xf32> to vector<1xf32>
    %reduce_sum3A_47 = vector.shape_cast %reduce_sum3A_46 : vector<1xf32> to vector<1x1xf32>
    %reduce_sum3A_48 = vector.extract %reduce_sum3A_47[0, 0] : f32 from vector<1x1xf32>
    %mul3A = arith.constant 2.44140625E-4 : f32
    %mul3A_49 = arith.mulf %reduce_sum3A_48, %mul3A : f32
    %eq3A = arith.constant 0 : i32
    %eq3A_50 = arith.cmpi eq, %arg0, %eq3A : i32
    %convert_element_type3A = arith.extui %eq3A_50 : i1 to i32
    %cond3A = arith.constant 0 : i32
    %cond3A_51 = arith.cmpi ne, %convert_element_type3A, %cond3A : i32
    scf.if %cond3A_51 {
      %broadcast_in_dim3A = arith.constant 0.000000e+00 : f32
      %broadcast_in_dim3A_59 = vector.broadcast %broadcast_in_dim3A : f32 to vector<1x1xf32>
      %swap3A_60 = arith.constant 0 : index
      %swap3A_61 = arith.constant 0 : index
      %swap3A_62 = vector.load %arg6[%swap3A_60, %swap3A_61] : memref<1x1xf32, #tpu.memory_space<vmem>>, vector<1x1xf32>
      tpu.vector_store %arg6[%swap3A_60, %swap3A_61], %broadcast_in_dim3A_59 {strides = array<i32>} : memref<1x1xf32, #tpu.memory_space<vmem>>, vector<1x1xf32>,
    } else {
    }
    %get3A_52 = arith.constant 0 : index
    %get3A_53 = arith.constant 0 : index
    %get3A_54 = vector.load %arg6[%get3A_52, %get3A_53] : memref<1x1xf32, #tpu.memory_space<vmem>>, vector<1x1xf32>
    %reshape3A_55 = vector.broadcast %mul3A_49 : f32 to vector<1x1xf32>
    %add3A_56 = arith.addf %get3A_54, %reshape3A_55 : vector<1x1xf32>
    %swap3A = arith.constant 0 : index
    %swap3A_57 = arith.constant 0 : index
    %swap3A_58 = vector.load %arg6[%swap3A, %swap3A_57] : memref<1x1xf32, #tpu.memory_space<vmem>>, vector<1x1xf32>
    tpu.vector_store %arg6[%swap3A, %swap3A_57], %add3A_56 {strides = array<i32>} : memref<1x1xf32, #tpu.memory_space<vmem>>, vector<1x1xf32>,
    return
  }
  func.func @transform_0(%arg0: i32) -> (i32, i32, i32) {
    %c0_i32 = arith.constant 0 : i32
    %c0_i32_0 = arith.constant 0 : i32
    %c0_i32_1 = arith.constant 0 : i32
    return %c0_i32, %arg0, %c0_i32_0 : i32, i32, i32
  }
  func.func @transform_1(%arg0: i32) -> (i32, i32) {
    %c0_i32 = arith.constant 0 : i32
    %c0_i32_0 = arith.constant 0 : i32
    %c0_i32_1 = arith.constant 0 : i32
    return %c0_i32, %c0_i32_0 : i32, i32
  }
  func.func @transform_2(%arg0: i32) -> (i32, i32) {
    %c0_i32 = arith.constant 0 : i32
    %c0_i32_0 = arith.constant 0 : i32
    %c0_i32_1 = arith.constant 0 : i32
    return %c0_i32, %c0_i32_0 : i32, i32
  }
  func.func @transform_3(%arg0: i32) -> (i32, i32) {
    %c0_i32 = arith.constant 0 : i32
    %c0_i32_0 = arith.constant 0 : i32
    %c0_i32_1 = arith.constant 0 : i32
    return %c0_i32, %c0_i32_0 : i32, i32
  }
  func.func @transform_4(%arg0: i32) -> (i32, i32) {
    %c0_i32 = arith.constant 0 : i32
    %c0_i32_0 = arith.constant 0 : i32
    %c0_i32_1 = arith.constant 0 : i32
    return %c0_i32, %c0_i32_0 : i32, i32
  }
  func.func @transform_5(%arg0: i32) -> (i32, i32) {
    %c0_i32 = arith.constant 0 : i32
    %c0_i32_0 = arith.constant 0 : i32
    %c0_i32_1 = arith.constant 0 : i32
    return %c0_i32, %c0_i32_0 : i32, i32
  }
}

</mosaic_0001>

<sc_bundles>
// kernel: kernel.11.cloned.1.call-start
scs
__scs_entry_jumppad:
0x0: {  	(pc) =	sbr.rel $0x88, $3  }
0x1: {  	(tag) =	ssettag $0x0;
	lr =	simm.s32 $0x1  }
0x2: {  	[smem:$0x3F96] =	sst lr;
	_ =	strace $0xD0000000  }
0x3: {  	_ = 	snop  }
0x4: {  	_ = 	snop  }
0x5: {  	_ = 	snop  }
0x6: {  	_ = 	snop  }
0x7: {  	_ = 	snop  }
__scs_overlays_trampoline_lowered:
0x8: {  	[smem:$0x3FA5] =	sst s0  }
0x9: {  	[smem:$0x3FA6] =	sst s1  }
0xa: {  	[smem:$0x3FA7] =	sst s2  }
0xb: {  	[smem:$0x3FA8] =	sst s3  }
0xc: {  	[smem:$0x3FA9] =	sst s4  }
0xd: {  	[smem:$0x3FAA] =	sst s5  }
0xe: {  	[smem:$0x3FAB] =	sst s6  }
0xf: {  	[smem:$0x3FAC] =	sst s7  }
0x10: {  	[smem:$0x3FAD] =	sst s8  }
0x11: {  	[smem:$0x3FAE] =	sst s9;
	s0 =	simm.s32 @!p0 $0x0  }
0x12: {  	s1 =	sld [smem:$0x3F94];
	s0 =	simm.s32 @p0 $0x1  }
0x13: {  	[smem:$0x3FAF] =	sst s0;
	s0 =	simm.s32 @!p1 $0x0  }
0x14: {  	s2 =	sld [smem:$0x3F93];
	s0 =	simm.s32 @p1 $0x1  }
0x15: {  	[smem:$0x3FB0] =	sst s0;
	s0 =	simm.s32 @!p2 $0x0  }
0x16: {  	s3 =	sld [smem:$0x3FDB];
	s0 =	simm.s32 @p2 $0x1  }
0x17: {  	s4 =	simm.s32 $0x1BF5;
	[smem:$0x3FB2] =	sst s0  }
0x18: {  	s0 =	sld [smem:$0x3F95];
	_ =	swait.ge [sflag:s4], $0x0  }
0x19: {  	s7 =	sld [smem:$0x3F96]  }
0x1a: {  	s8 =	sadd.s32 $0xFFFFE003, lr  }
0x1b: {  	s9 =	sadd.s32 $0xFFFFFEF7, lr;
	s5 =	simm.s32 $0xFFFFFFFF;
	p2 =	slt.u32 s8, $0xFFFFF086  }
0x1c: {  	p1 =	slt.u32 s9, $0xF7A;
	s5 =	simm.s32 @!p2 $0x0  }
0x1d: {  	s5 =	simm.s32 @p1 $0x1;
	p0 =	seq.s32 s7, s2  }
0x1e: {  	s7 =	smul.u32 @!p0 $0xF7A, s2;
	p2 =	seq.s32 @!p0 s5, $0x0  }
0x1f: {  	s9 =	smul.u32 $0xF7A, s1;
	s8 =	simm.s32 @!p0 $0x1BF5;
	p2 =	por !p2, p0  }
0x20: {  	[sflag:s8] =	ssyncset.s32 @!p0 $0xFFFFF086;
	s6 =	sadd.s32 @!p0 s3, s7;
	s7 =	simm.s32 @!p0 $0x108  }
0x21: {  	s3 =	sadd.s32 s3, s9;
	s6 =	sadd.s32 @!p0 $0x88, s6;
	s7 =	simm.s32 @p2 $0x1082  }
0x22: {  	[simem:s7], [sflag:s8] =	dma.local @!p0 [hbm:s6], $0xF7A  }
0x23: {  	s9 =	sor.u32 $0xD0000000, s2;
	s6 =	simm.s32 $0x108;
	_ =	swait.ge @!p0 [sflag:s8], $0x0  }
0x24: {  	s3 =	sadd.s32 $0x88, s3;
	s6 =	simm.s32 @!p1 $0x1082;
	[sflag:s4] =	ssyncset.s32 $0xFFFFF086  }
0x25: {  	[simem:s6], [sflag:s4] =	dma.local [hbm:s3], $0xF7A  }
0x26: {  	[smem:$0x3F96] =	sst s1;
	(tag) =	ssettag s2;
	_ =	strace s9  }
0x27: {  	s1 =	sld [smem:$0x3FA6]  }
0x28: {  	s2 =	sld [smem:$0x3FA7]  }
0x29: {  	s4 =	sld [smem:$0x3FA9]  }
0x2a: {  	p0 =	seq.s32 s5, $0x0;
	s5 =	sld [smem:$0x3FAA]  }
0x2b: {  	s6 =	sld [smem:$0x3FAB]  }
0x2c: {  	s7 =	sld [smem:$0x3FAC]  }
0x2d: {  	s3 =	simm.s32 $0x108;
	s8 =	sld [smem:$0x3FAD]  }
0x2e: {  	s3 =	simm.s32 @!p0 $0x1082;
	s9 =	sld [smem:$0x3FAE]  }
0x2f: {  	lr =	sadd.s32 s0, s3;
	s0 =	sld [smem:$0x3FA5]  }
0x30: {  	s3 =	sld [smem:$0x3FA8]  }
0x31: {  	[smem:$0x3FB1] =	sst s10  }
0x32: {  	s10 =	sld [smem:$0x3FAF];
	_ =	sdelay $0x3  }
0x33: {  	p0 =	seq.s32 s10, $0x1;
	s10 =	sld [smem:$0x3FB1];
	_ =	sdelay $0x3  }
0x34: {  	[smem:$0x3FB1] =	sst s10  }
0x35: {  	s10 =	sld [smem:$0x3FB0];
	_ =	sdelay $0x3  }
0x36: {  	p1 =	seq.s32 s10, $0x1;
	s10 =	sld [smem:$0x3FB1];
	_ =	sdelay $0x3  }
0x37: {  	[smem:$0x3FB1] =	sst s10  }
0x38: {  	s10 =	sld [smem:$0x3FB2]  }
0x39: {  	_ = 	snop;
	(pc) =	sbr.ind lr, $3  }
0x3a: {  	_ = 	snop  }
0x3b: {  	_ = 	snop  }
0x3c: {  	p2 =	seq.s32 s10, $0x1;
	s10 =	sld [smem:$0x3FB1]  }
0x3d: {  	_ =	shalt  }
0x3e: {  	_ =	shalt  }
0x3f: {  	_ =	shalt  }
0x40: {  	_ =	shalt  }
0x41: {  	_ =	shalt  }
0x42: {  	_ =	shalt  }
0x43: {  	_ =	shalt  }
0x44: {  	_ =	shalt  }
0x45: {  	_ =	shalt  }
0x46: {  	_ =	shalt  }
0x47: {  	_ =	shalt  }
0x48: {  	_ =	shalt  }
0x49: {  	_ =	shalt  }
0x4a: {  	_ =	shalt  }
0x4b: {  	_ =	shalt  }
0x4c: {  	_ =	shalt  }
0x4d: {  	_ =	shalt  }
0x4e: {  	_ =	shalt  }
0x4f: {  	_ =	shalt  }
0x50: {  	_ =	shalt  }
0x51: {  	_ =	shalt  }
0x52: {  	_ =	shalt  }
0x53: {  	_ =	shalt  }
0x54: {  	_ =	shalt  }
0x55: {  	_ =	shalt  }
0x56: {  	_ =	shalt  }
0x57: {  	_ =	shalt  }
0x58: {  	_ =	shalt  }
0x59: {  	_ =	shalt  }
0x5a: {  	_ =	shalt  }
0x5b: {  	_ =	shalt  }
0x5c: {  	_ =	shalt  }
0x5d: {  	_ =	shalt  }
0x5e: {  	_ =	shalt  }
0x5f: {  	_ =	shalt  }
0x60: {  	_ =	shalt  }
0x61: {  	_ =	shalt  }
0x62: {  	_ =	shalt  }
0x63: {  	_ =	shalt  }
0x64: {  	_ =	shalt  }
0x65: {  	_ =	shalt  }
0x66: {  	_ =	shalt  }
0x67: {  	_ =	shalt  }
0x68: {  	_ =	shalt  }
0x69: {  	_ =	shalt  }
0x6a: {  	_ =	shalt  }
0x6b: {  	_ =	shalt  }
0x6c: {  	_ =	shalt  }
0x6d: {  	_ =	shalt  }
0x6e: {  	_ =	shalt  }
0x6f: {  	_ =	shalt  }
0x70: {  	_ =	shalt  }
0x71: {  	_ =	shalt  }
0x72: {  	_ =	shalt  }
0x73: {  	_ =	shalt  }
0x74: {  	_ =	shalt  }
0x75: {  	_ =	shalt  }
0x76: {  	_ =	shalt  }
0x77: {  	_ =	shalt  }
0x78: {  	_ =	shalt  }
0x79: {  	_ =	shalt  }
0x7a: {  	_ =	shalt  }
0x7b: {  	_ =	shalt  }
0x7c: {  	_ =	shalt  }
0x7d: {  	_ =	shalt  }
0x7e: {  	_ =	shalt  }
0x7f: {  	_ =	shalt  }
0x80: {  	_ =	shalt  }
0x81: {  	_ =	shalt  }
0x82: {  	_ =	shalt  }
0x83: {  	_ =	shalt  }
0x84: {  	_ =	shalt  }
0x85: {  	_ =	shalt  }
0x86: {  	_ =	shalt  }
0x87: {  	_ =	shalt  }
.Lfunc_end0:
.L_simem_size_0:
called_computation.1_lowered:
.L_overlay_start_0:
0x88: {  	s2 =	sld [smem:$0x3FD9]  }
0x89: {  	s3 =	sld [smem:$0x3FFE];
	_ =	sdelay $0x1  }
0x8a: {  	s1 =	srdreg.scid  }
0x8b: {  	s0 =	sand.u32 $0x1, s1  }
0x8c: {  	s16 =	sshll.u32 s0, $0xA;
	s2 =	sadd.s32 s3, s2  }
0x8d: {  	s2 =	sadd.s32 s2, s16  }
0x8e: {  	[smem:$0x3FBD] =	sst s2  }
0x8f: {  	_ = 	snop  }
0x90: {  	(tm) =	ssettm $0x1  }
0x91: {  	s17 =	sld [smem:$0x3FFB];
	_ =	sdelay $0x3  }
0x92: {  	_ =	strace s17  }
0x93: {  	s2 =	sld [smem:$0x3FFC];
	_ =	sdelay $0x3  }
0x94: {  	_ =	strace s2  }
0x95: {  	s2 =	sld [smem:$0x3FFD];
	_ =	sdelay $0x3  }
0x96: {  	_ =	strace s2  }
0x97: {  	_ =	strace $0x8FFFFFFF  }
0x98: {  	s18 =	sld [smem:$0x3FDB];
	_ =	sdelay $0x1  }
0x99: {  	s19 =	simm.s32 $_scs_section_size  }
0x9a: {  	s4 =	simm.s32 $_size__tile_overlayer_lowered;
	s5 =	simm.s32 $_tile_overlayer_lowered  }
0x9b: {  	s22 =	simm.s32 $0x1BFF;
	s21 =	sshll.u32 s5, $0x1;
	s2 =	sadd.s32 s19, s18  }
0x9c: {  	s6 =	simm.s32 $0x0;
	s20 =	sshll.u32 s4, $0x1;
	s4 =	sadd.s32 s21, s2  }
0x9d: {  	[timem:s6], [sflag:s22] =	dma.local [hbm:s4], s20  }
0x9e: {  	_ =	swait.ge [sflag:s22], s20  }
0x9f: {  	s3 =	ssub.s32 $0x0, s20;
	[sflag:s22] =	ssyncset.done $0x0  }
0xa0: {  	[sflag:s22] =	ssyncadd.s32 s3;
	_ =	sdelay $0x1  }
0xa1: {  	s23 =	simm.s32 $0x1B8B  }
0xa2: {  	_ =	swait.ge [sflag:s23], $0x1  }
0xa3: {  	[sflag:s23] =	ssyncset.done $0x0  }
0xa4: {  	s25 =	simm.s32 $0x1B8E;
	s24 =	sld [smem:$0x3FFE];
	[sflag:s23] =	ssyncadd.s32 $0xFFFFFFFF  }
0xa5: {  	s26 =	simm.s32 $execute0_lowered;
	[smem:$0x3FD2] =	sst s25  }
0xa6: {  	s4 =	sshll.u32 s26, $0x1;
	_ =	strace $0x80000049;
	[dreg:$0x1] =	wrdreg $0xFFFFFFFF  }
0xa7: {  	s28 =	simm.s32 $_size_execute0_lowered;
	s2 =	sadd.s32 s2, s4;
	[dreg:$0x0] =	wrdreg $0x0  }
0xa8: {  	s4 =	sshll.u32 s28, $0x1;
	[dreg:$0x2] =	wrdreg s2  }
0xa9: {  	[dreg:$0x3] =	wrdreg s4  }
0xaa: {  	[dreg:$0x4] =	wrdreg $0xC0  }
0xab: {  	_ =	task [dreg:s6], $0x5FFFF  }
0xac: {  	[dreg:$0x1] =	wrdreg $0xFFFFFFFF  }
0xad: {  	[dreg:$0x0] =	wrdreg $0x60  }
0xae: {  	[dreg:$0x2] =	wrdreg s24  }
0xaf: {  	[dreg:$0x3] =	wrdreg $0xB8000  }
0xb0: {  	[dreg:$0x4] =	wrdreg $0x9  }
0xb1: {  	_ =	task.clear_ibuf [dreg:s6], $0x5FFFF;
	_ =	strace $0x90000049  }
0xb2: {  	s29 =	simm.s32 $0x9;
	_ =	strace $0x8000004B  }
0xb3: {  	_ =	swait.ge [sflag:s29], $0x1  }
0xb4: {  	[sflag:s29] =	ssyncadd.s32 $0xFFFFFFFF  }
0xb5: {  	_ =	strace $0x9000004B  }
0xb6: {  	_ =	sfence  }
0xb7: {  	s30 =	sld [smem:$0x0];
	_ =	sdelay $0x2  }
0xb8: {  	s31 =	sshll.u32 s1, $0xD;
	s1 =	sshrl.u32 s1, $0x2  }
0xb9: {  	s3 =	sand.u32 $0x4000, s31;
	s1 =	sadd.s32 s1, s30  }
0xba: {  	s0 =	sor.u32 s3, s0;
	s1 =	sshll.u32 s1, $0x11  }
0xbb: {  	s0 =	sor.u32 s1, s0  }
0xbc: {  	s0 =	sadd.s32 $0x8F2B, s0  }
0xbd: {  	[sflag:s0] =	ssyncadd.remote.s32 $0x1  }
0xbe: {  	_ =	sfence.sel $0xFFFF  }
0xbf: {  	[dreg:$0x0] =	wrdreg $0xFFFFFFFF;
	(pc) =	sbr.abs _section_cstart, $3  }
0xc0: {  	[dreg:$0x1] =	wrdreg $0xFFFFFFFF  }
0xc1: {  	_ =	task.clear_ibuf [dreg:s6], $0x2FFFF;
	_ =	strace $0x9FFFFFFF  }
0xc2: {  	(tm) =	ssettm $0x7FFFFFFF  }
0xc3: {  	_ =	shalt  }
tec
execute0_lowered:
.L_overlay_start_1:
0x0: {  	(tag) =	ssettag $0x1  }
0x1: {  	s0 =	rddreg [dreg:$0x0]  }
0x2: {  	s2 =	rddreg [dreg:$0x1]  }
0x3: {  	s1 =	srdreg.scid;
	s11 =	stileid.u32  }
0x4: {  	s4 =	simm.s32 $0x0;
	s31 =	simm.s32 $0x7800;
	s28 =	simm.s32 $0x3  }
0x5: {  	s30 =	simm.s32 $0x7;
	s1 =	sand.u32 $0x1, s1;
	s3 =	smul.u32 $0x14000, s11  }
0x6: {  	[smem:$0x7FF] =	sst s4;
	s4 =	sadd.s32 $0x2BA00, s0;
	s9 =	smul.u32 $0x50000, s11  }
0x7: {  	s7 =	sadd.s32 $0x17A00, s0;
	s8 =	sadd.s32 $0x2E00, s0;
	s13 =	smul.u32 $0x5000, s11  }
0x8: {  	s5 =	smul.u32 $0x140000, s1;
	_ =	strace $0x8000004A;
	s6 =	sshll.u32 s1, $0x4  }
0x9: {  	s29 =	ssub.s32 $0x2, s1;
	s1 =	smul.u32 $0x50000, s1;
	s6 =	sor.u32 s11, s6  }
0xa: {  	s10 =	sshrl.u32 s29, $0x1;
	s14 =	sshrl.u32 s9, $0x2;
	s9 =	simm.s32 $0x0  }
0xb: {  	s5 =	sadd.s32 s3, s5;
	s6 =	smul.u32 $0x5000, s6;
	s3 =	sshrl.u32 s3, $0x3  }
0xc: {  	s1 =	sadd.s32 s13, s1;
	s5 =	sshrl.u32 s5, $0x3;
	s3 =	sadd.s32 s4, s3  }
0xd: {  	s16 =	sor.u32 $0x400, s1;
	s17 =	sshrl.u32 s1, $0x3;
	s18 =	sor.u32 $0x380, s1  }
0xe: {  	s20 =	sor.u32 $0x180, s1;
	s21 =	sor.u32 $0x300, s1;
	s22 =	sor.u32 $0x100, s1  }
0xf: {  	s25 =	sor.u32 $0x280, s1;
	s26 =	sor.u32 $0x80, s1;
	s1 =	sor.u32 $0x200, s1  }
0x10: {  	s0 =	sadd.s32 s5, s0;
	s6 =	sshrl.u32 s6, $0x3;
	s5 =	ssub.s32 s29, s10  }
0x11: {  	[dreg:$0x6] =	wrdreg s3;
	s3 =	sadd.s32 s17, s8;
	s19 =	sshrl.u32 s18, $0x3  }
0x12: {  	s24 =	sshrl.u32 s22, $0x3;
	s29 =	sshrl.u32 s1, $0x3;
	s10 =	simm.s32 $0xB  }
0x13: {  	s1 =	simm.s32 $0x9800;
	s12 =	sadd.s32 s7, s6;
	[dreg:$0x9] =	wrdreg s3  }
0x14: {  	s22 =	simm.s32 $0x2;
	s6 =	sadd.s32 s8, s6;
	[dreg:$0x3] =	wrdreg s12  }
0x15: {  	s0 =	sadd.s32 $0x53A00, s0;
	s15 =	smax.u32 s5, $0x1;
	[dreg:$0x4] =	wrdreg s6  }
0x16: {  	s3 =	sshrl.u32 s21, $0x3;
	s5 =	simm.s32 $0x4;
	[dreg:$0x7] =	wrdreg s0  }
0x17: {  	s6 =	sadd.s32 s14, s2;
	[dreg:$0x8] =	wrdreg s15;
	s0 =	sshrl.u32 s16, $0x3  }
0x18: {  	s23 =	sadd.s32 s3, s7;
	s16 =	sadd.s32 s24, s8;
	[dreg:$0x5] =	wrdreg s6  }
0x19: {  	s3 =	sshrl.u32 s26, $0x3;
	s0 =	sadd.s32 s0, s7;
	[dreg:$0xd] =	wrdreg s23  }
0x1a: {  	s18 =	sadd.s32 s3, s8;
	s23 =	simm.s32 $0x40;
	s6 =	simm.s32 $0x8  }
.Ltmp0:
0x1b: {  	[dreg:$0xa] =	wrdreg s0;
	s0 =	sadd.s32 s19, s7;
	(pc) =	sbr.rel .LBB2_1-.Ltmp0, $4  }
0x1c: {  	s19 =	sadd.s32 s29, s8;
	[dreg:$0xb] =	wrdreg s0;
	s0 =	sshrl.u32 s20, $0x3  }
0x1d: {  	s20 =	sadd.s32 s29, s7;
	s0 =	sadd.s32 s0, s8;
	s8 =	simm.s32 $0x9  }
0x1e: {  	[dreg:$0xc] =	wrdreg s0;
	s0 =	sshrl.u32 s25, $0x3;
	s25 =	simm.s32 $0x6  }
0x1f: {  	s17 =	sadd.s32 s0, s7;
	s0 =	simm.s32 $0x1;
	s7 =	simm.s32 $0x5  }
.LBB2_4:
0x20: {  	s3 =	simm.s32 $0xA  }
0x21: {  	_ =	swait.ge [sflag:s3], $0x2000  }
0x22: {  	[sflag:s3] =	ssyncset.done $0x0  }
0x23: {  	[sflag:s3] =	ssyncadd.s32 $0xFFFFE000  }
0x24: {  	[bflag:$0x0] =	sbarrier.arrive $0xFFFF  }
0x25: {  	s24 =	rddreg [dreg:$0x7]  }
0x26: {  	s9 =	rddreg [dreg:$0xf]  }
0x27: {  	s10 =	rddreg [dreg:$0x10]  }
0x28: {  	[hbm:s24], [sflag:s9] =	dma.local [spmem:s10], $0x2800  }
0x29: {  	s10 =	simm.s32 $0xB  }
0x2a: {  	_ =	swait.ge [sflag:s10], $0x2800  }
0x2b: {  	s26 =	rddreg [dreg:$0xe]  }
0x2c: {  	s29 =	rddreg [dreg:$0x8];
	s9 =	sadd.s32 $0x1, s26  }
0x2d: {  	p0 =	sne.s32 s9, s29  }
.Ltmp1:
0x2e: {  	_ = 	snop;
	(pc) =	sbr.rel @!p0 .LBB2_5-.Ltmp1, $3  }
0x2f: {  	_ =	sdelay $0x1  }
0x30: {  	[sflag:s10] =	ssyncset.done $0x0  }
0x31: {  	[sflag:s10] =	ssyncadd.s32 $0xFFFFD800  }
.LBB2_1:
0x32: {  	[dreg:$0xe] =	wrdreg s9  }
0x33: {  	s21 =	simm.s32 $0x0;
	s3 =	rddreg [dreg:$0x3]  }
0x34: {  	[tilespmem:s21], [sflag:$0xB] =	stream.linear.gather [hbm4b:s3+s21], $0x800, $0x38;
	[tilespmem:$0x1F800] =	vst v63  }
0x35: {  	s26 =	stileid.u32;
	_ =	swait.ge [sflag:s10], $0x800  }
0x36: {  	s11 =	simm.s32 $0x1000;
	s3 =	sshll.u32 s26, $0x6;
	[sflag:s10] =	ssyncset.done $0x0  }
0x37: {  	s29 =	sor.u32 $0x1C0B, s3;
	s24 =	rddreg [dreg:$0x4];
	[sflag:s10] =	ssyncadd.s32 $0xFFFFF800  }
0x38: {  	[tilespmem:s11], [sflag:$0xB] =	stream.linear.gather [hbm4b:s24+s21], $0x800, $0x38;
	[tilespmem:$0x1F800] =	vst v63  }
0x39: {  	_ =	swait.ge [sflag:s10], $0x800;
	[dreg:$0xf] =	wrdreg s29  }
0x3a: {  	s12 =	rddreg [dreg:$0x5]  }
0x3b: {  	[sflag:s10] =	ssyncset.done $0x0;
	s13 =	rddreg [dreg:$0x6];
	s12 =	sshrl.u32 s12, $0x3  }
0x3c: {  	[sflag:s10] =	ssyncadd.s32 $0xFFFFF800;
	[dreg:$0x10] =	wrdreg s12  }
0x3d: {  	[spmem:s12], [sflag:s29] =	dma.local [hbm:s13], $0x2800  }
0x3e: {  	_ =	swait.ge [sflag:s10], $0x2800  }
0x3f: {  	[sflag:s10] =	ssyncset.done $0x0  }
0x40: {  	s14 =	simm.s32 $0x1800;
	[sflag:s10] =	ssyncadd.s32 $0xFFFFD800  }
0x41: {  	[tilespmem:s14], [sflag:$0x1] =	stream.indirect.gather [hbm4b:s4+s23], $0x80, s21, s23, $0xb8;
	[tilespmem:$0x1F800] =	vst v63  }
0x42: {  	s15 =	simm.s32 $0x80;
	s21 =	simm.s32 $0x3800  }
0x43: {  	[tilespmem:s21], [sflag:$0x2] =	stream.indirect.gather [hbm4b:s4+s23], $0x80, s15, s23, $0xb8;
	[tilespmem:$0x1F800] =	vst v63  }
0x44: {  	s26 =	simm.s32 $0x5800;
	s24 =	simm.s32 $0x100  }
0x45: {  	[tilespmem:s26], [sflag:$0x3] =	stream.indirect.gather [hbm4b:s4+s23], $0x80, s24, s23, $0xb8;
	[tilespmem:$0x1F800] =	vst v63  }
0x46: {  	s29 =	simm.s32 $0x180  }
0x47: {  	[tilespmem:s31], [sflag:$0x4] =	stream.indirect.gather [hbm4b:s4+s23], $0x80, s29, s23, $0xb8;
	[tilespmem:$0x1F800] =	vst v63  }
0x48: {  	s9 =	simm.s32 $0x0;
	s3 =	simm.s32 $0x0;
	[bflag:$0x0] =	sbarrier.arrive $0xFFFF  }
.LBB2_2:
0x49: {  	_ =	swait.ge [sflag:s0], $0x2000  }
0x4a: {  	p0 =	seq.s32 s3, $0x0;
	[sflag:s0] =	ssyncset.done $0x0  }
0x4b: {  	s10 =	simm.s32 @!p0 $0xA;
	s21 =	sand.u32 @!p0 $0xF, s9;
	[sflag:s0] =	ssyncadd.s32 $0xFFFFE000  }
0x4c: {  	p1 =	sne.s32 @!p0 s21, $0x0;
	_ =	swait.ge @!p0 [sflag:s10], $0x2000  }
0x4d: {  	p2 =	por p1, p0;
	p1 =	por !p1, p0;
	[sflag:s10] =	ssyncset.done @!p0 $0x0  }
0x4e: {  	s24 =	simm.s32 @!p2 $0x0;
	[sflag:s10] =	ssyncadd.s32 @!p0 $0xFFFFE000;
	s10 =	rddreg [dreg:$0x9]  }
0x4f: {  	s26 =	simm.s32 @!p2 $0x1000;
	s21 =	simm.s32 @p1 $0x0;
	s10 =	sadd.s32 @!p2 s3, s10  }
0x50: {  	[tilespmem:s26], [sflag:$0xB] =	stream.linear.gather @!p2 [hbm4b:s10+s24], $0x800, $0x38;
	[tilespmem:$0x1F800] =	vst v63  }
0x51: {  	s11 =	simm.s32 $0x1800;
	s21 =	simm.s32 @p0 $0x0;
	s10 =	simm.s32 @!p2 $0xB  }
0x52: {  	s21 =	sshll.u32 s21, $0x7;
	s26 =	sadd.s32 $0x4, s9;
	_ =	swait.ge @!p2 [sflag:s10], $0x800  }
0x53: {  	s24 =	sor.u32 $0x1000, s21;
	s21 =	sand.u32 $0xF, s26;
	[sflag:s10] =	ssyncset.done @!p2 $0x0  }
0x54: {  	p0 =	seq.s32 s21, $0x0;
	[sflag:s10] =	ssyncadd.s32 @!p2 $0xFFFFF800;
	s10 =	sand.u32 $0x10, s26  }
0x55: {  	[spmem:s2] =	stream.indirect.scatter.add.f32 [tilespmem:s11], [sflag:$0x6], $0x80, s24, s23, $0xb8;
	[tilespmem:$0x1F800] =	vst v63  }
0x56: {  	s24 =	sshll.u32 @p0 s10, $0x9  }
0x57: {  	s29 =	sadd.s32 @p0 s3, s20;
	s12 =	simm.s32 @p0 $0x0;
	s26 =	sshrl.u32 @p0 s24, $0x2  }
0x58: {  	[tilespmem:s26], [sflag:$0xB] =	stream.linear.gather @p0 [hbm4b:s29+s12], $0x800, $0x38;
	[tilespmem:$0x1F800] =	vst v63  }
0x59: {  	s10 =	sshll.u32 @!p0 s10, $0x9;
	s12 =	simm.s32 @p0 $0xB  }
0x5a: {  	s10 =	smov.u32 @p0 s24;
	s29 =	sshll.u32 s21, $0x9;
	_ =	swait.ge @p0 [sflag:s12], $0x800  }
0x5b: {  	s10 =	sshrl.u32 s10, $0x2;
	s24 =	sshrl.u32 s29, $0x2;
	[sflag:s12] =	ssyncset.done @p0 $0x0  }
0x5c: {  	s10 =	sadd.s32 s24, s10;
	[sflag:s12] =	ssyncadd.s32 @p0 $0xFFFFF800  }
0x5d: {  	[tilespmem:s1], [sflag:$0x5] =	stream.indirect.gather [hbm4b:s4+s23], $0x80, s10, s23, $0xb8;
	[tilespmem:$0x1F800] =	vst v63  }
0x5e: {  	_ =	swait.ge [sflag:s22], $0x2000  }
0x5f: {  	s11 =	sadd.s32 $0x1, s9;
	[sflag:s22] =	ssyncset.done $0x0  }
0x60: {  	s10 =	sand.u32 $0xF, s11;
	[sflag:s22] =	ssyncadd.s32 $0xFFFFE000  }
0x61: {  	p0 =	sne.s32 s10, $0x0;
	_ =	swait.ge [sflag:s25], $0x2000  }
0x62: {  	s12 =	sadd.s32 @!p0 s3, s18;
	[sflag:s25] =	ssyncset.done $0x0  }
0x63: {  	s26 =	simm.s32 @!p0 $0x0;
	s29 =	simm.s32 @!p0 $0x1000;
	[sflag:s25] =	ssyncadd.s32 $0xFFFFE000  }
0x64: {  	[tilespmem:s29], [sflag:$0xB] =	stream.linear.gather @!p0 [hbm4b:s12+s26], $0x800, $0x38;
	[tilespmem:$0x1F800] =	vst v63  }
0x65: {  	s12 =	simm.s32 @!p0 $0xB  }
0x66: {  	_ =	swait.ge @!p0 [sflag:s12], $0x800  }
0x67: {  	s10 =	sshll.u32 s10, $0x7;
	[sflag:s12] =	ssyncset.done @!p0 $0x0  }
0x68: {  	s10 =	sor.u32 $0x1000, s10;
	[sflag:s12] =	ssyncadd.s32 @!p0 $0xFFFFF800;
	s12 =	simm.s32 $0x3800  }
0x69: {  	[spmem:s2] =	stream.indirect.scatter.add.f32 [tilespmem:s12], [sflag:$0x7], $0x80, s10, s23, $0xb8;
	[tilespmem:$0x1F800] =	vst v63  }
0x6a: {  	p0 =	seq.s32 s3, $0x9B0;
	s10 =	sadd.s32 $0x5, s9  }
0x6b: {  	s12 =	sand.u32 @!p0 $0xF, s10  }
0x6c: {  	p1 =	seq.s32 @!p0 s12, $0x0  }
0x6d: {  	s26 =	sand.u32 @!p0 $0x10, s10;
	p2 =	por !p1, p0  }
0x6e: {  	s29 =	sshll.u32 @!p2 s26, $0x9  }
0x6f: {  	s13 =	sadd.s32 @!p2 s3, s17;
	s14 =	simm.s32 @!p2 $0x0;
	s11 =	sshrl.u32 @!p2 s29, $0x2  }
0x70: {  	[tilespmem:s11], [sflag:$0xB] =	stream.linear.gather @!p2 [hbm4b:s13+s14], $0x800, $0x38;
	[tilespmem:$0x1F800] =	vst v63  }
0x71: {  	p1 =	por p1, p0;
	s11 =	simm.s32 @!p2 $0xB  }
0x72: {  	s13 =	sshll.u32 @!p1 s26, $0x9;
	_ =	swait.ge @!p2 [sflag:s11], $0x800  }
0x73: {  	s29 =	smov.u32 @p2 s13;
	[sflag:s11] =	ssyncset.done @!p2 $0x0  }
0x74: {  	s12 =	sshll.u32 @!p0 s12, $0x7;
	[sflag:s11] =	ssyncadd.s32 @!p2 $0xFFFFF800;
	s11 =	sshrl.u32 @!p0 s29, $0x2  }
0x75: {  	s26 =	simm.s32 @!p0 $0x40;
	s11 =	sadd.s32 @!p0 s12, s11;
	s12 =	simm.s32 @!p0 $0x1800  }
0x76: {  	[tilespmem:s12], [sflag:$0x1] =	stream.indirect.gather @!p0 [hbm4b:s4+s26], $0x80, s11, s26, $0xb8;
	[tilespmem:$0x1F800] =	vst v63  }
0x77: {  	_ =	swait.ge [sflag:s28], $0x2000  }
0x78: {  	s13 =	sadd.s32 $0x2, s9;
	[sflag:s28] =	ssyncset.done $0x0  }
0x79: {  	s11 =	sand.u32 $0xF, s13;
	[sflag:s28] =	ssyncadd.s32 $0xFFFFE000  }
0x7a: {  	p1 =	sne.s32 s11, $0x0;
	_ =	swait.ge [sflag:s30], $0x2000  }
0x7b: {  	s12 =	sadd.s32 @!p1 s3, s16;
	[sflag:s30] =	ssyncset.done $0x0  }
0x7c: {  	s13 =	simm.s32 @!p1 $0x0;
	s14 =	simm.s32 @!p1 $0x1000;
	[sflag:s30] =	ssyncadd.s32 $0xFFFFE000  }
0x7d: {  	[tilespmem:s14], [sflag:$0xB] =	stream.linear.gather @!p1 [hbm4b:s12+s13], $0x800, $0x38;
	[tilespmem:$0x1F800] =	vst v63  }
0x7e: {  	s12 =	simm.s32 @!p1 $0xB  }
0x7f: {  	_ =	swait.ge @!p1 [sflag:s12], $0x800  }
0x80: {  	s11 =	sshll.u32 s11, $0x7;
	[sflag:s12] =	ssyncset.done @!p1 $0x0  }
0x81: {  	s11 =	sor.u32 $0x1000, s11;
	s14 =	simm.s32 $0x5800;
	[sflag:s12] =	ssyncadd.s32 @!p1 $0xFFFFF800  }
0x82: {  	[spmem:s2] =	stream.indirect.scatter.add.f32 [tilespmem:s14], [sflag:$0x8], $0x80, s11, s23, $0xb8;
	[tilespmem:$0x1F800] =	vst v63  }
0x83: {  	s11 =	sadd.s32 $0x6, s9  }
0x84: {  	s12 =	sand.u32 @!p0 $0xF, s11  }
0x85: {  	p1 =	seq.s32 @!p0 s12, $0x0  }
0x86: {  	s11 =	sand.u32 @!p0 $0x10, s11;
	p2 =	por !p1, p0  }
0x87: {  	s15 =	rddreg [dreg:$0xd];
	p1 =	por p1, p0;
	s13 =	sshll.u32 @!p2 s11, $0x9  }
0x88: {  	s29 =	sadd.s32 @!p2 s3, s15;
	s15 =	simm.s32 @!p2 $0x0;
	s14 =	sshrl.u32 @!p2 s13, $0x2  }
0x89: {  	[tilespmem:s14], [sflag:$0xB] =	stream.linear.gather @!p2 [hbm4b:s29+s15], $0x800, $0x38;
	[tilespmem:$0x1F800] =	vst v63  }
0x8a: {  	s11 =	sshll.u32 @!p1 s11, $0x9;
	s14 =	simm.s32 @!p2 $0xB  }
0x8b: {  	s13 =	smov.u32 @p2 s11;
	_ =	swait.ge @!p2 [sflag:s14], $0x800  }
0x8c: {  	s12 =	sshll.u32 @!p0 s12, $0x7;
	s11 =	sshrl.u32 @!p0 s13, $0x2;
	[sflag:s14] =	ssyncset.done @!p2 $0x0  }
0x8d: {  	s11 =	sadd.s32 @!p0 s12, s11;
	s12 =	simm.s32 @!p0 $0x3800;
	[sflag:s14] =	ssyncadd.s32 @!p2 $0xFFFFF800  }
0x8e: {  	[tilespmem:s12], [sflag:$0x2] =	stream.indirect.gather @!p0 [hbm4b:s4+s26], $0x80, s11, s26, $0xb8;
	[tilespmem:$0x1F800] =	vst v63  }
0x8f: {  	_ =	swait.ge [sflag:s5], $0x2000  }
0x90: {  	s15 =	sadd.s32 $0x3, s9;
	[sflag:s5] =	ssyncset.done $0x0  }
0x91: {  	s11 =	sand.u32 $0xF, s15;
	[sflag:s5] =	ssyncadd.s32 $0xFFFFE000  }
0x92: {  	p1 =	sne.s32 s11, $0x0;
	_ =	swait.ge [sflag:s6], $0x2000  }
0x93: {  	s13 =	simm.s32 @!p1 $0x0;
	[sflag:s6] =	ssyncset.done $0x0;
	s12 =	rddreg [dreg:$0xc]  }
0x94: {  	s14 =	simm.s32 @!p1 $0x1000;
	[sflag:s6] =	ssyncadd.s32 $0xFFFFE000;
	s12 =	sadd.s32 @!p1 s3, s12  }
0x95: {  	[tilespmem:s14], [sflag:$0xB] =	stream.linear.gather @!p1 [hbm4b:s12+s13], $0x800, $0x38;
	[tilespmem:$0x1F800] =	vst v63  }
0x96: {  	s12 =	simm.s32 @!p1 $0xB  }
0x97: {  	_ =	swait.ge @!p1 [sflag:s12], $0x800  }
0x98: {  	s11 =	sshll.u32 s11, $0x7;
	[sflag:s12] =	ssyncset.done @!p1 $0x0  }
0x99: {  	s11 =	sor.u32 $0x1000, s11;
	[sflag:s12] =	ssyncadd.s32 @!p1 $0xFFFFF800  }
0x9a: {  	[spmem:s2] =	stream.indirect.scatter.add.f32 [tilespmem:s31], [sflag:$0x9], $0x80, s11, s23, $0xb8;
	[tilespmem:$0x1F800] =	vst v63  }
0x9b: {  	s11 =	sadd.s32 $0x7, s9  }
0x9c: {  	s12 =	sand.u32 @!p0 $0xF, s11  }
0x9d: {  	p1 =	seq.s32 @!p0 s12, $0x0  }
0x9e: {  	s11 =	sand.u32 @!p0 $0x10, s11;
	p2 =	por !p1, p0  }
0x9f: {  	s15 =	rddreg [dreg:$0xb];
	p1 =	por p1, p0;
	s13 =	sshll.u32 @!p2 s11, $0x9  }
0xa0: {  	s15 =	sadd.s32 @!p2 s3, s15;
	s29 =	simm.s32 @!p2 $0x0;
	s14 =	sshrl.u32 @!p2 s13, $0x2  }
0xa1: {  	[tilespmem:s14], [sflag:$0xB] =	stream.linear.gather @!p2 [hbm4b:s15+s29], $0x800, $0x38;
	[tilespmem:$0x1F800] =	vst v63  }
0xa2: {  	s11 =	sshll.u32 @!p1 s11, $0x9;
	s14 =	simm.s32 @!p2 $0xB  }
0xa3: {  	s13 =	smov.u32 @p2 s11;
	_ =	swait.ge @!p2 [sflag:s14], $0x800  }
0xa4: {  	s12 =	sshll.u32 @!p0 s12, $0x7;
	s11 =	sshrl.u32 @!p0 s13, $0x2;
	[sflag:s14] =	ssyncset.done @!p2 $0x0  }
0xa5: {  	s11 =	sadd.s32 @!p0 s12, s11;
	s12 =	simm.s32 @!p0 $0x5800;
	[sflag:s14] =	ssyncadd.s32 @!p2 $0xFFFFF800  }
0xa6: {  	[tilespmem:s12], [sflag:$0x3] =	stream.indirect.gather @!p0 [hbm4b:s4+s26], $0x80, s11, s26, $0xb8;
	[tilespmem:$0x1F800] =	vst v63  }
0xa7: {  	_ =	swait.ge [sflag:s7], $0x2000  }
0xa8: {  	[sflag:s7] =	ssyncset.done $0x0  }
0xa9: {  	[sflag:s7] =	ssyncadd.s32 $0xFFFFE000  }
0xaa: {  	p1 =	sne.s32 s21, $0x0;
	_ =	swait.ge [sflag:s8], $0x2000  }
0xab: {  	s13 =	simm.s32 @!p1 $0x1000;
	[sflag:s8] =	ssyncset.done $0x0  }
0xac: {  	s11 =	sadd.s32 @!p1 s3, s19;
	s12 =	simm.s32 @!p1 $0x0;
	[sflag:s8] =	ssyncadd.s32 $0xFFFFE000  }
0xad: {  	[tilespmem:s13], [sflag:$0xB] =	stream.linear.gather @!p1 [hbm4b:s11+s12], $0x800, $0x38;
	[tilespmem:$0x1F800] =	vst v63  }
.Ltmp2:
0xae: {  	s11 =	simm.s32 @!p1 $0xB;
	(pc) =	sbr.rel @p0 .LBB2_4-.Ltmp2, $4  }
0xaf: {  	_ =	swait.ge @!p1 [sflag:s11], $0x800  }
0xb0: {  	[sflag:s11] =	ssyncset.done @!p1 $0x0  }
0xb1: {  	s29 =	sor.u32 $0x1000, s24;
	[sflag:s11] =	ssyncadd.s32 @!p1 $0xFFFFF800  }
0xb2: {  	[spmem:s2] =	stream.indirect.scatter.add.f32 [tilespmem:s1], [sflag:$0xA], $0x80, s29, s23, $0xb8;
	[tilespmem:$0x1F800] =	vst v63  }
0xb3: {  	s9 =	sadd.s32 $0x8, s9  }
0xb4: {  	s11 =	sand.u32 $0xF, s9  }
0xb5: {  	s9 =	sand.u32 $0x10, s9;
	p0 =	seq.s32 s11, $0x0  }
0xb6: {  	s14 =	rddreg [dreg:$0xa];
	s12 =	sshll.u32 @p0 s9, $0x9  }
0xb7: {  	s14 =	sadd.s32 @p0 s3, s14;
	s15 =	simm.s32 @p0 $0x0;
	s13 =	sshrl.u32 @p0 s12, $0x2  }
0xb8: {  	[tilespmem:s13], [sflag:$0xB] =	stream.linear.gather @p0 [hbm4b:s14+s15], $0x800, $0x38;
	[tilespmem:$0x1F800] =	vst v63  }
0xb9: {  	s9 =	sshll.u32 @!p0 s9, $0x9;
	s13 =	simm.s32 @p0 $0xB  }
.Ltmp3:
0xba: {  	s9 =	smov.u32 @p0 s12;
	_ =	swait.ge @p0 [sflag:s13], $0x800;
	(pc) =	sbr.rel .LBB2_2-.Ltmp3, $4  }
0xbb: {  	s11 =	sshll.u32 s11, $0x7;
	s9 =	sshrl.u32 s9, $0x2;
	[sflag:s13] =	ssyncset.done @p0 $0x0  }
0xbc: {  	s9 =	sadd.s32 s11, s9;
	[sflag:s13] =	ssyncadd.s32 @p0 $0xFFFFF800  }
0xbd: {  	[tilespmem:s31], [sflag:$0x4] =	stream.indirect.gather [hbm4b:s4+s23], $0x80, s9, s23, $0xb8;
	[tilespmem:$0x1F800] =	vst v63  }
0xbe: {  	s3 =	sadd.s32 $0x50, s3;
	s9 =	smov.u32 s10  }
.LBB2_5:
0xbf: {  	_ =	sfence.sel $0x180000  }
0xc0: {  	[bflag:$0x0] =	sbarrier.arrive $0xFFFF  }
0xc1: {  	_ =	strace $0x9000004A  }
0xc2: {  	s0 =	stileid.u32;
	[bflag:$0x2] =	sbarrier.arrive $0xFFFF  }
0xc3: {  	p0 =	sne.s32 s0, $0x0;
	s0 =	rddreg [dreg:$0x2]  }
0xc4: {  	s0 =	sadd.s32 @!p0 $0x100000, s0  }
0xc5: {  	[sflag:s0] =	ssyncadd.tile.s32 @!p0 $0x1;
	_ =	shalt  }
.Lfunc_end2:
_tile_overlayer_lowered:
.L_overlay_start_2:
0xc6: {  	(tag) =	ssettag $0x2  }
0xc7: {  	s0 =	rddreg [dreg:$0x0];
	s2 =	stileid.u32  }
0xc8: {  	s1 =	rddreg [dreg:$0x1];
	p0 =	sne.s32 s2, $0x0  }
0xc9: {  	s3 =	rddreg [dreg:$0x2];
	[bflag:$0x3] =	sbarrier.arrive $0xFFFF;
	s2 =	simm.s32 @!p0 $0x1C0B  }
0xca: {  	[timem:s3], [sflag:s2] =	dma.local @!p0 [hbm:s0], s1  }
0xcb: {  	s0 =	simm.s32 @!p0 $0xB  }
0xcc: {  	_ =	swait.ge @!p0 [sflag:s0], s1  }
0xcd: {  	s1 =	ssub.s32 @!p0 $0x0, s1;
	[sflag:s0] =	ssyncset.done @!p0 $0x0  }
0xce: {  	[sflag:s0] =	ssyncadd.s32 @!p0 s1  }
0xcf: {  	[bflag:$0x3] =	sbarrier.arrive $0xFFFF  }
0xd0: {  	_ =	shalt  }

// kernel: kernel.14.cloned.1.call-start
scs
__scs_entry_jumppad:
0x0: {  	(pc) =	sbr.rel $0x88, $3  }
0x1: {  	(tag) =	ssettag $0x0;
	lr =	simm.s32 $0x1  }
0x2: {  	[smem:$0x3F96] =	sst lr;
	_ =	strace $0xD0000000  }
0x3: {  	_ = 	snop  }
0x4: {  	_ = 	snop  }
0x5: {  	_ = 	snop  }
0x6: {  	_ = 	snop  }
0x7: {  	_ = 	snop  }
__scs_overlays_trampoline_lowered:
0x8: {  	[smem:$0x3FA5] =	sst s0  }
0x9: {  	[smem:$0x3FA6] =	sst s1  }
0xa: {  	[smem:$0x3FA7] =	sst s2  }
0xb: {  	[smem:$0x3FA8] =	sst s3  }
0xc: {  	[smem:$0x3FA9] =	sst s4  }
0xd: {  	[smem:$0x3FAA] =	sst s5  }
0xe: {  	[smem:$0x3FAB] =	sst s6  }
0xf: {  	[smem:$0x3FAC] =	sst s7  }
0x10: {  	[smem:$0x3FAD] =	sst s8  }
0x11: {  	[smem:$0x3FAE] =	sst s9;
	s0 =	simm.s32 @!p0 $0x0  }
0x12: {  	s1 =	sld [smem:$0x3F94];
	s0 =	simm.s32 @p0 $0x1  }
0x13: {  	[smem:$0x3FAF] =	sst s0;
	s0 =	simm.s32 @!p1 $0x0  }
0x14: {  	s2 =	sld [smem:$0x3F93];
	s0 =	simm.s32 @p1 $0x1  }
0x15: {  	[smem:$0x3FB0] =	sst s0;
	s0 =	simm.s32 @!p2 $0x0  }
0x16: {  	s3 =	sld [smem:$0x3FDB];
	s0 =	simm.s32 @p2 $0x1  }
0x17: {  	s4 =	simm.s32 $0x1BF5;
	[smem:$0x3FB2] =	sst s0  }
0x18: {  	s0 =	sld [smem:$0x3F95];
	_ =	swait.ge [sflag:s4], $0x0  }
0x19: {  	s7 =	sld [smem:$0x3F96]  }
0x1a: {  	s8 =	sadd.s32 $0xFFFFE003, lr  }
0x1b: {  	s9 =	sadd.s32 $0xFFFFFEF7, lr;
	s5 =	simm.s32 $0xFFFFFFFF;
	p2 =	slt.u32 s8, $0xFFFFF086  }
0x1c: {  	p1 =	slt.u32 s9, $0xF7A;
	s5 =	simm.s32 @!p2 $0x0  }
0x1d: {  	s5 =	simm.s32 @p1 $0x1;
	p0 =	seq.s32 s7, s2  }
0x1e: {  	s7 =	smul.u32 @!p0 $0xF7A, s2;
	p2 =	seq.s32 @!p0 s5, $0x0  }
0x1f: {  	s9 =	smul.u32 $0xF7A, s1;
	s8 =	simm.s32 @!p0 $0x1BF5;
	p2 =	por !p2, p0  }
0x20: {  	[sflag:s8] =	ssyncset.s32 @!p0 $0xFFFFF086;
	s6 =	sadd.s32 @!p0 s3, s7;
	s7 =	simm.s32 @!p0 $0x108  }
0x21: {  	s3 =	sadd.s32 s3, s9;
	s6 =	sadd.s32 @!p0 $0x88, s6;
	s7 =	simm.s32 @p2 $0x1082  }
0x22: {  	[simem:s7], [sflag:s8] =	dma.local @!p0 [hbm:s6], $0xF7A  }
0x23: {  	s9 =	sor.u32 $0xD0000000, s2;
	s6 =	simm.s32 $0x108;
	_ =	swait.ge @!p0 [sflag:s8], $0x0  }
0x24: {  	s3 =	sadd.s32 $0x88, s3;
	s6 =	simm.s32 @!p1 $0x1082;
	[sflag:s4] =	ssyncset.s32 $0xFFFFF086  }
0x25: {  	[simem:s6], [sflag:s4] =	dma.local [hbm:s3], $0xF7A  }
0x26: {  	[smem:$0x3F96] =	sst s1;
	(tag) =	ssettag s2;
	_ =	strace s9  }
0x27: {  	s1 =	sld [smem:$0x3FA6]  }
0x28: {  	s2 =	sld [smem:$0x3FA7]  }
0x29: {  	s4 =	sld [smem:$0x3FA9]  }
0x2a: {  	p0 =	seq.s32 s5, $0x0;
	s5 =	sld [smem:$0x3FAA]  }
0x2b: {  	s6 =	sld [smem:$0x3FAB]  }
0x2c: {  	s7 =	sld [smem:$0x3FAC]  }
0x2d: {  	s3 =	simm.s32 $0x108;
	s8 =	sld [smem:$0x3FAD]  }
0x2e: {  	s3 =	simm.s32 @!p0 $0x1082;
	s9 =	sld [smem:$0x3FAE]  }
0x2f: {  	lr =	sadd.s32 s0, s3;
	s0 =	sld [smem:$0x3FA5]  }
0x30: {  	s3 =	sld [smem:$0x3FA8]  }
0x31: {  	[smem:$0x3FB1] =	sst s10  }
0x32: {  	s10 =	sld [smem:$0x3FAF];
	_ =	sdelay $0x3  }
0x33: {  	p0 =	seq.s32 s10, $0x1;
	s10 =	sld [smem:$0x3FB1];
	_ =	sdelay $0x3  }
0x34: {  	[smem:$0x3FB1] =	sst s10  }
0x35: {  	s10 =	sld [smem:$0x3FB0];
	_ =	sdelay $0x3  }
0x36: {  	p1 =	seq.s32 s10, $0x1;
	s10 =	sld [smem:$0x3FB1];
	_ =	sdelay $0x3  }
0x37: {  	[smem:$0x3FB1] =	sst s10  }
0x38: {  	s10 =	sld [smem:$0x3FB2]  }
0x39: {  	_ = 	snop;
	(pc) =	sbr.ind lr, $3  }
0x3a: {  	_ = 	snop  }
0x3b: {  	_ = 	snop  }
0x3c: {  	p2 =	seq.s32 s10, $0x1;
	s10 =	sld [smem:$0x3FB1]  }
0x3d: {  	_ =	shalt  }
0x3e: {  	_ =	shalt  }
0x3f: {  	_ =	shalt  }
0x40: {  	_ =	shalt  }
0x41: {  	_ =	shalt  }
0x42: {  	_ =	shalt  }
0x43: {  	_ =	shalt  }
0x44: {  	_ =	shalt  }
0x45: {  	_ =	shalt  }
0x46: {  	_ =	shalt  }
0x47: {  	_ =	shalt  }
0x48: {  	_ =	shalt  }
0x49: {  	_ =	shalt  }
0x4a: {  	_ =	shalt  }
0x4b: {  	_ =	shalt  }
0x4c: {  	_ =	shalt  }
0x4d: {  	_ =	shalt  }
0x4e: {  	_ =	shalt  }
0x4f: {  	_ =	shalt  }
0x50: {  	_ =	shalt  }
0x51: {  	_ =	shalt  }
0x52: {  	_ =	shalt  }
0x53: {  	_ =	shalt  }
0x54: {  	_ =	shalt  }
0x55: {  	_ =	shalt  }
0x56: {  	_ =	shalt  }
0x57: {  	_ =	shalt  }
0x58: {  	_ =	shalt  }
0x59: {  	_ =	shalt  }
0x5a: {  	_ =	shalt  }
0x5b: {  	_ =	shalt  }
0x5c: {  	_ =	shalt  }
0x5d: {  	_ =	shalt  }
0x5e: {  	_ =	shalt  }
0x5f: {  	_ =	shalt  }
0x60: {  	_ =	shalt  }
0x61: {  	_ =	shalt  }
0x62: {  	_ =	shalt  }
0x63: {  	_ =	shalt  }
0x64: {  	_ =	shalt  }
0x65: {  	_ =	shalt  }
0x66: {  	_ =	shalt  }
0x67: {  	_ =	shalt  }
0x68: {  	_ =	shalt  }
0x69: {  	_ =	shalt  }
0x6a: {  	_ =	shalt  }
0x6b: {  	_ =	shalt  }
0x6c: {  	_ =	shalt  }
0x6d: {  	_ =	shalt  }
0x6e: {  	_ =	shalt  }
0x6f: {  	_ =	shalt  }
0x70: {  	_ =	shalt  }
0x71: {  	_ =	shalt  }
0x72: {  	_ =	shalt  }
0x73: {  	_ =	shalt  }
0x74: {  	_ =	shalt  }
0x75: {  	_ =	shalt  }
0x76: {  	_ =	shalt  }
0x77: {  	_ =	shalt  }
0x78: {  	_ =	shalt  }
0x79: {  	_ =	shalt  }
0x7a: {  	_ =	shalt  }
0x7b: {  	_ =	shalt  }
0x7c: {  	_ =	shalt  }
0x7d: {  	_ =	shalt  }
0x7e: {  	_ =	shalt  }
0x7f: {  	_ =	shalt  }
0x80: {  	_ =	shalt  }
0x81: {  	_ =	shalt  }
0x82: {  	_ =	shalt  }
0x83: {  	_ =	shalt  }
0x84: {  	_ =	shalt  }
0x85: {  	_ =	shalt  }
0x86: {  	_ =	shalt  }
0x87: {  	_ =	shalt  }
.Lfunc_end0:
.L_simem_size_0:
called_computation.2_lowered:
.L_overlay_start_0:
0x88: {  	s2 =	sld [smem:$0x3FD9]  }
0x89: {  	s3 =	sld [smem:$0x3FFE];
	_ =	sdelay $0x1  }
0x8a: {  	s1 =	srdreg.scid  }
0x8b: {  	s0 =	sand.u32 $0x1, s1  }
0x8c: {  	s16 =	sshll.u32 s0, $0xA;
	s2 =	sadd.s32 s3, s2  }
0x8d: {  	s2 =	sadd.s32 s2, s16  }
0x8e: {  	[smem:$0x3FBD] =	sst s2  }
0x8f: {  	_ = 	snop  }
0x90: {  	(tm) =	ssettm $0x1  }
0x91: {  	s17 =	sld [smem:$0x3FFB];
	_ =	sdelay $0x3  }
0x92: {  	_ =	strace s17  }
0x93: {  	s2 =	sld [smem:$0x3FFC];
	_ =	sdelay $0x3  }
0x94: {  	_ =	strace s2  }
0x95: {  	s2 =	sld [smem:$0x3FFD];
	_ =	sdelay $0x3  }
0x96: {  	_ =	strace s2  }
0x97: {  	_ =	strace $0x8FFFFFFF  }
0x98: {  	s18 =	sld [smem:$0x3FDB];
	_ =	sdelay $0x1  }
0x99: {  	s19 =	simm.s32 $_scs_section_size  }
0x9a: {  	s4 =	simm.s32 $_size__tile_overlayer_lowered;
	s5 =	simm.s32 $_tile_overlayer_lowered  }
0x9b: {  	s22 =	simm.s32 $0x1BFF;
	s21 =	sshll.u32 s5, $0x1;
	s2 =	sadd.s32 s19, s18  }
0x9c: {  	s6 =	simm.s32 $0x0;
	s20 =	sshll.u32 s4, $0x1;
	s4 =	sadd.s32 s21, s2  }
0x9d: {  	[timem:s6], [sflag:s22] =	dma.local [hbm:s4], s20  }
0x9e: {  	_ =	swait.ge [sflag:s22], s20  }
0x9f: {  	s3 =	ssub.s32 $0x0, s20;
	[sflag:s22] =	ssyncset.done $0x0  }
0xa0: {  	[sflag:s22] =	ssyncadd.s32 s3;
	_ =	sdelay $0x1  }
0xa1: {  	s23 =	simm.s32 $0x1B8B  }
0xa2: {  	_ =	swait.ge [sflag:s23], $0x1  }
0xa3: {  	[sflag:s23] =	ssyncset.done $0x0  }
0xa4: {  	s25 =	simm.s32 $0x1B8E;
	s24 =	sld [smem:$0x3FFE];
	[sflag:s23] =	ssyncadd.s32 $0xFFFFFFFF  }
0xa5: {  	s26 =	simm.s32 $execute0_lowered;
	[smem:$0x3FD2] =	sst s25  }
0xa6: {  	s4 =	sshll.u32 s26, $0x1;
	_ =	strace $0x8000004C;
	[dreg:$0x1] =	wrdreg $0xFFFFFFFF  }
0xa7: {  	s28 =	simm.s32 $_size_execute0_lowered;
	s2 =	sadd.s32 s2, s4;
	[dreg:$0x0] =	wrdreg $0x0  }
0xa8: {  	s4 =	sshll.u32 s28, $0x1;
	[dreg:$0x2] =	wrdreg s2  }
0xa9: {  	[dreg:$0x3] =	wrdreg s4  }
0xaa: {  	[dreg:$0x4] =	wrdreg $0xC0  }
0xab: {  	_ =	task [dreg:s6], $0x5FFFF  }
0xac: {  	[dreg:$0x1] =	wrdreg $0xFFFFFFFF  }
0xad: {  	[dreg:$0x0] =	wrdreg $0x60  }
0xae: {  	[dreg:$0x2] =	wrdreg s24  }
0xaf: {  	[dreg:$0x3] =	wrdreg $0x9  }
0xb0: {  	_ =	task.clear_ibuf [dreg:s6], $0x4FFFF;
	_ =	strace $0x9000004C  }
0xb1: {  	s29 =	simm.s32 $0x9;
	_ =	strace $0x8000004E  }
0xb2: {  	_ =	swait.ge [sflag:s29], $0x1  }
0xb3: {  	[sflag:s29] =	ssyncadd.s32 $0xFFFFFFFF  }
0xb4: {  	_ =	strace $0x9000004E  }
0xb5: {  	_ =	sfence  }
0xb6: {  	s30 =	sld [smem:$0x0];
	_ =	sdelay $0x2  }
0xb7: {  	s31 =	sshll.u32 s1, $0xD;
	s1 =	sshrl.u32 s1, $0x2  }
0xb8: {  	s3 =	sand.u32 $0x4000, s31;
	s1 =	sadd.s32 s1, s30  }
0xb9: {  	s0 =	sor.u32 s3, s0;
	s1 =	sshll.u32 s1, $0x11  }
0xba: {  	s0 =	sor.u32 s1, s0  }
0xbb: {  	s0 =	sadd.s32 $0x8F2B, s0  }
0xbc: {  	[sflag:s0] =	ssyncadd.remote.s32 $0x1  }
0xbd: {  	_ =	sfence.sel $0xFFFF  }
0xbe: {  	[dreg:$0x0] =	wrdreg $0xFFFFFFFF;
	(pc) =	sbr.abs _section_cstart, $3  }
0xbf: {  	[dreg:$0x1] =	wrdreg $0xFFFFFFFF  }
0xc0: {  	_ =	task.clear_ibuf [dreg:s6], $0x2FFFF;
	_ =	strace $0x9FFFFFFF  }
0xc1: {  	(tm) =	ssettm $0x7FFFFFFF  }
tec
execute0_lowered:
.L_overlay_start_1:
0x0: {  	(tag) =	ssettag $0x1  }
0x1: {  	s0 =	srdreg.scid  }
0x2: {  	s12 =	sand.u32 $0x1, s0  }
0x3: {  	s0 =	stileid.u32;
	s1 =	sshll.u32 s12, $0x4  }
0x4: {  	s13 =	rddreg [dreg:$0x0];
	s2 =	simm.s32 $0x0;
	s14 =	sor.u32 s0, s1  }
0x5: {  	[smem:$0x7FF] =	sst s2;
	s3 =	sshll.u32 s14, $0x6  }
0x6: {  	s1 =	rddreg [dreg:$0x1];
	s3 =	sadd.s32 s3, s13  }
0x7: {  	_ =	strace $0x8000004D;
	s4 =	sadd.s32 $0x16E00, s3;
	s3 =	simm.s32 $0x2  }
0x8: {  	[tilespmem:s2], [sflag:$0x2] =	stream.linear.gather [hbm4b:s4+s2], $0x180, $0x38;
	[tilespmem:$0xC200] =	vst v63  }
0x9: {  	_ =	swait.ge [sflag:s3], $0x180  }
0xa: {  	s6 =	simm.s32 $0x80;
	[sflag:s3] =	ssyncset.done $0x0  }
0xb: {  	s7 =	simm.s32 $0x200;
	s5 =	sadd.s32 $0x17600, s13;
	[sflag:s3] =	ssyncadd.s32 $0xFFFFFE80  }
0xc: {  	[tilespmem:s7], [sflag:$0x1] =	stream.indirect.gather [hbm4b:s5+s6], $0x80, s2, s6, $0xb8;
	[tilespmem:$0xC200] =	vst v63  }
0xd: {  	s8 =	simm.s32 $0x4200  }
0xe: {  	[tilespmem:s8], [sflag:$0x1] =	stream.indirect.gather [hbm4b:s5+s6], $0x80, s6, s6, $0xb8;
	[tilespmem:$0xC200] =	vst v63  }
0xf: {  	s9 =	simm.s32 $0x100;
	s10 =	simm.s32 $0x8200;
	s11 =	simm.s32 $0x1  }
0x10: {  	[tilespmem:s10], [sflag:$0x1] =	stream.indirect.gather [hbm4b:s5+s6], $0x80, s9, s6, $0xb8;
	[tilespmem:$0xC200] =	vst v63  }
0x11: {  	_ =	swait.ge [sflag:s11], $0x4000  }
0x12: {  	[sflag:s11] =	ssyncset.done $0x0  }
0x13: {  	s12 =	ssub.s32 $0x2, s12;
	[sflag:s11] =	ssyncadd.s32 $0xFFFFC000  }
0x14: {  	s15 =	sshrl.u32 s12, $0x1;
	_ =	swait.ge [sflag:s11], $0x4000  }
0x15: {  	s30 =	ssub.s32 s12, s15;
	[sflag:s11] =	ssyncset.done $0x0  }
0x16: {  	s14 =	smul.u32 $0x1800, s14;
	s31 =	smax.u32 s30, $0x1;
	[sflag:s11] =	ssyncadd.s32 $0xFFFFC000  }
0x17: {  	p0 =	sne.s32 s31, $0x1;
	_ =	swait.ge [sflag:s11], $0x4000  }
.Ltmp0:
0x18: {  	s13 =	sadd.s32 s14, s13;
	[sflag:s11] =	ssyncset.done $0x0;
	(pc) =	sbr.rel @!p0 .LBB2_2-.Ltmp0, $4  }
0x19: {  	s12 =	sadd.s32 $0x3F600, s13;
	[sflag:s11] =	ssyncadd.s32 $0xFFFFC000  }
0x1a: {  	[hbm4b:s12+s2] =	stream.linear.scatter [tilespmem:s7], [sflag:$0x2], $0xC000, $0x38;
	[tilespmem:$0xC200] =	vst v63  }
0x1b: {  	_ =	swait.ge [sflag:s3], $0xC000  }
0x1c: {  	s13 =	sadd.s32 $0xFFFFFFFF, s31;
	[sflag:s3] =	ssyncset.done $0x0  }
.LBB2_1:
0x1d: {  	p0 =	sne.s32 s13, $0x1;
	s13 =	sadd.s32 $0xFFFFFFFF, s13;
	[sflag:s3] =	ssyncadd.s32 $0xFFFF4000  }
0x1e: {  	[tilespmem:s2], [sflag:$0x2] =	stream.linear.gather [hbm4b:s4+s2], $0x180, $0x38;
	[tilespmem:$0xC200] =	vst v63  }
0x1f: {  	_ =	swait.ge [sflag:s3], $0x180  }
0x20: {  	[sflag:s3] =	ssyncset.done $0x0  }
0x21: {  	[sflag:s3] =	ssyncadd.s32 $0xFFFFFE80  }
0x22: {  	[tilespmem:s7], [sflag:$0x1] =	stream.indirect.gather [hbm4b:s5+s6], $0x80, s2, s6, $0xb8;
	[tilespmem:$0xC200] =	vst v63  }
0x23: {  	_ = 	snop  }
0x24: {  	[tilespmem:s8], [sflag:$0x1] =	stream.indirect.gather [hbm4b:s5+s6], $0x80, s6, s6, $0xb8;
	[tilespmem:$0xC200] =	vst v63  }
0x25: {  	_ = 	snop  }
0x26: {  	[tilespmem:s10], [sflag:$0x1] =	stream.indirect.gather [hbm4b:s5+s6], $0x80, s9, s6, $0xb8;
	[tilespmem:$0xC200] =	vst v63  }
0x27: {  	_ =	swait.ge [sflag:s11], $0x4000  }
0x28: {  	[sflag:s11] =	ssyncset.done $0x0  }
0x29: {  	[sflag:s11] =	ssyncadd.s32 $0xFFFFC000  }
0x2a: {  	_ =	swait.ge [sflag:s11], $0x4000  }
0x2b: {  	[sflag:s11] =	ssyncset.done $0x0  }
0x2c: {  	[sflag:s11] =	ssyncadd.s32 $0xFFFFC000  }
0x2d: {  	_ =	swait.ge [sflag:s11], $0x4000  }
.Ltmp1:
0x2e: {  	[sflag:s11] =	ssyncset.done $0x0;
	(pc) =	sbr.rel @p0 .LBB2_1-.Ltmp1, $4  }
0x2f: {  	[sflag:s11] =	ssyncadd.s32 $0xFFFFC000  }
0x30: {  	[hbm4b:s12+s2] =	stream.linear.scatter [tilespmem:s7], [sflag:$0x2], $0xC000, $0x38;
	[tilespmem:$0xC200] =	vst v63  }
0x31: {  	_ =	swait.ge [sflag:s3], $0xC000  }
0x32: {  	[sflag:s3] =	ssyncset.done $0x0  }
.LBB2_2:
0x33: {  	[sflag:s3] =	ssyncadd.s32 $0xFFFF4000  }
0x34: {  	_ =	sfence.sel $0x180000  }
0x35: {  	[bflag:$0x0] =	sbarrier.arrive $0xFFFF  }
0x36: {  	p0 =	sne.s32 s0, $0x0;
	_ =	strace $0x9000004D  }
0x37: {  	s0 =	sadd.s32 @!p0 $0x100000, s1;
	[bflag:$0x2] =	sbarrier.arrive $0xFFFF  }
0x38: {  	[sflag:s0] =	ssyncadd.tile.s32 @!p0 $0x1;
	_ =	shalt  }
.Lfunc_end2:
_tile_overlayer_lowered:
.L_overlay_start_2:
0x39: {  	(tag) =	ssettag $0x2  }
0x3a: {  	s0 =	rddreg [dreg:$0x0];
	s2 =	stileid.u32  }
0x3b: {  	s1 =	rddreg [dreg:$0x1];
	p0 =	sne.s32 s2, $0x0  }
0x3c: {  	s3 =	rddreg [dreg:$0x2];
	[bflag:$0x3] =	sbarrier.arrive $0xFFFF;
	s2 =	simm.s32 @!p0 $0x1C02  }
0x3d: {  	[timem:s3], [sflag:s2] =	dma.local @!p0 [hbm:s0], s1  }
0x3e: {  	s0 =	simm.s32 @!p0 $0x2  }
0x3f: {  	_ =	swait.ge @!p0 [sflag:s0], s1  }
0x40: {  	s1 =	ssub.s32 @!p0 $0x0, s1;
	[sflag:s0] =	ssyncset.done @!p0 $0x0  }
0x41: {  	[sflag:s0] =	ssyncadd.s32 @!p0 s1  }
0x42: {  	[bflag:$0x3] =	sbarrier.arrive $0xFFFF  }
0x43: {  	_ =	shalt  }

// kernel: kernel.8.cloned.1.call-start
scs
__scs_entry_jumppad:
0x0: {  	(pc) =	sbr.rel $0x88, $3  }
0x1: {  	(tag) =	ssettag $0x0;
	lr =	simm.s32 $0x1  }
0x2: {  	[smem:$0x3F96] =	sst lr;
	_ =	strace $0xD0000000  }
0x3: {  	_ = 	snop  }
0x4: {  	_ = 	snop  }
0x5: {  	_ = 	snop  }
0x6: {  	_ = 	snop  }
0x7: {  	_ = 	snop  }
__scs_overlays_trampoline_lowered:
0x8: {  	[smem:$0x3FA5] =	sst s0  }
0x9: {  	[smem:$0x3FA6] =	sst s1  }
0xa: {  	[smem:$0x3FA7] =	sst s2  }
0xb: {  	[smem:$0x3FA8] =	sst s3  }
0xc: {  	[smem:$0x3FA9] =	sst s4  }
0xd: {  	[smem:$0x3FAA] =	sst s5  }
0xe: {  	[smem:$0x3FAB] =	sst s6  }
0xf: {  	[smem:$0x3FAC] =	sst s7  }
0x10: {  	[smem:$0x3FAD] =	sst s8  }
0x11: {  	[smem:$0x3FAE] =	sst s9;
	s0 =	simm.s32 @!p0 $0x0  }
0x12: {  	s1 =	sld [smem:$0x3F94];
	s0 =	simm.s32 @p0 $0x1  }
0x13: {  	[smem:$0x3FAF] =	sst s0;
	s0 =	simm.s32 @!p1 $0x0  }
0x14: {  	s2 =	sld [smem:$0x3F93];
	s0 =	simm.s32 @p1 $0x1  }
0x15: {  	[smem:$0x3FB0] =	sst s0;
	s0 =	simm.s32 @!p2 $0x0  }
0x16: {  	s3 =	sld [smem:$0x3FDB];
	s0 =	simm.s32 @p2 $0x1  }
0x17: {  	s4 =	simm.s32 $0x1BF5;
	[smem:$0x3FB2] =	sst s0  }
0x18: {  	s0 =	sld [smem:$0x3F95];
	_ =	swait.ge [sflag:s4], $0x0  }
0x19: {  	s7 =	sld [smem:$0x3F96]  }
0x1a: {  	s8 =	sadd.s32 $0xFFFFE003, lr  }
0x1b: {  	s9 =	sadd.s32 $0xFFFFFEF7, lr;
	s5 =	simm.s32 $0xFFFFFFFF;
	p2 =	slt.u32 s8, $0xFFFFF086  }
0x1c: {  	p1 =	slt.u32 s9, $0xF7A;
	s5 =	simm.s32 @!p2 $0x0  }
0x1d: {  	s5 =	simm.s32 @p1 $0x1;
	p0 =	seq.s32 s7, s2  }
0x1e: {  	s7 =	smul.u32 @!p0 $0xF7A, s2;
	p2 =	seq.s32 @!p0 s5, $0x0  }
0x1f: {  	s9 =	smul.u32 $0xF7A, s1;
	s8 =	simm.s32 @!p0 $0x1BF5;
	p2 =	por !p2, p0  }
0x20: {  	[sflag:s8] =	ssyncset.s32 @!p0 $0xFFFFF086;
	s6 =	sadd.s32 @!p0 s3, s7;
	s7 =	simm.s32 @!p0 $0x108  }
0x21: {  	s3 =	sadd.s32 s3, s9;
	s6 =	sadd.s32 @!p0 $0x88, s6;
	s7 =	simm.s32 @p2 $0x1082  }
0x22: {  	[simem:s7], [sflag:s8] =	dma.local @!p0 [hbm:s6], $0xF7A  }
0x23: {  	s9 =	sor.u32 $0xD0000000, s2;
	s6 =	simm.s32 $0x108;
	_ =	swait.ge @!p0 [sflag:s8], $0x0  }
0x24: {  	s3 =	sadd.s32 $0x88, s3;
	s6 =	simm.s32 @!p1 $0x1082;
	[sflag:s4] =	ssyncset.s32 $0xFFFFF086  }
0x25: {  	[simem:s6], [sflag:s4] =	dma.local [hbm:s3], $0xF7A  }
0x26: {  	[smem:$0x3F96] =	sst s1;
	(tag) =	ssettag s2;
	_ =	strace s9  }
0x27: {  	s1 =	sld [smem:$0x3FA6]  }
0x28: {  	s2 =	sld [smem:$0x3FA7]  }
0x29: {  	s4 =	sld [smem:$0x3FA9]  }
0x2a: {  	p0 =	seq.s32 s5, $0x0;
	s5 =	sld [smem:$0x3FAA]  }
0x2b: {  	s6 =	sld [smem:$0x3FAB]  }
0x2c: {  	s7 =	sld [smem:$0x3FAC]  }
0x2d: {  	s3 =	simm.s32 $0x108;
	s8 =	sld [smem:$0x3FAD]  }
0x2e: {  	s3 =	simm.s32 @!p0 $0x1082;
	s9 =	sld [smem:$0x3FAE]  }
0x2f: {  	lr =	sadd.s32 s0, s3;
	s0 =	sld [smem:$0x3FA5]  }
0x30: {  	s3 =	sld [smem:$0x3FA8]  }
0x31: {  	[smem:$0x3FB1] =	sst s10  }
0x32: {  	s10 =	sld [smem:$0x3FAF];
	_ =	sdelay $0x3  }
0x33: {  	p0 =	seq.s32 s10, $0x1;
	s10 =	sld [smem:$0x3FB1];
	_ =	sdelay $0x3  }
0x34: {  	[smem:$0x3FB1] =	sst s10  }
0x35: {  	s10 =	sld [smem:$0x3FB0];
	_ =	sdelay $0x3  }
0x36: {  	p1 =	seq.s32 s10, $0x1;
	s10 =	sld [smem:$0x3FB1];
	_ =	sdelay $0x3  }
0x37: {  	[smem:$0x3FB1] =	sst s10  }
0x38: {  	s10 =	sld [smem:$0x3FB2]  }
0x39: {  	_ = 	snop;
	(pc) =	sbr.ind lr, $3  }
0x3a: {  	_ = 	snop  }
0x3b: {  	_ = 	snop  }
0x3c: {  	p2 =	seq.s32 s10, $0x1;
	s10 =	sld [smem:$0x3FB1]  }
0x3d: {  	_ =	shalt  }
0x3e: {  	_ =	shalt  }
0x3f: {  	_ =	shalt  }
0x40: {  	_ =	shalt  }
0x41: {  	_ =	shalt  }
0x42: {  	_ =	shalt  }
0x43: {  	_ =	shalt  }
0x44: {  	_ =	shalt  }
0x45: {  	_ =	shalt  }
0x46: {  	_ =	shalt  }
0x47: {  	_ =	shalt  }
0x48: {  	_ =	shalt  }
0x49: {  	_ =	shalt  }
0x4a: {  	_ =	shalt  }
0x4b: {  	_ =	shalt  }
0x4c: {  	_ =	shalt  }
0x4d: {  	_ =	shalt  }
0x4e: {  	_ =	shalt  }
0x4f: {  	_ =	shalt  }
0x50: {  	_ =	shalt  }
0x51: {  	_ =	shalt  }
0x52: {  	_ =	shalt  }
0x53: {  	_ =	shalt  }
0x54: {  	_ =	shalt  }
0x55: {  	_ =	shalt  }
0x56: {  	_ =	shalt  }
0x57: {  	_ =	shalt  }
0x58: {  	_ =	shalt  }
0x59: {  	_ =	shalt  }
0x5a: {  	_ =	shalt  }
0x5b: {  	_ =	shalt  }
0x5c: {  	_ =	shalt  }
0x5d: {  	_ =	shalt  }
0x5e: {  	_ =	shalt  }
0x5f: {  	_ =	shalt  }
0x60: {  	_ =	shalt  }
0x61: {  	_ =	shalt  }
0x62: {  	_ =	shalt  }
0x63: {  	_ =	shalt  }
0x64: {  	_ =	shalt  }
0x65: {  	_ =	shalt  }
0x66: {  	_ =	shalt  }
0x67: {  	_ =	shalt  }
0x68: {  	_ =	shalt  }
0x69: {  	_ =	shalt  }
0x6a: {  	_ =	shalt  }
0x6b: {  	_ =	shalt  }
0x6c: {  	_ =	shalt  }
0x6d: {  	_ =	shalt  }
0x6e: {  	_ =	shalt  }
0x6f: {  	_ =	shalt  }
0x70: {  	_ =	shalt  }
0x71: {  	_ =	shalt  }
0x72: {  	_ =	shalt  }
0x73: {  	_ =	shalt  }
0x74: {  	_ =	shalt  }
0x75: {  	_ =	shalt  }
0x76: {  	_ =	shalt  }
0x77: {  	_ =	shalt  }
0x78: {  	_ =	shalt  }
0x79: {  	_ =	shalt  }
0x7a: {  	_ =	shalt  }
0x7b: {  	_ =	shalt  }
0x7c: {  	_ =	shalt  }
0x7d: {  	_ =	shalt  }
0x7e: {  	_ =	shalt  }
0x7f: {  	_ =	shalt  }
0x80: {  	_ =	shalt  }
0x81: {  	_ =	shalt  }
0x82: {  	_ =	shalt  }
0x83: {  	_ =	shalt  }
0x84: {  	_ =	shalt  }
0x85: {  	_ =	shalt  }
0x86: {  	_ =	shalt  }
0x87: {  	_ =	shalt  }
.Lfunc_end0:
.L_simem_size_0:
called_computation_lowered:
.L_overlay_start_0:
0x88: {  	s2 =	sld [smem:$0x3FD9]  }
0x89: {  	s3 =	sld [smem:$0x3FFE];
	_ =	sdelay $0x1  }
0x8a: {  	s1 =	srdreg.scid  }
0x8b: {  	s0 =	sand.u32 $0x1, s1  }
0x8c: {  	s16 =	sshll.u32 s0, $0xA;
	s2 =	sadd.s32 s3, s2  }
0x8d: {  	s2 =	sadd.s32 s2, s16  }
0x8e: {  	[smem:$0x3FBD] =	sst s2  }
0x8f: {  	_ = 	snop  }
0x90: {  	(tm) =	ssettm $0x1  }
0x91: {  	s17 =	sld [smem:$0x3FFB];
	_ =	sdelay $0x3  }
0x92: {  	_ =	strace s17  }
0x93: {  	s2 =	sld [smem:$0x3FFC];
	_ =	sdelay $0x3  }
0x94: {  	_ =	strace s2  }
0x95: {  	s2 =	sld [smem:$0x3FFD];
	_ =	sdelay $0x3  }
0x96: {  	_ =	strace s2  }
0x97: {  	_ =	strace $0x8FFFFFFF  }
0x98: {  	s18 =	sld [smem:$0x3FDB];
	_ =	sdelay $0x1  }
0x99: {  	s19 =	simm.s32 $_scs_section_size  }
0x9a: {  	s4 =	simm.s32 $_size__tile_overlayer_lowered;
	s5 =	simm.s32 $_tile_overlayer_lowered  }
0x9b: {  	s22 =	simm.s32 $0x1BFF;
	s21 =	sshll.u32 s5, $0x1;
	s2 =	sadd.s32 s19, s18  }
0x9c: {  	s6 =	simm.s32 $0x0;
	s20 =	sshll.u32 s4, $0x1;
	s4 =	sadd.s32 s21, s2  }
0x9d: {  	[timem:s6], [sflag:s22] =	dma.local [hbm:s4], s20  }
0x9e: {  	_ =	swait.ge [sflag:s22], s20  }
0x9f: {  	s3 =	ssub.s32 $0x0, s20;
	[sflag:s22] =	ssyncset.done $0x0  }
0xa0: {  	[sflag:s22] =	ssyncadd.s32 s3;
	_ =	sdelay $0x1  }
0xa1: {  	s23 =	simm.s32 $0x1B8B  }
0xa2: {  	_ =	swait.ge [sflag:s23], $0x1  }
0xa3: {  	[sflag:s23] =	ssyncset.done $0x0  }
0xa4: {  	s25 =	simm.s32 $0x1B8E;
	s24 =	sld [smem:$0x3FFE];
	[sflag:s23] =	ssyncadd.s32 $0xFFFFFFFF  }
0xa5: {  	s26 =	simm.s32 $execute0_lowered;
	[smem:$0x3FD2] =	sst s25  }
0xa6: {  	s4 =	sshll.u32 s26, $0x1;
	_ =	strace $0x80000046;
	[dreg:$0x1] =	wrdreg $0xFFFFFFFF  }
0xa7: {  	s28 =	simm.s32 $_size_execute0_lowered;
	s2 =	sadd.s32 s2, s4;
	[dreg:$0x0] =	wrdreg $0x0  }
0xa8: {  	s4 =	sshll.u32 s28, $0x1;
	[dreg:$0x2] =	wrdreg s2  }
0xa9: {  	[dreg:$0x3] =	wrdreg s4  }
0xaa: {  	[dreg:$0x4] =	wrdreg $0xC0  }
0xab: {  	_ =	task [dreg:s6], $0x5FFFF  }
0xac: {  	[dreg:$0x1] =	wrdreg $0xFFFFFFFF  }
0xad: {  	[dreg:$0x0] =	wrdreg $0x60  }
0xae: {  	[dreg:$0x2] =	wrdreg s24  }
0xaf: {  	[dreg:$0x3] =	wrdreg $0x53000  }
0xb0: {  	[dreg:$0x4] =	wrdreg $0x9  }
0xb1: {  	_ =	task.clear_ibuf [dreg:s6], $0x5FFFF;
	_ =	strace $0x90000046  }
0xb2: {  	s29 =	simm.s32 $0x9;
	_ =	strace $0x80000048  }
0xb3: {  	_ =	swait.ge [sflag:s29], $0x1  }
0xb4: {  	[sflag:s29] =	ssyncadd.s32 $0xFFFFFFFF  }
0xb5: {  	_ =	strace $0x90000048  }
0xb6: {  	_ =	sfence  }
0xb7: {  	s30 =	sld [smem:$0x0];
	_ =	sdelay $0x2  }
0xb8: {  	s31 =	sshll.u32 s1, $0xD;
	s1 =	sshrl.u32 s1, $0x2  }
0xb9: {  	s3 =	sand.u32 $0x4000, s31;
	s1 =	sadd.s32 s1, s30  }
0xba: {  	s0 =	sor.u32 s3, s0;
	s1 =	sshll.u32 s1, $0x11  }
0xbb: {  	s0 =	sor.u32 s1, s0  }
0xbc: {  	s0 =	sadd.s32 $0x8F2B, s0  }
0xbd: {  	[sflag:s0] =	ssyncadd.remote.s32 $0x1  }
0xbe: {  	_ =	sfence.sel $0xFFFF  }
0xbf: {  	[dreg:$0x0] =	wrdreg $0xFFFFFFFF;
	(pc) =	sbr.abs _section_cstart, $3  }
0xc0: {  	[dreg:$0x1] =	wrdreg $0xFFFFFFFF  }
0xc1: {  	_ =	task.clear_ibuf [dreg:s6], $0x2FFFF;
	_ =	strace $0x9FFFFFFF  }
0xc2: {  	(tm) =	ssettm $0x7FFFFFFF  }
0xc3: {  	_ =	shalt  }
tec
execute0_lowered:
.L_overlay_start_1:
0x0: {  	(tag) =	ssettag $0x1  }
0x1: {  	s5 =	rddreg [dreg:$0x0]  }
0x2: {  	s1 =	rddreg [dreg:$0x1]  }
0x3: {  	s2 =	srdreg.scid;
	s0 =	rddreg [dreg:$0x2];
	s3 =	simm.s32 $0x0  }
0x4: {  	s10 =	simm.s32 $0x17400;
	s11 =	simm.s32 $0x5000;
	s12 =	simm.s32 $0x1  }
0x5: {  	s15 =	simm.s32 $0x0;
	s4 =	sand.u32 $0x1, s2;
	s2 =	stileid.u32  }
0x6: {  	[smem:$0x7FF] =	sst s3;
	s6 =	sshll.u32 s4, $0x4;
	s7 =	ssub.s32 $0x2, s4  }
0x7: {  	_ =	strace $0x80000047;
	s9 =	smul.u32 $0x280, s2;
	p0 =	seq.s32 s4, $0x1  }
0x8: {  	s13 =	sshll.u32 s2, $0x6;
	s6 =	sor.u32 s2, s6;
	s8 =	sshrl.u32 s7, $0x1  }
0x9: {  	s10 =	simm.s32 @!p0 $0x16E00;
	s13 =	sor.u32 $0x1C02, s13;
	s6 =	smul.u32 $0xA00, s6  }
0xa: {  	s29 =	ssub.s32 s7, s8;
	s30 =	sshrl.u32 s9, $0x3;
	s31 =	sadd.s32 s10, s5  }
0xb: {  	s8 =	simm.s32 $0x2;
	s10 =	simm.s32 $0x40;
	s7 =	sadd.s32 s31, s30  }
0xc: {  	s28 =	sadd.s32 s6, s5;
	s5 =	sadd.s32 s9, s1;
	s6 =	smax.u32 s29, $0x1  }
0xd: {  	v0 =	vimm.f32 $1.000000000e+00;
	v1 =	vimm.f32 $0.0e+00;
	s9 =	simm.s32 $0x5080;
	s4 =	sadd.s32 $0x2E00, s28;
	s14 =	sshrl.u32 s5, $0x3  }
.LBB2_1:
0xe: {  	[tilespmem:s3], [sflag:$0x2] =	stream.linear.gather [hbm4b:s4+s3], $0x5000, $0x38;
	[tilespmem:$0x5580] =	vst v63  }
0xf: {  	_ =	swait.ge [sflag:s8], $0x5000  }
0x10: {  	[sflag:s8] =	ssyncset.done $0x0  }
0x11: {  	[sflag:s8] =	ssyncadd.s32 $0xFFFFB000  }
0x12: {  	[tilespmem:$0x5000] =	vst v0  }
0x13: {  	[tilespmem:$0x5010] =	vst v0  }
0x14: {  	[tilespmem:$0x5020] =	vst v0  }
0x15: {  	[tilespmem:$0x5030] =	vst v0  }
0x16: {  	[tilespmem:$0x5080] =	vst v1  }
0x17: {  	[tilespmem:$0x5090] =	vst v1  }
0x18: {  	[tilespmem:$0x50A0] =	vst v1  }
0x19: {  	[tilespmem:$0x50B0] =	vst v1  }
0x1a: {  	[tilespmem:$0x50C0] =	vst v1  }
0x1b: {  	[tilespmem:$0x50D0] =	vst v1  }
0x1c: {  	[tilespmem:$0x50E0] =	vst v1  }
0x1d: {  	[tilespmem:$0x50F0] =	vst v1  }
0x1e: {  	[tilespmem:$0x5100] =	vst v1  }
0x1f: {  	[tilespmem:$0x5110] =	vst v1  }
0x20: {  	[tilespmem:$0x5120] =	vst v1  }
0x21: {  	[tilespmem:$0x5130] =	vst v1  }
0x22: {  	[tilespmem:$0x5140] =	vst v1  }
0x23: {  	[tilespmem:$0x5150] =	vst v1  }
0x24: {  	[tilespmem:$0x5160] =	vst v1  }
0x25: {  	[tilespmem:$0x5170] =	vst v1  }
0x26: {  	[tilespmem:$0x5180] =	vst v1  }
0x27: {  	[tilespmem:$0x5190] =	vst v1  }
0x28: {  	[tilespmem:$0x51A0] =	vst v1  }
0x29: {  	[tilespmem:$0x51B0] =	vst v1  }
0x2a: {  	[tilespmem:$0x51C0] =	vst v1  }
0x2b: {  	[tilespmem:$0x51D0] =	vst v1  }
0x2c: {  	[tilespmem:$0x51E0] =	vst v1  }
0x2d: {  	[tilespmem:$0x51F0] =	vst v1  }
0x2e: {  	[tilespmem:$0x5200] =	vst v1  }
0x2f: {  	[tilespmem:$0x5210] =	vst v1  }
0x30: {  	[tilespmem:$0x5220] =	vst v1  }
0x31: {  	[tilespmem:$0x5230] =	vst v1  }
0x32: {  	[tilespmem:$0x5240] =	vst v1  }
0x33: {  	[tilespmem:$0x5250] =	vst v1  }
0x34: {  	[tilespmem:$0x5260] =	vst v1  }
0x35: {  	[tilespmem:$0x5270] =	vst v1  }
0x36: {  	[tilespmem:$0x5280] =	vst v1  }
0x37: {  	[tilespmem:$0x5290] =	vst v1  }
0x38: {  	[tilespmem:$0x52A0] =	vst v1  }
0x39: {  	[tilespmem:$0x52B0] =	vst v1  }
0x3a: {  	[tilespmem:$0x52C0] =	vst v1  }
0x3b: {  	[tilespmem:$0x52D0] =	vst v1  }
0x3c: {  	[tilespmem:$0x52E0] =	vst v1  }
0x3d: {  	[tilespmem:$0x52F0] =	vst v1  }
0x3e: {  	[spmem:s5] =	stream.linear.scatter [tilespmem:s9], [sflag:$0x2], $0x280, $0x38;
	[tilespmem:$0x5580] =	vst v63  }
0x3f: {  	_ =	swait.ge [sflag:s8], $0x280  }
0x40: {  	[sflag:s8] =	ssyncset.done $0x0  }
0x41: {  	[sflag:s8] =	ssyncadd.s32 $0xFFFFFD80  }
0x42: {  	s16 =	simm.s32 $0x0;
	[bflag:$0x0] =	sbarrier.arrive $0xFFFF  }
.LBB2_2:
0x43: {  	p0 =	sne.s32 s16, $0x13E00  }
.Ltmp0:
0x44: {  	_ = 	snop;
	(pc) =	sbr.rel @p0 .LBB2_2-.Ltmp0, $3  }
0x45: {  	_ =	sdelay $0x1  }
0x46: {  	s17 =	sshra.s32 s16, $0x2;
	s16 =	sadd.s32 $0x200, s16  }
0x47: {  	[spmem:s1] =	stream.indirect.scatter.add.f32 [tilespmem:s11], [sflag:$0x1], $0x1, s17, s10, $0xb8;
	[tilespmem:$0x5580] =	vst v63  }
0x48: {  	_ =	swait.ge [sflag:s12], $0x40  }
0x49: {  	s16 =	simm.s32 $0x9F;
	[sflag:s12] =	ssyncset.done $0x0  }
.LBB2_4:
0x4a: {  	p0 =	sne.s32 s16, $0x1;
	s16 =	sadd.s32 $0xFFFFFFFF, s16;
	[sflag:s12] =	ssyncadd.s32 $0xFFFFFFC0  }
.Ltmp1:
0x4b: {  	(pc) =	sbr.rel @p0 .LBB2_4-.Ltmp1, $3  }
0x4c: {  	_ =	sdelay $0x1  }
0x4d: {  	_ =	swait.ge [sflag:s12], $0x40  }
0x4e: {  	[sflag:s12] =	ssyncset.done $0x0  }
0x4f: {  	s15 =	sadd.s32 $0x1, s15  }
0x50: {  	[sflag:s12] =	ssyncadd.s32 $0xFFFFFFC0;
	p0 =	sne.s32 s15, s6  }
.Ltmp2:
0x51: {  	[bflag:$0x0] =	sbarrier.arrive $0xFFFF;
	(pc) =	sbr.rel @p0 .LBB2_1-.Ltmp2, $4  }
0x52: {  	[hbm:s7], [sflag:s13] =	dma.local [spmem:s14], $0x50  }
0x53: {  	_ =	swait.ge [sflag:s8], $0x50  }
0x54: {  	[sflag:s8] =	ssyncset.done $0x0  }
0x55: {  	[sflag:s8] =	ssyncadd.s32 $0xFFFFFFB0  }
0x56: {  	_ =	sfence.sel $0x180000  }
0x57: {  	[bflag:$0x0] =	sbarrier.arrive $0xFFFF  }
0x58: {  	p0 =	sne.s32 s2, $0x0;
	_ =	strace $0x90000047  }
0x59: {  	s0 =	sadd.s32 @!p0 $0x100000, s0;
	[bflag:$0x2] =	sbarrier.arrive $0xFFFF  }
0x5a: {  	[sflag:s0] =	ssyncadd.tile.s32 @!p0 $0x1;
	_ =	shalt  }
.Lfunc_end2:
_tile_overlayer_lowered:
.L_overlay_start_2:
0x5b: {  	(tag) =	ssettag $0x2  }
0x5c: {  	s0 =	rddreg [dreg:$0x0];
	s2 =	stileid.u32  }
0x5d: {  	s1 =	rddreg [dreg:$0x1];
	p0 =	sne.s32 s2, $0x0  }
0x5e: {  	s3 =	rddreg [dreg:$0x2];
	[bflag:$0x3] =	sbarrier.arrive $0xFFFF;
	s2 =	simm.s32 @!p0 $0x1C02  }
0x5f: {  	[timem:s3], [sflag:s2] =	dma.local @!p0 [hbm:s0], s1  }
0x60: {  	s0 =	simm.s32 @!p0 $0x2  }
0x61: {  	_ =	swait.ge @!p0 [sflag:s0], s1  }
0x62: {  	s1 =	ssub.s32 @!p0 $0x0, s1;
	[sflag:s0] =	ssyncset.done @!p0 $0x0  }
0x63: {  	[sflag:s0] =	ssyncadd.s32 @!p0 s1  }
0x64: {  	[bflag:$0x3] =	sbarrier.arrive $0xFFFF  }
0x65: {  	_ =	shalt  }

</sc_bundles>
